<compile_context>
chip_gen: v7x
topology: tpu7x:2x2x1
jax: 0.10.2.dev20260603
libtpu: 0.0.44.dev20260713+nightly
codegen_flags: <defaults>
</compile_context>

<pallas_src>
import functools

import jax
import jax.numpy as jnp
from jax import lax
from jax.experimental import pallas as pl
from jax.experimental.pallas import tpu as pltpu
from jax.experimental.pallas import tpu_sc as plsc

NU = 10000
NI = 10000
D = 64
NE = 320000
RANK = 5
RPAD = 16
B = 1024
K = 5
BF = B * K
GB = B + BF
L2_REG = 1e-4

NCORE = 2
NSUB = 16
SUB = 128
EPT = 20480
NE_PAD = EPT * NSUB
ROWS_PT = EPT // SUB
CR = 2
CHUNK = CR * SUB
NCH = ROWS_PT // CR
GPT = GB // NSUB
GROWS = GPT // SUB
ZPT = 632
TAB_ROWS = ZPT * NSUB
ACC_ROWS = TAB_ROWS

@functools.lru_cache(maxsize=1)
def _get_sc_kernel():
    mesh = plsc.VectorSubcoreMesh(
        core_axis_name="c", subcore_axis_name="s",
        num_cores=NCORE, num_subcores=NSUB,
    )
    return pl.kernel(
        _sc_segment_and_gather,
        out_type=(
            jax.ShapeDtypeStruct((NCORE, GB, D), jnp.float32),
            jax.ShapeDtypeStruct((NCORE, GB, RPAD), jnp.float32),
        ),
        mesh=mesh,
        scratch_types=[
            pltpu.VMEM_SHARED((ACC_ROWS, D), jnp.float32),
            pltpu.VMEM_SHARED((TAB_ROWS, D), jnp.float32),
            pltpu.VMEM((CR, SUB), jnp.int32),
            pltpu.VMEM((CR, SUB), jnp.int32),
            pltpu.VMEM((CR, SUB), jnp.int32),
            pltpu.VMEM((CR, SUB), jnp.int32),
            pltpu.VMEM((CHUNK, D), jnp.float32),
            pltpu.VMEM((CHUNK, D), jnp.float32),
            pltpu.VMEM((GROWS, SUB), jnp.int32),
            pltpu.VMEM((GPT, RPAD), jnp.float32),
            pltpu.SemaphoreType.DMA,
            pltpu.SemaphoreType.DMA,
            pltpu.SemaphoreType.DMA,
            pltpu.SemaphoreType.DMA,
            pltpu.SemaphoreType.DMA,
            pltpu.SemaphoreType.DMA,
        ],
        compiler_params=pltpu.CompilerParams(use_tc_tiling_on_sc=False),
    )


def _sc_segment_and_gather(
    item_tab, user_tab, row_idx, col_idx, bidx, svd_u, svd_v, zrows,
    emb_out, svd_out,
    acc, tab_s, gid_a, gid_b, sid_a, sid_b, rows_a, rows_b,
    bi2, sr_v,
    sem_ia, sem_ib, sem_ga, sem_gb, sem_sa, sem_sb,
):
    cid = lax.axis_index("c")
    sid = lax.axis_index("s")

    def run(core, tab_hbm, g_hbm, s_hbm, svd_hbm):
        dz = pltpu.async_copy(zrows, acc.at[pl.ds(sid * ZPT, ZPT)], sem_sa)
        dt = pltpu.async_copy(
            tab_hbm.at[pl.ds(sid * ZPT, ZPT)], tab_s.at[pl.ds(sid * ZPT, ZPT)],
            sem_sb,
        )
        dz.wait()
        dt.wait()
        plsc.subcore_barrier()

        grp0 = sid * NCH

        def fire_idx(c, gv, sv, sem_i):
            pltpu.async_copy(g_hbm.at[grp0 + c], gv, sem_i)
            pltpu.async_copy(s_hbm.at[grp0 + c], sv, sem_i)

        def fire_gather(gv, sv, rowsv, sem_i, sem_g):
            pltpu.make_async_copy(g_hbm.at[0], gv, sem_i).wait()
            pltpu.make_async_copy(g_hbm.at[0], sv, sem_i).wait()
            for j in range(CR):
                pltpu.async_copy(
                    tab_s.at[gv.at[j]], rowsv.at[pl.ds(j * SUB, SUB)], sem_g
                )

        def fire_scatter(sv, rowsv, sem_g, sem_s):
            pltpu.make_async_copy(item_tab.at[pl.ds(0, CHUNK)], rowsv, sem_g).wait()
            for j in range(CR):
                pltpu.async_copy(
                    rowsv.at[pl.ds(j * SUB, SUB)], acc.at[sv.at[j]], sem_s,
                    add=True,
                )

        def wait_scatter(rowsv, sem_s):
            pltpu.make_async_copy(item_tab.at[pl.ds(0, CHUNK)], rowsv, sem_s).wait()

        fire_idx(0, gid_a, sid_a, sem_ia)
        fire_gather(gid_a, sid_a, rows_a, sem_ia, sem_ga)
        fire_idx(1, gid_b, sid_b, sem_ib)

        def pair(h, carry):
            c = 2 * h
            fire_gather(gid_b, sid_b, rows_b, sem_ib, sem_gb)
            fire_scatter(sid_a, rows_a, sem_ga, sem_sa)
            wait_scatter(rows_a, sem_sa)
            fire_idx(c + 2, gid_a, sid_a, sem_ia)
            fire_gather(gid_a, sid_a, rows_a, sem_ia, sem_ga)
            fire_scatter(sid_b, rows_b, sem_gb, sem_sb)
            wait_scatter(rows_b, sem_sb)
            fire_idx(c + 3, gid_b, sid_b, sem_ib)
            return carry

        lax.fori_loop(0, NCH // 2 - 1, pair, 0)
        fire_gather(gid_b, sid_b, rows_b, sem_ib, sem_gb)
        fire_scatter(sid_a, rows_a, sem_ga, sem_sa)
        wait_scatter(rows_a, sem_sa)
        fire_scatter(sid_b, rows_b, sem_gb, sem_sb)
        wait_scatter(rows_b, sem_sb)

        plsc.subcore_barrier()

        pltpu.sync_copy(bidx.at[core, sid], bi2)
        svd_descs = [
            pltpu.async_copy(
                svd_hbm.at[bi2.at[j]], sr_v.at[pl.ds(j * SUB, SUB)], sem_gb
            )
            for j in range(GROWS)
        ]
        da = pltpu.async_copy(acc.at[bi2.at[0]], rows_a.at[pl.ds(0, SUB)], sem_ia)
        db = pltpu.async_copy(acc.at[bi2.at[1]], rows_a.at[pl.ds(SUB, SUB)], sem_ia)
        dc = pltpu.async_copy(acc.at[bi2.at[CR]], rows_b.at[pl.ds(0, SUB)], sem_ib)
        da.wait()
        db.wait()
        dc.wait()
        d1 = pltpu.async_copy(
            rows_a, emb_out.at[core, pl.ds(sid * GPT, CHUNK)], sem_sa
        )
        d2 = pltpu.async_copy(
            rows_b.at[pl.ds(0, SUB)],
            emb_out.at[core, pl.ds(sid * GPT + CHUNK, SUB)],
            sem_sb,
        )
        for d in svd_descs:
            d.wait()
        d3 = pltpu.async_copy(sr_v, svd_out.at[core, pl.ds(sid * GPT, GPT)], sem_ga)
        d1.wait()
        d2.wait()
        d3.wait()

    @pl.when(cid == 0)
    def _zu():
        run(0, item_tab, col_idx, row_idx, svd_u)

    @pl.when(cid == 1)
    def _zi():
        run(1, user_tab, row_idx, col_idx, svd_v)


def _nrm(x):
    n = jnp.sqrt(jnp.sum(x * x, axis=1, keepdims=True))
    return x / jnp.maximum(n, 1e-12)


def _tc1_prep(
    emb_ref, svd_ref, uT, vT, utab, itab, lab,
    scores_ref, rec_ref, embl_ref, tot_ref, gnn_scr, hyp_scr,
):
    zu_b = emb_ref[0, :B, :]
    zu3 = emb_ref[0, B:, :].reshape(B, K, D)
    zi = emb_ref[1, :BF, :]
    zi3 = zi.reshape(B, K, D)
    usvd_b = svd_ref[0, :B, :]
    vsvd_b = svd_ref[1, :BF, :]
    P_u = jnp.dot(uT[...], utab[...], preferred_element_type=jnp.float32)
    P_i = jnp.dot(vT[...], itab[...], preferred_element_type=jnp.float32)
    gnn_u = _nrm(jnp.dot(usvd_b, P_i, preferred_element_type=jnp.float32))
    hyp_u = _nrm(zu_b)
    gnn_scr[...] = _nrm(jnp.dot(vsvd_b, P_u, preferred_element_type=jnp.float32))
    hyp_scr[...] = _nrm(zi)

    pos_u = jnp.exp(jnp.sum(gnn_u * hyp_u, axis=1))
    neg_u = jnp.sum(
        jnp.exp(
            lax.dot_general(
                gnn_u, hyp_u, (((1,), (1,)), ((), ())),
                preferred_element_type=jnp.float32,
            )
        ),
        axis=1,
    )
    loss_u = jnp.mean(-jnp.log(pos_u / (neg_u + 1e-8) + 1e-8))

    scores = jnp.sum(zu3 * zi3, axis=2)
    sm = scores - jnp.max(scores, axis=1, keepdims=True)
    es = jnp.exp(sm)
    probs = es / jnp.sum(es, axis=1, keepdims=True)
    pm = jnp.max(probs, axis=1, keepdims=True)
    lse = pm + jnp.log(jnp.sum(jnp.exp(probs - pm), axis=1, keepdims=True))
    logp = probs - lse

    labv = lab[...]
    lm = jnp.max(labv, axis=1, keepdims=True)
    idxs = lax.broadcasted_iota(jnp.int32, (B, K), 1)
    cand = jnp.where(labv >= lm, idxs, K)
    tgt = jnp.min(cand, axis=1, keepdims=True)
    onehot = (idxs == tgt).astype(jnp.float32)
    rec = -jnp.mean(jnp.sum(logp * onehot, axis=1))

    reg = (jnp.sum(zu_b ** 2) + jnp.sum(zi ** 2)) * 0.5
    embl = reg * (L2_REG / B)

    scores_ref[...] = scores
    rec_ref[...] = jnp.full((1, 1), rec)
    embl_ref[...] = jnp.full((1, 1), embl)
    tot_ref[...] = jnp.full((1, 1), rec + embl + 0.5 * loss_u)


_BLK = 512
_NBLK = BF // _BLK


def _tc_body(
    emb_ref, svd_ref, uT, vT, utab, itab, lab,
    scores_ref, rec_ref, embl_ref, tot_ref, gnn_scr, hyp_scr,
):
    i = pl.program_id(0)

    @pl.when(i == 0)
    def _prep():
        _tc1_prep(
            emb_ref, svd_ref, uT, vT, utab, itab, lab,
            scores_ref, rec_ref, embl_ref, tot_ref, gnn_scr, hyp_scr,
        )

    @pl.when(i > 0)
    def _neg_i_block():
        g = gnn_scr[pl.ds((i - 1) * _BLK, _BLK), :]
        hr = hyp_scr[pl.ds((i - 1) * _BLK, _BLK), :]
        pos = jnp.exp(jnp.sum(g * hr, axis=1))
        neg = jnp.sum(
            jnp.exp(
                lax.dot_general(
                    g, hyp_scr[...], (((1,), (1,)), ((), ())),
                    preferred_element_type=jnp.float32,
                )
            ),
            axis=1,
        )
        s = jnp.sum(-jnp.log(pos / (neg + 1e-8) + 1e-8))
        tot_ref[...] = tot_ref[...] + jnp.full((1, 1), 0.5 * s / BF)


def kernel(user_table, item_table, u_svd, v_svd, users, items, label, ui_row, ui_col):
    users = users.astype(jnp.int32)
    items_flat = items.reshape(-1).astype(jnp.int32)
    ui_row = ui_row.astype(jnp.int32)
    ui_col = ui_col.astype(jnp.int32)

    u_svd_p = jnp.pad(u_svd, ((0, 0), (0, RPAD - RANK)))
    v_svd_p = jnp.pad(v_svd, ((0, 0), (0, RPAD - RANK)))
    item_tab_p = jnp.pad(item_table, ((0, TAB_ROWS - NI), (0, 0)))
    user_tab_p = jnp.pad(user_table, ((0, TAB_ROWS - NU), (0, 0)))

    row_idx = jnp.pad(ui_row, (0, NE_PAD - NE), constant_values=NU).reshape(
        NE_PAD // CHUNK, CR, SUB
    )
    col_idx = jnp.pad(ui_col, (0, NE_PAD - NE), constant_values=NU).reshape(
        NE_PAD // CHUNK, CR, SUB
    )

    users_rep = jnp.repeat(users, K)
    bidx0 = jnp.concatenate([users, users_rep])
    bidx1 = jnp.concatenate([items_flat, items_flat[:B]])
    bidx = jnp.stack([bidx0, bidx1]).reshape(NCORE, NSUB, GROWS, SUB)

    zrows = jnp.zeros((ZPT, D), jnp.float32)

    emb_b, svd_b = _get_sc_kernel()(
        item_tab_p, user_tab_p, row_idx, col_idx, bidx, u_svd_p, v_svd_p, zrows
    )

    def full(shape):
        return pl.BlockSpec(shape, lambda i, _n=len(shape): (0,) * _n)

    scores, rec, embl, tot = pl.pallas_call(
        _tc_body,
        grid=(_NBLK + 1,),
        in_specs=[
            full((NCORE, GB, D)), full((NCORE, GB, RPAD)),
            full((RPAD, NU)), full((RPAD, NI)),
            full((NU, D)), full((NI, D)), full((B, K)),
        ],
        out_specs=[full((B, K)), full((1, 1)), full((1, 1)), full((1, 1))],
        out_shape=(
            jax.ShapeDtypeStruct((B, K), jnp.float32),
            jax.ShapeDtypeStruct((1, 1), jnp.float32),
            jax.ShapeDtypeStruct((1, 1), jnp.float32),
            jax.ShapeDtypeStruct((1, 1), jnp.float32),
        ),
        scratch_shapes=[
            pltpu.VMEM((BF, D), jnp.float32),
            pltpu.VMEM((BF, D), jnp.float32),
        ],
    )(emb_b, svd_b, u_svd_p.T, v_svd_p.T, user_table, item_table, label)

    return (tot[0, 0], scores, rec[0, 0], embl[0, 0])

# --- scband reference (transcript-rebuilt; emitter-appended) ---
"""Pipeline reference for scband-light-gcl-model-80590766342900 (READ-ONLY COPY).

The authoritative reference and input builder live on the scoring server;
editing this copy changes nothing except your own understanding.
"""

import jax, jax.numpy as jnp
import numpy as np

NUM_USERS = 10000
NUM_ITEMS = 10000
EMB_DIM = 64
N_EDGES = 320000
N_LAYERS = 2
SVD_RANK = 5
L2_REG = 1e-4
BATCH = 1024
N_CAND = 5


def _normalize(x, eps=1e-12):
    n = jnp.linalg.norm(x, axis=1, keepdims=True)
    return x / jnp.maximum(n, eps)


def setup_inputs(seed: int = 0):
    key = jax.random.key(seed)
    ks = jax.random.split(key, 9)
    user_table = 0.1 * jax.random.normal(ks[0], (NUM_USERS, EMB_DIM), dtype=jnp.float32)
    item_table = 0.1 * jax.random.normal(ks[1], (NUM_ITEMS, EMB_DIM), dtype=jnp.float32)
    ui_row = jax.random.randint(ks[2], (N_EDGES,), 0, NUM_USERS)
    ui_col = jax.random.randint(ks[3], (N_EDGES,), 0, NUM_ITEMS)
    u_svd = 0.05 * jax.random.normal(ks[4], (NUM_USERS, SVD_RANK), dtype=jnp.float32)
    v_svd = 0.05 * jax.random.normal(ks[5], (NUM_ITEMS, SVD_RANK), dtype=jnp.float32)
    users = jax.random.randint(ks[6], (BATCH,), 0, NUM_USERS)
    items = jax.random.randint(ks[7], (BATCH, N_CAND), 0, NUM_ITEMS)
    label = jax.random.uniform(ks[8], (BATCH, N_CAND), dtype=jnp.float32)
    return {"user_table": user_table, "item_table": item_table, "u_svd": u_svd,
            "v_svd": v_svd, "users": users, "items": items, "label": label,
            "ui_row": ui_row, "ui_col": ui_col}


def reference(user_table, item_table, u_svd, v_svd, users, items, label, ui_row, ui_col):
    # --- compute(): n_layers of sparse propagation (embeddings are NOT updated
    # across layers in the original code, so each layer repeats the same op) ---
    Zu_list, Zi_list, Gu_list, Gi_list = [], [], [], []
    for _ in range(N_LAYERS):
        # torch.sparse.mm(UIGraph, item_emds): gather item rows along edges, scatter-add to users
        Zu = jax.ops.segment_sum(item_table[ui_col], ui_row, num_segments=NUM_USERS)
        # torch.sparse.mm(IUGraph, user_emds)
        Zi = jax.ops.segment_sum(user_table[ui_row], ui_col, num_segments=NUM_ITEMS)
        Zu_list.append(Zu)
        Zi_list.append(Zi)
        # UIGraph_svd = u_topk @ v_topk.T (rank-5); (u v^T) E == u (v^T E) exactly
        Gu = u_svd @ (v_svd.T @ item_table)
        Gi = v_svd @ (u_svd.T @ user_table)
        Gu_list.append(Gu)
        Gi_list.append(Gi)
    Zu_m = jnp.mean(jnp.stack(Zu_list, axis=1), axis=1)
    Zi_m = jnp.mean(jnp.stack(Zi_list, axis=1), axis=1)

    # --- create_cl_loss ---
    items_flat = items.reshape(-1)
    loss_list = []
    for layer in range(N_LAYERS):
        gnn_u = _normalize(Gu_list[layer][users])
        hyper_u = _normalize(Zu_list[layer][users])
        pos_u = jnp.exp(jnp.sum(gnn_u * hyper_u, axis=1))
        neg_u = jnp.sum(jnp.exp(gnn_u @ hyper_u.T), axis=1)
        loss_list.append(jnp.mean(-jnp.log(pos_u / (neg_u + 1e-8) + 1e-8)))
        gnn_i = _normalize(Gi_list[layer][items_flat])
        hyper_i = _normalize(Zi_list[layer][items_flat])
        pos_i = jnp.exp(jnp.sum(gnn_i * hyper_i, axis=1))
        neg_i = jnp.sum(jnp.exp(gnn_i @ hyper_i.T), axis=1)
        loss_list.append(jnp.mean(-jnp.log(pos_i / (neg_i + 1e-8) + 1e-8)))
    loss_cl = jnp.mean(jnp.stack(loss_list))

    # --- gather batch embeddings + create_bpr_loss ---
    users_embs = Zu_m[users]                      # [B, d]
    items_embs = Zi_m[items]                      # [B, K, d]
    scores = jnp.sum(items_embs * users_embs[:, None, :], axis=-1)  # [B, K]
    # original applies F.cross_entropy on top of F.softmax(scores)
    probs = jax.nn.softmax(scores, axis=-1)
    logp = jax.nn.log_softmax(probs, axis=-1)
    target = jnp.argmax(label, axis=1)
    rec_loss = -jnp.mean(jnp.take_along_axis(logp, target[:, None], axis=1))
    regularizer = (jnp.sum(users_embs ** 2) + jnp.sum(items_embs ** 2)) / 2.0
    emb_loss = L2_REG * regularizer / BATCH
    total = rec_loss + emb_loss + loss_cl
    return (total, scores, rec_loss, emb_loss)

if __name__ == "__main__":
    import jax
    _d = setup_inputs()
    print(jax.jit(kernel)(*tuple(_d.values())))

</pallas_src>

<mosaic_0001>
#map = affine_map<(d0, d1) -> (0, 0)>
#map1 = affine_map<(d0, d1) -> (0, 0, 0)>
#map2 = affine_map<(d0, d1) -> (0, 0, 0, 0)>
module attributes {stable_mosaic.version = 14 : i64} {
  func.func @_sc_segment_and_gather(%arg0: i32, %arg1: i32, %arg2: memref<10112x64xf32, #tpu.memory_space<hbm>>, %arg3: memref<10112x64xf32, #tpu.memory_space<hbm>>, %arg4: memref<1280x2x128xi32, #tpu.memory_space<hbm>>, %arg5: memref<1280x2x128xi32, #tpu.memory_space<hbm>>, %arg6: memref<2x16x3x128xi32, #tpu.memory_space<hbm>>, %arg7: memref<10000x16xf32, #tpu.memory_space<hbm>>, %arg8: memref<10000x16xf32, #tpu.memory_space<hbm>>, %arg9: memref<632x64xf32, #tpu.memory_space<hbm>>, %arg10: memref<2x6144x64xf32, #tpu.memory_space<hbm>>, %arg11: memref<2x6144x16xf32, #tpu.memory_space<hbm>>, %arg12: memref<10112x64xf32, #tpu.memory_space<vmem_shared>>, %arg13: memref<10112x64xf32, #tpu.memory_space<vmem_shared>>, %arg14: memref<2x128xi32, #tpu.memory_space<vmem>>, %arg15: memref<2x128xi32, #tpu.memory_space<vmem>>, %arg16: memref<2x128xi32, #tpu.memory_space<vmem>>, %arg17: memref<2x128xi32, #tpu.memory_space<vmem>>, %arg18: memref<256x64xf32, #tpu.memory_space<vmem>>, %arg19: memref<256x64xf32, #tpu.memory_space<vmem>>, %arg20: memref<3x128xi32, #tpu.memory_space<vmem>>, %arg21: memref<384x16xf32, #tpu.memory_space<vmem>>, %arg22: memref<!tpu.dma_semaphore, #tpu.memory_space<semaphore_mem>>, %arg23: memref<!tpu.dma_semaphore, #tpu.memory_space<semaphore_mem>>, %arg24: memref<!tpu.dma_semaphore, #tpu.memory_space<semaphore_mem>>, %arg25: memref<!tpu.dma_semaphore, #tpu.memory_space<semaphore_mem>>, %arg26: memref<!tpu.dma_semaphore, #tpu.memory_space<semaphore_mem>>, %arg27: memref<!tpu.dma_semaphore, #tpu.memory_space<semaphore_mem>>) attributes {dimension_semantics = [#tpu.dimension_semantics<core_parallel>, #tpu.dimension_semantics<subcore_parallel>], iteration_bounds = array<i64: 2, 16>, scalar_prefetch = 0 : i64, scratch_operands = 16 : i64, tpu.core_type = #tpu.core_type<sc_vector_subcore>, window_params = [{transform_indices = #map}, {transform_indices = #map}, {transform_indices = #map1}, {transform_indices = #map1}, {transform_indices = #map2}, {transform_indices = #map}, {transform_indices = #map}, {transform_indices = #map}, {transform_indices = #map1}, {transform_indices = #map1}]} {
    %eq3A = arith.constant 0 : i32
    %eq3A_0 = arith.cmpi eq, %arg0, %eq3A : i32
    %convert_element_type3A = arith.extui %eq3A_0 : i1 to i32
    %cond3A = arith.constant 0 : i32
    %cond3A_1 = arith.cmpi ne, %convert_element_type3A, %cond3A : i32
    scf.if %cond3A_1 {
      %mul3A = arith.constant 632 : i32
      %mul3A_7 = arith.muli %arg1, %mul3A : i32
      %dma_start3A = arith.constant 0 : i32
      %dma_start3A_8 = tpu.memref_slice %arg12[%mul3A_7, %dma_start3A] : memref<10112x64xf32, #tpu.memory_space<vmem_shared>> -> memref<632x64xf32, #tpu.memory_space<vmem_shared>>
      tpu.enqueue_dma source(%arg9 : memref<632x64xf32, #tpu.memory_space<hbm>>) target(%dma_start3A_8 : memref<632x64xf32, #tpu.memory_space<vmem_shared>>) target_semaphore(%arg26 : memref<!tpu.dma_semaphore, #tpu.memory_space<semaphore_mem>>)
      %mul3A_9 = arith.constant 632 : i32
      %mul3A_10 = arith.muli %arg1, %mul3A_9 : i32
      %mul3A_11 = arith.constant 632 : i32
      %mul3A_12 = arith.muli %arg1, %mul3A_11 : i32
      %dma_start3A_13 = arith.constant 0 : i32
      %dma_start3A_14 = tpu.memref_slice %arg13[%mul3A_12, %dma_start3A_13] : memref<10112x64xf32, #tpu.memory_space<vmem_shared>> -> memref<632x64xf32, #tpu.memory_space<vmem_shared>>
      %dma_start3A_15 = arith.constant 0 : i32
      %dma_start3A_16 = tpu.memref_slice %arg2[%mul3A_10, %dma_start3A_15] : memref<10112x64xf32, #tpu.memory_space<hbm>> -> memref<632x64xf32, #tpu.memory_space<hbm>>
      tpu.enqueue_dma source(%dma_start3A_16 : memref<632x64xf32, #tpu.memory_space<hbm>>) target(%dma_start3A_14 : memref<632x64xf32, #tpu.memory_space<vmem_shared>>) target_semaphore(%arg27 : memref<!tpu.dma_semaphore, #tpu.memory_space<semaphore_mem>>)
      %dma_wait3A = arith.constant 0 : i32
      %dma_wait3A_17 = tpu.memref_slice %arg12[%mul3A_7, %dma_wait3A] : memref<10112x64xf32, #tpu.memory_space<vmem_shared>> -> memref<632x64xf32, #tpu.memory_space<vmem_shared>>
      tpu.wait_dma2 semaphore(%arg26 : memref<!tpu.dma_semaphore, #tpu.memory_space<semaphore_mem>>) src(%arg9 : memref<632x64xf32, #tpu.memory_space<hbm>>) dst(%dma_wait3A_17 : memref<632x64xf32, #tpu.memory_space<vmem_shared>>)
      %dma_wait3A_18 = arith.constant 0 : i32
      %dma_wait3A_19 = tpu.memref_slice %arg13[%mul3A_12, %dma_wait3A_18] : memref<10112x64xf32, #tpu.memory_space<vmem_shared>> -> memref<632x64xf32, #tpu.memory_space<vmem_shared>>
      %dma_wait3A_20 = arith.constant 0 : i32
      %dma_wait3A_21 = tpu.memref_slice %arg2[%mul3A_10, %dma_wait3A_20] : memref<10112x64xf32, #tpu.memory_space<hbm>> -> memref<632x64xf32, #tpu.memory_space<hbm>>
      tpu.wait_dma2 semaphore(%arg27 : memref<!tpu.dma_semaphore, #tpu.memory_space<semaphore_mem>>) src(%dma_wait3A_21 : memref<632x64xf32, #tpu.memory_space<hbm>>) dst(%dma_wait3A_19 : memref<632x64xf32, #tpu.memory_space<vmem_shared>>)
      %barrier3A = arith.constant 0 : index
      tpu.barrier barrier_id(%barrier3A)
      %mul3A_22 = arith.constant 80 : i32
      %mul3A_23 = arith.muli %arg1, %mul3A_22 : i32
      %add3A = arith.constant 0 : i32
      %add3A_24 = arith.addi %mul3A_23, %add3A : i32
      %dma_start3A_25 = arith.constant 0 : i32
      %dma_start3A_26 = arith.constant 0 : i32
      %dma_start3A_27 = tpu.memref_slice %arg5[%add3A_24, %dma_start3A_25, %dma_start3A_26] : memref<1280x2x128xi32, #tpu.memory_space<hbm>> -> memref<1x2x128xi32, #tpu.memory_space<hbm>>
      %dma_start3A_28 = tpu.memref_squeeze %dma_start3A_27 : memref<1x2x128xi32, #tpu.memory_space<hbm>> -> memref<2x128xi32, #tpu.memory_space<hbm>>
      %dma_start3A_29 = arith.constant 0 : i32
      %dma_start3A_30 = arith.constant 0 : i32
      %dma_start3A_31 = tpu.memref_slice %arg5[%add3A_24, %dma_start3A_29, %dma_start3A_30] : memref<1280x2x128xi32, #tpu.memory_space<hbm>> -> memref<1x2x128xi32, #tpu.memory_space<hbm>>
      %dma_start3A_32 = tpu.memref_squeeze %dma_start3A_31 : memref<1x2x128xi32, #tpu.memory_space<hbm>> -> memref<2x128xi32, #tpu.memory_space<hbm>>
      tpu.enqueue_dma source(%dma_start3A_32 : memref<2x128xi32, #tpu.memory_space<hbm>>) target(%arg14 : memref<2x128xi32, #tpu.memory_space<vmem>>) target_semaphore(%arg22 : memref<!tpu.dma_semaphore, #tpu.memory_space<semaphore_mem>>)
      %add3A_33 = arith.constant 0 : i32
      %add3A_34 = arith.addi %mul3A_23, %add3A_33 : i32
      %dma_start3A_35 = arith.constant 0 : i32
      %dma_start3A_36 = arith.constant 0 : i32
      %dma_start3A_37 = tpu.memref_slice %arg4[%add3A_34, %dma_start3A_35, %dma_start3A_36] : memref<1280x2x128xi32, #tpu.memory_space<hbm>> -> memref<1x2x128xi32, #tpu.memory_space<hbm>>
      %dma_start3A_38 = tpu.memref_squeeze %dma_start3A_37 : memref<1x2x128xi32, #tpu.memory_space<hbm>> -> memref<2x128xi32, #tpu.memory_space<hbm>>
      %dma_start3A_39 = arith.constant 0 : i32
      %dma_start3A_40 = arith.constant 0 : i32
      %dma_start3A_41 = tpu.memref_slice %arg4[%add3A_34, %dma_start3A_39, %dma_start3A_40] : memref<1280x2x128xi32, #tpu.memory_space<hbm>> -> memref<1x2x128xi32, #tpu.memory_space<hbm>>
      %dma_start3A_42 = tpu.memref_squeeze %dma_start3A_41 : memref<1x2x128xi32, #tpu.memory_space<hbm>> -> memref<2x128xi32, #tpu.memory_space<hbm>>
      tpu.enqueue_dma source(%dma_start3A_42 : memref<2x128xi32, #tpu.memory_space<hbm>>) target(%arg16 : memref<2x128xi32, #tpu.memory_space<vmem>>) target_semaphore(%arg22 : memref<!tpu.dma_semaphore, #tpu.memory_space<semaphore_mem>>)
      %dma_wait3A_43 = arith.constant 0 : i32
      %dma_wait3A_44 = arith.constant 0 : i32
      %dma_wait3A_45 = arith.constant 0 : i32
      %dma_wait3A_46 = tpu.memref_slice %arg5[%dma_wait3A_43, %dma_wait3A_44, %dma_wait3A_45] : memref<1280x2x128xi32, #tpu.memory_space<hbm>> -> memref<1x2x128xi32, #tpu.memory_space<hbm>>
      %dma_wait3A_47 = tpu.memref_squeeze %dma_wait3A_46 : memref<1x2x128xi32, #tpu.memory_space<hbm>> -> memref<2x128xi32, #tpu.memory_space<hbm>>
      %dma_wait3A_48 = arith.constant 0 : i32
      %dma_wait3A_49 = arith.constant 0 : i32
      %dma_wait3A_50 = tpu.memref_slice %arg5[%dma_wait3A_43, %dma_wait3A_48, %dma_wait3A_49] : memref<1280x2x128xi32, #tpu.memory_space<hbm>> -> memref<1x2x128xi32, #tpu.memory_space<hbm>>
      %dma_wait3A_51 = tpu.memref_squeeze %dma_wait3A_50 : memref<1x2x128xi32, #tpu.memory_space<hbm>> -> memref<2x128xi32, #tpu.memory_space<hbm>>
      tpu.wait_dma2 semaphore(%arg22 : memref<!tpu.dma_semaphore, #tpu.memory_space<semaphore_mem>>) src(%dma_wait3A_51 : memref<2x128xi32, #tpu.memory_space<hbm>>) dst(%arg14 : memref<2x128xi32, #tpu.memory_space<vmem>>)
      %dma_wait3A_52 = arith.constant 0 : i32
      %dma_wait3A_53 = arith.constant 0 : i32
      %dma_wait3A_54 = arith.constant 0 : i32
      %dma_wait3A_55 = tpu.memref_slice %arg5[%dma_wait3A_52, %dma_wait3A_53, %dma_wait3A_54] : memref<1280x2x128xi32, #tpu.memory_space<hbm>> -> memref<1x2x128xi32, #tpu.memory_space<hbm>>
      %dma_wait3A_56 = tpu.memref_squeeze %dma_wait3A_55 : memref<1x2x128xi32, #tpu.memory_space<hbm>> -> memref<2x128xi32, #tpu.memory_space<hbm>>
      %dma_wait3A_57 = arith.constant 0 : i32
      %dma_wait3A_58 = arith.constant 0 : i32
      %dma_wait3A_59 = tpu.memref_slice %arg5[%dma_wait3A_52, %dma_wait3A_57, %dma_wait3A_58] : memref<1280x2x128xi32, #tpu.memory_space<hbm>> -> memref<1x2x128xi32, #tpu.memory_space<hbm>>
      %dma_wait3A_60 = tpu.memref_squeeze %dma_wait3A_59 : memref<1x2x128xi32, #tpu.memory_space<hbm>> -> memref<2x128xi32, #tpu.memory_space<hbm>>
      tpu.wait_dma2 semaphore(%arg22 : memref<!tpu.dma_semaphore, #tpu.memory_space<semaphore_mem>>) src(%dma_wait3A_60 : memref<2x128xi32, #tpu.memory_space<hbm>>) dst(%arg16 : memref<2x128xi32, #tpu.memory_space<vmem>>)
      %dma_start3A_61 = arith.constant 0 : i32
      %dma_start3A_62 = arith.constant 0 : i32
      %dma_start3A_63 = arith.constant 0 : i32
      %dma_start3A_64 = tpu.memref_slice %arg18[%dma_start3A_62, %dma_start3A_63] : memref<256x64xf32, #tpu.memory_space<vmem>> -> memref<128x64xf32, #tpu.memory_space<vmem>>
      %dma_start3A_65 = arith.constant 0 : i32
      %dma_start3A_66 = tpu.memref_slice %arg14[%dma_start3A_61, %dma_start3A_65] : memref<2x128xi32, #tpu.memory_space<vmem>> -> memref<1x128xi32, #tpu.memory_space<vmem>>
      %dma_start3A_67 = tpu.memref_squeeze %dma_start3A_66 : memref<1x128xi32, #tpu.memory_space<vmem>> -> memref<128xi32, #tpu.memory_space<vmem>>
      %dma_start3A_68 = arith.constant 0 : i32
      %dma_start3A_69 = arith.constant 0 : i32
      %dma_start3A_70 = tpu.memref_slice %arg13[%dma_start3A_68, %dma_start3A_69] : memref<10112x64xf32, #tpu.memory_space<vmem_shared>> -> memref<10112x64xf32, #tpu.memory_space<vmem_shared>>
      tpu.enqueue_indirect_dma source(%dma_start3A_70 : memref<10112x64xf32, #tpu.memory_space<vmem_shared>>) target(%dma_start3A_64 : memref<128x64xf32, #tpu.memory_space<vmem>>) offsets(%dma_start3A_67 : memref<128xi32, #tpu.memory_space<vmem>>) semaphore(%arg24 : memref<!tpu.dma_semaphore, #tpu.memory_space<semaphore_mem>>)
      %dma_start3A_71 = arith.constant 1 : i32
      %dma_start3A_72 = arith.constant 128 : i32
      %dma_start3A_73 = arith.constant 0 : i32
      %dma_start3A_74 = tpu.memref_slice %arg18[%dma_start3A_72, %dma_start3A_73] : memref<256x64xf32, #tpu.memory_space<vmem>> -> memref<128x64xf32, #tpu.memory_space<vmem>>
      %dma_start3A_75 = arith.constant 0 : i32
      %dma_start3A_76 = tpu.memref_slice %arg14[%dma_start3A_71, %dma_start3A_75] : memref<2x128xi32, #tpu.memory_space<vmem>> -> memref<1x128xi32, #tpu.memory_space<vmem>>
      %dma_start3A_77 = tpu.memref_squeeze %dma_start3A_76 : memref<1x128xi32, #tpu.memory_space<vmem>> -> memref<128xi32, #tpu.memory_space<vmem>>
      %dma_start3A_78 = arith.constant 0 : i32
      %dma_start3A_79 = arith.constant 0 : i32
      %dma_start3A_80 = tpu.memref_slice %arg13[%dma_start3A_78, %dma_start3A_79] : memref<10112x64xf32, #tpu.memory_space<vmem_shared>> -> memref<10112x64xf32, #tpu.memory_space<vmem_shared>>
      tpu.enqueue_indirect_dma source(%dma_start3A_80 : memref<10112x64xf32, #tpu.memory_space<vmem_shared>>) target(%dma_start3A_74 : memref<128x64xf32, #tpu.memory_space<vmem>>) offsets(%dma_start3A_77 : memref<128xi32, #tpu.memory_space<vmem>>) semaphore(%arg24 : memref<!tpu.dma_semaphore, #tpu.memory_space<semaphore_mem>>)
      %add3A_81 = arith.constant 1 : i32
      %add3A_82 = arith.addi %mul3A_23, %add3A_81 : i32
      %dma_start3A_83 = arith.constant 0 : i32
      %dma_start3A_84 = arith.constant 0 : i32
      %dma_start3A_85 = tpu.memref_slice %arg5[%add3A_82, %dma_start3A_83, %dma_start3A_84] : memref<1280x2x128xi32, #tpu.memory_space<hbm>> -> memref<1x2x128xi32, #tpu.memory_space<hbm>>
      %dma_start3A_86 = tpu.memref_squeeze %dma_start3A_85 : memref<1x2x128xi32, #tpu.memory_space<hbm>> -> memref<2x128xi32, #tpu.memory_space<hbm>>
      %dma_start3A_87 = arith.constant 0 : i32
      %dma_start3A_88 = arith.constant 0 : i32
      %dma_start3A_89 = tpu.memref_slice %arg5[%add3A_82, %dma_start3A_87, %dma_start3A_88] : memref<1280x2x128xi32, #tpu.memory_space<hbm>> -> memref<1x2x128xi32, #tpu.memory_space<hbm>>
      %dma_start3A_90 = tpu.memref_squeeze %dma_start3A_89 : memref<1x2x128xi32, #tpu.memory_space<hbm>> -> memref<2x128xi32, #tpu.memory_space<hbm>>
      tpu.enqueue_dma source(%dma_start3A_90 : memref<2x128xi32, #tpu.memory_space<hbm>>) target(%arg15 : memref<2x128xi32, #tpu.memory_space<vmem>>) target_semaphore(%arg23 : memref<!tpu.dma_semaphore, #tpu.memory_space<semaphore_mem>>)
      %add3A_91 = arith.constant 1 : i32
      %add3A_92 = arith.addi %mul3A_23, %add3A_91 : i32
      %dma_start3A_93 = arith.constant 0 : i32
      %dma_start3A_94 = arith.constant 0 : i32
      %dma_start3A_95 = tpu.memref_slice %arg4[%add3A_92, %dma_start3A_93, %dma_start3A_94] : memref<1280x2x128xi32, #tpu.memory_space<hbm>> -> memref<1x2x128xi32, #tpu.memory_space<hbm>>
      %dma_start3A_96 = tpu.memref_squeeze %dma_start3A_95 : memref<1x2x128xi32, #tpu.memory_space<hbm>> -> memref<2x128xi32, #tpu.memory_space<hbm>>
      %dma_start3A_97 = arith.constant 0 : i32
      %dma_start3A_98 = arith.constant 0 : i32
      %dma_start3A_99 = tpu.memref_slice %arg4[%add3A_92, %dma_start3A_97, %dma_start3A_98] : memref<1280x2x128xi32, #tpu.memory_space<hbm>> -> memref<1x2x128xi32, #tpu.memory_space<hbm>>
      %dma_start3A_100 = tpu.memref_squeeze %dma_start3A_99 : memref<1x2x128xi32, #tpu.memory_space<hbm>> -> memref<2x128xi32, #tpu.memory_space<hbm>>
      tpu.enqueue_dma source(%dma_start3A_100 : memref<2x128xi32, #tpu.memory_space<hbm>>) target(%arg17 : memref<2x128xi32, #tpu.memory_space<vmem>>) target_semaphore(%arg23 : memref<!tpu.dma_semaphore, #tpu.memory_space<semaphore_mem>>)
      %scan3A = arith.constant 0 : i32
      %scan3A_101 = arith.constant 0 : i32
      %scan3A_102 = arith.constant 39 : i32
      %scan3A_103 = arith.addi %scan3A_101, %scan3A_102 : i32
      %scan3A_104 = arith.constant 1 : i32
      scf.for %scan3A_391 = %scan3A_101 to %scan3A_103 step %scan3A_104  : i32 {
        %mul3A_392 = arith.constant 2 : i32
        %mul3A_393 = arith.muli %mul3A_392, %scan3A_391 : i32
        %dma_wait3A_394 = arith.constant 0 : i32
        %dma_wait3A_395 = arith.constant 0 : i32
        %dma_wait3A_396 = arith.constant 0 : i32
        %dma_wait3A_397 = tpu.memref_slice %arg5[%dma_wait3A_394, %dma_wait3A_395, %dma_wait3A_396] : memref<1280x2x128xi32, #tpu.memory_space<hbm>> -> memref<1x2x128xi32, #tpu.memory_space<hbm>>
        %dma_wait3A_398 = tpu.memref_squeeze %dma_wait3A_397 : memref<1x2x128xi32, #tpu.memory_space<hbm>> -> memref<2x128xi32, #tpu.memory_space<hbm>>
        %dma_wait3A_399 = arith.constant 0 : i32
        %dma_wait3A_400 = arith.constant 0 : i32
        %dma_wait3A_401 = tpu.memref_slice %arg5[%dma_wait3A_394, %dma_wait3A_399, %dma_wait3A_400] : memref<1280x2x128xi32, #tpu.memory_space<hbm>> -> memref<1x2x128xi32, #tpu.memory_space<hbm>>
        %dma_wait3A_402 = tpu.memref_squeeze %dma_wait3A_401 : memref<1x2x128xi32, #tpu.memory_space<hbm>> -> memref<2x128xi32, #tpu.memory_space<hbm>>
        tpu.wait_dma2 semaphore(%arg23 : memref<!tpu.dma_semaphore, #tpu.memory_space<semaphore_mem>>) src(%dma_wait3A_402 : memref<2x128xi32, #tpu.memory_space<hbm>>) dst(%arg15 : memref<2x128xi32, #tpu.memory_space<vmem>>)
        %dma_wait3A_403 = arith.constant 0 : i32
        %dma_wait3A_404 = arith.constant 0 : i32
        %dma_wait3A_405 = arith.constant 0 : i32
        %dma_wait3A_406 = tpu.memref_slice %arg5[%dma_wait3A_403, %dma_wait3A_404, %dma_wait3A_405] : memref<1280x2x128xi32, #tpu.memory_space<hbm>> -> memref<1x2x128xi32, #tpu.memory_space<hbm>>
        %dma_wait3A_407 = tpu.memref_squeeze %dma_wait3A_406 : memref<1x2x128xi32, #tpu.memory_space<hbm>> -> memref<2x128xi32, #tpu.memory_space<hbm>>
        %dma_wait3A_408 = arith.constant 0 : i32
        %dma_wait3A_409 = arith.constant 0 : i32
        %dma_wait3A_410 = tpu.memref_slice %arg5[%dma_wait3A_403, %dma_wait3A_408, %dma_wait3A_409] : memref<1280x2x128xi32, #tpu.memory_space<hbm>> -> memref<1x2x128xi32, #tpu.memory_space<hbm>>
        %dma_wait3A_411 = tpu.memref_squeeze %dma_wait3A_410 : memref<1x2x128xi32, #tpu.memory_space<hbm>> -> memref<2x128xi32, #tpu.memory_space<hbm>>
        tpu.wait_dma2 semaphore(%arg23 : memref<!tpu.dma_semaphore, #tpu.memory_space<semaphore_mem>>) src(%dma_wait3A_411 : memref<2x128xi32, #tpu.memory_space<hbm>>) dst(%arg17 : memref<2x128xi32, #tpu.memory_space<vmem>>)
        %dma_start3A_412 = arith.constant 0 : i32
        %dma_start3A_413 = arith.constant 0 : i32
        %dma_start3A_414 = arith.constant 0 : i32
        %dma_start3A_415 = tpu.memref_slice %arg19[%dma_start3A_413, %dma_start3A_414] : memref<256x64xf32, #tpu.memory_space<vmem>> -> memref<128x64xf32, #tpu.memory_space<vmem>>
        %dma_start3A_416 = arith.constant 0 : i32
        %dma_start3A_417 = tpu.memref_slice %arg15[%dma_start3A_412, %dma_start3A_416] : memref<2x128xi32, #tpu.memory_space<vmem>> -> memref<1x128xi32, #tpu.memory_space<vmem>>
        %dma_start3A_418 = tpu.memref_squeeze %dma_start3A_417 : memref<1x128xi32, #tpu.memory_space<vmem>> -> memref<128xi32, #tpu.memory_space<vmem>>
        %dma_start3A_419 = arith.constant 0 : i32
        %dma_start3A_420 = arith.constant 0 : i32
        %dma_start3A_421 = tpu.memref_slice %arg13[%dma_start3A_419, %dma_start3A_420] : memref<10112x64xf32, #tpu.memory_space<vmem_shared>> -> memref<10112x64xf32, #tpu.memory_space<vmem_shared>>
        tpu.enqueue_indirect_dma source(%dma_start3A_421 : memref<10112x64xf32, #tpu.memory_space<vmem_shared>>) target(%dma_start3A_415 : memref<128x64xf32, #tpu.memory_space<vmem>>) offsets(%dma_start3A_418 : memref<128xi32, #tpu.memory_space<vmem>>) semaphore(%arg25 : memref<!tpu.dma_semaphore, #tpu.memory_space<semaphore_mem>>)
        %dma_start3A_422 = arith.constant 1 : i32
        %dma_start3A_423 = arith.constant 128 : i32
        %dma_start3A_424 = arith.constant 0 : i32
        %dma_start3A_425 = tpu.memref_slice %arg19[%dma_start3A_423, %dma_start3A_424] : memref<256x64xf32, #tpu.memory_space<vmem>> -> memref<128x64xf32, #tpu.memory_space<vmem>>
        %dma_start3A_426 = arith.constant 0 : i32
        %dma_start3A_427 = tpu.memref_slice %arg15[%dma_start3A_422, %dma_start3A_426] : memref<2x128xi32, #tpu.memory_space<vmem>> -> memref<1x128xi32, #tpu.memory_space<vmem>>
        %dma_start3A_428 = tpu.memref_squeeze %dma_start3A_427 : memref<1x128xi32, #tpu.memory_space<vmem>> -> memref<128xi32, #tpu.memory_space<vmem>>
        %dma_start3A_429 = arith.constant 0 : i32
        %dma_start3A_430 = arith.constant 0 : i32
        %dma_start3A_431 = tpu.memref_slice %arg13[%dma_start3A_429, %dma_start3A_430] : memref<10112x64xf32, #tpu.memory_space<vmem_shared>> -> memref<10112x64xf32, #tpu.memory_space<vmem_shared>>
        tpu.enqueue_indirect_dma source(%dma_start3A_431 : memref<10112x64xf32, #tpu.memory_space<vmem_shared>>) target(%dma_start3A_425 : memref<128x64xf32, #tpu.memory_space<vmem>>) offsets(%dma_start3A_428 : memref<128xi32, #tpu.memory_space<vmem>>) semaphore(%arg25 : memref<!tpu.dma_semaphore, #tpu.memory_space<semaphore_mem>>)
        %dma_wait3A_432 = arith.constant 0 : i32
        %dma_wait3A_433 = arith.constant 0 : i32
        %dma_wait3A_434 = tpu.memref_slice %arg2[%dma_wait3A_432, %dma_wait3A_433] : memref<10112x64xf32, #tpu.memory_space<hbm>> -> memref<256x64xf32, #tpu.memory_space<hbm>>
        %dma_wait3A_435 = arith.constant 0 : i32
        %dma_wait3A_436 = arith.constant 0 : i32
        %dma_wait3A_437 = tpu.memref_slice %arg2[%dma_wait3A_435, %dma_wait3A_436] : memref<10112x64xf32, #tpu.memory_space<hbm>> -> memref<256x64xf32, #tpu.memory_space<hbm>>
        tpu.wait_dma2 semaphore(%arg24 : memref<!tpu.dma_semaphore, #tpu.memory_space<semaphore_mem>>) src(%dma_wait3A_437 : memref<256x64xf32, #tpu.memory_space<hbm>>) dst(%arg18 : memref<256x64xf32, #tpu.memory_space<vmem>>)
        %dma_start3A_438 = arith.constant 0 : i32
        %dma_start3A_439 = arith.constant 0 : i32
        %dma_start3A_440 = arith.constant 0 : i32
        %dma_start3A_441 = tpu.memref_slice %arg18[%dma_start3A_439, %dma_start3A_440] : memref<256x64xf32, #tpu.memory_space<vmem>> -> memref<128x64xf32, #tpu.memory_space<vmem>>
        %dma_start3A_442 = arith.constant 0 : i32
        %dma_start3A_443 = tpu.memref_slice %arg16[%dma_start3A_438, %dma_start3A_442] : memref<2x128xi32, #tpu.memory_space<vmem>> -> memref<1x128xi32, #tpu.memory_space<vmem>>
        %dma_start3A_444 = tpu.memref_squeeze %dma_start3A_443 : memref<1x128xi32, #tpu.memory_space<vmem>> -> memref<128xi32, #tpu.memory_space<vmem>>
        %dma_start3A_445 = arith.constant 0 : i32
        %dma_start3A_446 = arith.constant 0 : i32
        %dma_start3A_447 = tpu.memref_slice %arg12[%dma_start3A_445, %dma_start3A_446] : memref<10112x64xf32, #tpu.memory_space<vmem_shared>> -> memref<10112x64xf32, #tpu.memory_space<vmem_shared>>
        tpu.enqueue_indirect_dma source(%dma_start3A_441 : memref<128x64xf32, #tpu.memory_space<vmem>>) target(%dma_start3A_447 : memref<10112x64xf32, #tpu.memory_space<vmem_shared>>) offsets(%dma_start3A_444 : memref<128xi32, #tpu.memory_space<vmem>>) semaphore(%arg26 : memref<!tpu.dma_semaphore, #tpu.memory_space<semaphore_mem>>) {add = true}
        %dma_start3A_448 = arith.constant 1 : i32
        %dma_start3A_449 = arith.constant 128 : i32
        %dma_start3A_450 = arith.constant 0 : i32
        %dma_start3A_451 = tpu.memref_slice %arg18[%dma_start3A_449, %dma_start3A_450] : memref<256x64xf32, #tpu.memory_space<vmem>> -> memref<128x64xf32, #tpu.memory_space<vmem>>
        %dma_start3A_452 = arith.constant 0 : i32
        %dma_start3A_453 = tpu.memref_slice %arg16[%dma_start3A_448, %dma_start3A_452] : memref<2x128xi32, #tpu.memory_space<vmem>> -> memref<1x128xi32, #tpu.memory_space<vmem>>
        %dma_start3A_454 = tpu.memref_squeeze %dma_start3A_453 : memref<1x128xi32, #tpu.memory_space<vmem>> -> memref<128xi32, #tpu.memory_space<vmem>>
        %dma_start3A_455 = arith.constant 0 : i32
        %dma_start3A_456 = arith.constant 0 : i32
        %dma_start3A_457 = tpu.memref_slice %arg12[%dma_start3A_455, %dma_start3A_456] : memref<10112x64xf32, #tpu.memory_space<vmem_shared>> -> memref<10112x64xf32, #tpu.memory_space<vmem_shared>>
        tpu.enqueue_indirect_dma source(%dma_start3A_451 : memref<128x64xf32, #tpu.memory_space<vmem>>) target(%dma_start3A_457 : memref<10112x64xf32, #tpu.memory_space<vmem_shared>>) offsets(%dma_start3A_454 : memref<128xi32, #tpu.memory_space<vmem>>) semaphore(%arg26 : memref<!tpu.dma_semaphore, #tpu.memory_space<semaphore_mem>>) {add = true}
        %dma_wait3A_458 = arith.constant 0 : i32
        %dma_wait3A_459 = arith.constant 0 : i32
        %dma_wait3A_460 = tpu.memref_slice %arg2[%dma_wait3A_458, %dma_wait3A_459] : memref<10112x64xf32, #tpu.memory_space<hbm>> -> memref<256x64xf32, #tpu.memory_space<hbm>>
        %dma_wait3A_461 = arith.constant 0 : i32
        %dma_wait3A_462 = arith.constant 0 : i32
        %dma_wait3A_463 = tpu.memref_slice %arg2[%dma_wait3A_461, %dma_wait3A_462] : memref<10112x64xf32, #tpu.memory_space<hbm>> -> memref<256x64xf32, #tpu.memory_space<hbm>>
        tpu.wait_dma2 semaphore(%arg26 : memref<!tpu.dma_semaphore, #tpu.memory_space<semaphore_mem>>) src(%dma_wait3A_463 : memref<256x64xf32, #tpu.memory_space<hbm>>) dst(%arg18 : memref<256x64xf32, #tpu.memory_space<vmem>>)
        %add3A_464 = arith.constant 2 : i32
        %add3A_465 = arith.addi %mul3A_393, %add3A_464 : i32
        %add3A_466 = arith.addi %mul3A_23, %add3A_465 : i32
        %dma_start3A_467 = arith.constant 0 : i32
        %dma_start3A_468 = arith.constant 0 : i32
        %dma_start3A_469 = tpu.memref_slice %arg5[%add3A_466, %dma_start3A_467, %dma_start3A_468] : memref<1280x2x128xi32, #tpu.memory_space<hbm>> -> memref<1x2x128xi32, #tpu.memory_space<hbm>>
        %dma_start3A_470 = tpu.memref_squeeze %dma_start3A_469 : memref<1x2x128xi32, #tpu.memory_space<hbm>> -> memref<2x128xi32, #tpu.memory_space<hbm>>
        %dma_start3A_471 = arith.constant 0 : i32
        %dma_start3A_472 = arith.constant 0 : i32
        %dma_start3A_473 = tpu.memref_slice %arg5[%add3A_466, %dma_start3A_471, %dma_start3A_472] : memref<1280x2x128xi32, #tpu.memory_space<hbm>> -> memref<1x2x128xi32, #tpu.memory_space<hbm>>
        %dma_start3A_474 = tpu.memref_squeeze %dma_start3A_473 : memref<1x2x128xi32, #tpu.memory_space<hbm>> -> memref<2x128xi32, #tpu.memory_space<hbm>>
        tpu.enqueue_dma source(%dma_start3A_474 : memref<2x128xi32, #tpu.memory_space<hbm>>) target(%arg14 : memref<2x128xi32, #tpu.memory_space<vmem>>) target_semaphore(%arg22 : memref<!tpu.dma_semaphore, #tpu.memory_space<semaphore_mem>>)
        %add3A_475 = arith.addi %mul3A_23, %add3A_465 : i32
        %dma_start3A_476 = arith.constant 0 : i32
        %dma_start3A_477 = arith.constant 0 : i32
        %dma_start3A_478 = tpu.memref_slice %arg4[%add3A_475, %dma_start3A_476, %dma_start3A_477] : memref<1280x2x128xi32, #tpu.memory_space<hbm>> -> memref<1x2x128xi32, #tpu.memory_space<hbm>>
        %dma_start3A_479 = tpu.memref_squeeze %dma_start3A_478 : memref<1x2x128xi32, #tpu.memory_space<hbm>> -> memref<2x128xi32, #tpu.memory_space<hbm>>
        %dma_start3A_480 = arith.constant 0 : i32
        %dma_start3A_481 = arith.constant 0 : i32
        %dma_start3A_482 = tpu.memref_slice %arg4[%add3A_475, %dma_start3A_480, %dma_start3A_481] : memref<1280x2x128xi32, #tpu.memory_space<hbm>> -> memref<1x2x128xi32, #tpu.memory_space<hbm>>
        %dma_start3A_483 = tpu.memref_squeeze %dma_start3A_482 : memref<1x2x128xi32, #tpu.memory_space<hbm>> -> memref<2x128xi32, #tpu.memory_space<hbm>>
        tpu.enqueue_dma source(%dma_start3A_483 : memref<2x128xi32, #tpu.memory_space<hbm>>) target(%arg16 : memref<2x128xi32, #tpu.memory_space<vmem>>) target_semaphore(%arg22 : memref<!tpu.dma_semaphore, #tpu.memory_space<semaphore_mem>>)
        %dma_wait3A_484 = arith.constant 0 : i32
        %dma_wait3A_485 = arith.constant 0 : i32
        %dma_wait3A_486 = arith.constant 0 : i32
        %dma_wait3A_487 = tpu.memref_slice %arg5[%dma_wait3A_484, %dma_wait3A_485, %dma_wait3A_486] : memref<1280x2x128xi32, #tpu.memory_space<hbm>> -> memref<1x2x128xi32, #tpu.memory_space<hbm>>
        %dma_wait3A_488 = tpu.memref_squeeze %dma_wait3A_487 : memref<1x2x128xi32, #tpu.memory_space<hbm>> -> memref<2x128xi32, #tpu.memory_space<hbm>>
        %dma_wait3A_489 = arith.constant 0 : i32
        %dma_wait3A_490 = arith.constant 0 : i32
        %dma_wait3A_491 = tpu.memref_slice %arg5[%dma_wait3A_484, %dma_wait3A_489, %dma_wait3A_490] : memref<1280x2x128xi32, #tpu.memory_space<hbm>> -> memref<1x2x128xi32, #tpu.memory_space<hbm>>
        %dma_wait3A_492 = tpu.memref_squeeze %dma_wait3A_491 : memref<1x2x128xi32, #tpu.memory_space<hbm>> -> memref<2x128xi32, #tpu.memory_space<hbm>>
        tpu.wait_dma2 semaphore(%arg22 : memref<!tpu.dma_semaphore, #tpu.memory_space<semaphore_mem>>) src(%dma_wait3A_492 : memref<2x128xi32, #tpu.memory_space<hbm>>) dst(%arg14 : memref<2x128xi32, #tpu.memory_space<vmem>>)
        %dma_wait3A_493 = arith.constant 0 : i32
        %dma_wait3A_494 = arith.constant 0 : i32
        %dma_wait3A_495 = arith.constant 0 : i32
        %dma_wait3A_496 = tpu.memref_slice %arg5[%dma_wait3A_493, %dma_wait3A_494, %dma_wait3A_495] : memref<1280x2x128xi32, #tpu.memory_space<hbm>> -> memref<1x2x128xi32, #tpu.memory_space<hbm>>
        %dma_wait3A_497 = tpu.memref_squeeze %dma_wait3A_496 : memref<1x2x128xi32, #tpu.memory_space<hbm>> -> memref<2x128xi32, #tpu.memory_space<hbm>>
        %dma_wait3A_498 = arith.constant 0 : i32
        %dma_wait3A_499 = arith.constant 0 : i32
        %dma_wait3A_500 = tpu.memref_slice %arg5[%dma_wait3A_493, %dma_wait3A_498, %dma_wait3A_499] : memref<1280x2x128xi32, #tpu.memory_space<hbm>> -> memref<1x2x128xi32, #tpu.memory_space<hbm>>
        %dma_wait3A_501 = tpu.memref_squeeze %dma_wait3A_500 : memref<1x2x128xi32, #tpu.memory_space<hbm>> -> memref<2x128xi32, #tpu.memory_space<hbm>>
        tpu.wait_dma2 semaphore(%arg22 : memref<!tpu.dma_semaphore, #tpu.memory_space<semaphore_mem>>) src(%dma_wait3A_501 : memref<2x128xi32, #tpu.memory_space<hbm>>) dst(%arg16 : memref<2x128xi32, #tpu.memory_space<vmem>>)
        %dma_start3A_502 = arith.constant 0 : i32
        %dma_start3A_503 = arith.constant 0 : i32
        %dma_start3A_504 = arith.constant 0 : i32
        %dma_start3A_505 = tpu.memref_slice %arg18[%dma_start3A_503, %dma_start3A_504] : memref<256x64xf32, #tpu.memory_space<vmem>> -> memref<128x64xf32, #tpu.memory_space<vmem>>
        %dma_start3A_506 = arith.constant 0 : i32
        %dma_start3A_507 = tpu.memref_slice %arg14[%dma_start3A_502, %dma_start3A_506] : memref<2x128xi32, #tpu.memory_space<vmem>> -> memref<1x128xi32, #tpu.memory_space<vmem>>
        %dma_start3A_508 = tpu.memref_squeeze %dma_start3A_507 : memref<1x128xi32, #tpu.memory_space<vmem>> -> memref<128xi32, #tpu.memory_space<vmem>>
        %dma_start3A_509 = arith.constant 0 : i32
        %dma_start3A_510 = arith.constant 0 : i32
        %dma_start3A_511 = tpu.memref_slice %arg13[%dma_start3A_509, %dma_start3A_510] : memref<10112x64xf32, #tpu.memory_space<vmem_shared>> -> memref<10112x64xf32, #tpu.memory_space<vmem_shared>>
        tpu.enqueue_indirect_dma source(%dma_start3A_511 : memref<10112x64xf32, #tpu.memory_space<vmem_shared>>) target(%dma_start3A_505 : memref<128x64xf32, #tpu.memory_space<vmem>>) offsets(%dma_start3A_508 : memref<128xi32, #tpu.memory_space<vmem>>) semaphore(%arg24 : memref<!tpu.dma_semaphore, #tpu.memory_space<semaphore_mem>>)
        %dma_start3A_512 = arith.constant 1 : i32
        %dma_start3A_513 = arith.constant 128 : i32
        %dma_start3A_514 = arith.constant 0 : i32
        %dma_start3A_515 = tpu.memref_slice %arg18[%dma_start3A_513, %dma_start3A_514] : memref<256x64xf32, #tpu.memory_space<vmem>> -> memref<128x64xf32, #tpu.memory_space<vmem>>
        %dma_start3A_516 = arith.constant 0 : i32
        %dma_start3A_517 = tpu.memref_slice %arg14[%dma_start3A_512, %dma_start3A_516] : memref<2x128xi32, #tpu.memory_space<vmem>> -> memref<1x128xi32, #tpu.memory_space<vmem>>
        %dma_start3A_518 = tpu.memref_squeeze %dma_start3A_517 : memref<1x128xi32, #tpu.memory_space<vmem>> -> memref<128xi32, #tpu.memory_space<vmem>>
        %dma_start3A_519 = arith.constant 0 : i32
        %dma_start3A_520 = arith.constant 0 : i32
        %dma_start3A_521 = tpu.memref_slice %arg13[%dma_start3A_519, %dma_start3A_520] : memref<10112x64xf32, #tpu.memory_space<vmem_shared>> -> memref<10112x64xf32, #tpu.memory_space<vmem_shared>>
        tpu.enqueue_indirect_dma source(%dma_start3A_521 : memref<10112x64xf32, #tpu.memory_space<vmem_shared>>) target(%dma_start3A_515 : memref<128x64xf32, #tpu.memory_space<vmem>>) offsets(%dma_start3A_518 : memref<128xi32, #tpu.memory_space<vmem>>) semaphore(%arg24 : memref<!tpu.dma_semaphore, #tpu.memory_space<semaphore_mem>>)
        %dma_wait3A_522 = arith.constant 0 : i32
        %dma_wait3A_523 = arith.constant 0 : i32
        %dma_wait3A_524 = tpu.memref_slice %arg2[%dma_wait3A_522, %dma_wait3A_523] : memref<10112x64xf32, #tpu.memory_space<hbm>> -> memref<256x64xf32, #tpu.memory_space<hbm>>
        %dma_wait3A_525 = arith.constant 0 : i32
        %dma_wait3A_526 = arith.constant 0 : i32
        %dma_wait3A_527 = tpu.memref_slice %arg2[%dma_wait3A_525, %dma_wait3A_526] : memref<10112x64xf32, #tpu.memory_space<hbm>> -> memref<256x64xf32, #tpu.memory_space<hbm>>
        tpu.wait_dma2 semaphore(%arg25 : memref<!tpu.dma_semaphore, #tpu.memory_space<semaphore_mem>>) src(%dma_wait3A_527 : memref<256x64xf32, #tpu.memory_space<hbm>>) dst(%arg19 : memref<256x64xf32, #tpu.memory_space<vmem>>)
        %dma_start3A_528 = arith.constant 0 : i32
        %dma_start3A_529 = arith.constant 0 : i32
        %dma_start3A_530 = arith.constant 0 : i32
        %dma_start3A_531 = tpu.memref_slice %arg19[%dma_start3A_529, %dma_start3A_530] : memref<256x64xf32, #tpu.memory_space<vmem>> -> memref<128x64xf32, #tpu.memory_space<vmem>>
        %dma_start3A_532 = arith.constant 0 : i32
        %dma_start3A_533 = tpu.memref_slice %arg17[%dma_start3A_528, %dma_start3A_532] : memref<2x128xi32, #tpu.memory_space<vmem>> -> memref<1x128xi32, #tpu.memory_space<vmem>>
        %dma_start3A_534 = tpu.memref_squeeze %dma_start3A_533 : memref<1x128xi32, #tpu.memory_space<vmem>> -> memref<128xi32, #tpu.memory_space<vmem>>
        %dma_start3A_535 = arith.constant 0 : i32
        %dma_start3A_536 = arith.constant 0 : i32
        %dma_start3A_537 = tpu.memref_slice %arg12[%dma_start3A_535, %dma_start3A_536] : memref<10112x64xf32, #tpu.memory_space<vmem_shared>> -> memref<10112x64xf32, #tpu.memory_space<vmem_shared>>
        tpu.enqueue_indirect_dma source(%dma_start3A_531 : memref<128x64xf32, #tpu.memory_space<vmem>>) target(%dma_start3A_537 : memref<10112x64xf32, #tpu.memory_space<vmem_shared>>) offsets(%dma_start3A_534 : memref<128xi32, #tpu.memory_space<vmem>>) semaphore(%arg27 : memref<!tpu.dma_semaphore, #tpu.memory_space<semaphore_mem>>) {add = true}
        %dma_start3A_538 = arith.constant 1 : i32
        %dma_start3A_539 = arith.constant 128 : i32
        %dma_start3A_540 = arith.constant 0 : i32
        %dma_start3A_541 = tpu.memref_slice %arg19[%dma_start3A_539, %dma_start3A_540] : memref<256x64xf32, #tpu.memory_space<vmem>> -> memref<128x64xf32, #tpu.memory_space<vmem>>
        %dma_start3A_542 = arith.constant 0 : i32
        %dma_start3A_543 = tpu.memref_slice %arg17[%dma_start3A_538, %dma_start3A_542] : memref<2x128xi32, #tpu.memory_space<vmem>> -> memref<1x128xi32, #tpu.memory_space<vmem>>
        %dma_start3A_544 = tpu.memref_squeeze %dma_start3A_543 : memref<1x128xi32, #tpu.memory_space<vmem>> -> memref<128xi32, #tpu.memory_space<vmem>>
        %dma_start3A_545 = arith.constant 0 : i32
        %dma_start3A_546 = arith.constant 0 : i32
        %dma_start3A_547 = tpu.memref_slice %arg12[%dma_start3A_545, %dma_start3A_546] : memref<10112x64xf32, #tpu.memory_space<vmem_shared>> -> memref<10112x64xf32, #tpu.memory_space<vmem_shared>>
        tpu.enqueue_indirect_dma source(%dma_start3A_541 : memref<128x64xf32, #tpu.memory_space<vmem>>) target(%dma_start3A_547 : memref<10112x64xf32, #tpu.memory_space<vmem_shared>>) offsets(%dma_start3A_544 : memref<128xi32, #tpu.memory_space<vmem>>) semaphore(%arg27 : memref<!tpu.dma_semaphore, #tpu.memory_space<semaphore_mem>>) {add = true}
        %dma_wait3A_548 = arith.constant 0 : i32
        %dma_wait3A_549 = arith.constant 0 : i32
        %dma_wait3A_550 = tpu.memref_slice %arg2[%dma_wait3A_548, %dma_wait3A_549] : memref<10112x64xf32, #tpu.memory_space<hbm>> -> memref<256x64xf32, #tpu.memory_space<hbm>>
        %dma_wait3A_551 = arith.constant 0 : i32
        %dma_wait3A_552 = arith.constant 0 : i32
        %dma_wait3A_553 = tpu.memref_slice %arg2[%dma_wait3A_551, %dma_wait3A_552] : memref<10112x64xf32, #tpu.memory_space<hbm>> -> memref<256x64xf32, #tpu.memory_space<hbm>>
        tpu.wait_dma2 semaphore(%arg27 : memref<!tpu.dma_semaphore, #tpu.memory_space<semaphore_mem>>) src(%dma_wait3A_553 : memref<256x64xf32, #tpu.memory_space<hbm>>) dst(%arg19 : memref<256x64xf32, #tpu.memory_space<vmem>>)
        %add3A_554 = arith.constant 3 : i32
        %add3A_555 = arith.addi %mul3A_393, %add3A_554 : i32
        %add3A_556 = arith.addi %mul3A_23, %add3A_555 : i32
        %dma_start3A_557 = arith.constant 0 : i32
        %dma_start3A_558 = arith.constant 0 : i32
        %dma_start3A_559 = tpu.memref_slice %arg5[%add3A_556, %dma_start3A_557, %dma_start3A_558] : memref<1280x2x128xi32, #tpu.memory_space<hbm>> -> memref<1x2x128xi32, #tpu.memory_space<hbm>>
        %dma_start3A_560 = tpu.memref_squeeze %dma_start3A_559 : memref<1x2x128xi32, #tpu.memory_space<hbm>> -> memref<2x128xi32, #tpu.memory_space<hbm>>
        %dma_start3A_561 = arith.constant 0 : i32
        %dma_start3A_562 = arith.constant 0 : i32
        %dma_start3A_563 = tpu.memref_slice %arg5[%add3A_556, %dma_start3A_561, %dma_start3A_562] : memref<1280x2x128xi32, #tpu.memory_space<hbm>> -> memref<1x2x128xi32, #tpu.memory_space<hbm>>
        %dma_start3A_564 = tpu.memref_squeeze %dma_start3A_563 : memref<1x2x128xi32, #tpu.memory_space<hbm>> -> memref<2x128xi32, #tpu.memory_space<hbm>>
        tpu.enqueue_dma source(%dma_start3A_564 : memref<2x128xi32, #tpu.memory_space<hbm>>) target(%arg15 : memref<2x128xi32, #tpu.memory_space<vmem>>) target_semaphore(%arg23 : memref<!tpu.dma_semaphore, #tpu.memory_space<semaphore_mem>>)
        %add3A_565 = arith.addi %mul3A_23, %add3A_555 : i32
        %dma_start3A_566 = arith.constant 0 : i32
        %dma_start3A_567 = arith.constant 0 : i32
        %dma_start3A_568 = tpu.memref_slice %arg4[%add3A_565, %dma_start3A_566, %dma_start3A_567] : memref<1280x2x128xi32, #tpu.memory_space<hbm>> -> memref<1x2x128xi32, #tpu.memory_space<hbm>>
        %dma_start3A_569 = tpu.memref_squeeze %dma_start3A_568 : memref<1x2x128xi32, #tpu.memory_space<hbm>> -> memref<2x128xi32, #tpu.memory_space<hbm>>
        %dma_start3A_570 = arith.constant 0 : i32
        %dma_start3A_571 = arith.constant 0 : i32
        %dma_start3A_572 = tpu.memref_slice %arg4[%add3A_565, %dma_start3A_570, %dma_start3A_571] : memref<1280x2x128xi32, #tpu.memory_space<hbm>> -> memref<1x2x128xi32, #tpu.memory_space<hbm>>
        %dma_start3A_573 = tpu.memref_squeeze %dma_start3A_572 : memref<1x2x128xi32, #tpu.memory_space<hbm>> -> memref<2x128xi32, #tpu.memory_space<hbm>>
        tpu.enqueue_dma source(%dma_start3A_573 : memref<2x128xi32, #tpu.memory_space<hbm>>) target(%arg17 : memref<2x128xi32, #tpu.memory_space<vmem>>) target_semaphore(%arg23 : memref<!tpu.dma_semaphore, #tpu.memory_space<semaphore_mem>>)
      }
      %scan3A_105 = arith.constant 39 : i32
      %dma_wait3A_106 = arith.constant 0 : i32
      %dma_wait3A_107 = arith.constant 0 : i32
      %dma_wait3A_108 = arith.constant 0 : i32
      %dma_wait3A_109 = tpu.memref_slice %arg5[%dma_wait3A_106, %dma_wait3A_107, %dma_wait3A_108] : memref<1280x2x128xi32, #tpu.memory_space<hbm>> -> memref<1x2x128xi32, #tpu.memory_space<hbm>>
      %dma_wait3A_110 = tpu.memref_squeeze %dma_wait3A_109 : memref<1x2x128xi32, #tpu.memory_space<hbm>> -> memref<2x128xi32, #tpu.memory_space<hbm>>
      %dma_wait3A_111 = arith.constant 0 : i32
      %dma_wait3A_112 = arith.constant 0 : i32
      %dma_wait3A_113 = tpu.memref_slice %arg5[%dma_wait3A_106, %dma_wait3A_111, %dma_wait3A_112] : memref<1280x2x128xi32, #tpu.memory_space<hbm>> -> memref<1x2x128xi32, #tpu.memory_space<hbm>>
      %dma_wait3A_114 = tpu.memref_squeeze %dma_wait3A_113 : memref<1x2x128xi32, #tpu.memory_space<hbm>> -> memref<2x128xi32, #tpu.memory_space<hbm>>
      tpu.wait_dma2 semaphore(%arg23 : memref<!tpu.dma_semaphore, #tpu.memory_space<semaphore_mem>>) src(%dma_wait3A_114 : memref<2x128xi32, #tpu.memory_space<hbm>>) dst(%arg15 : memref<2x128xi32, #tpu.memory_space<vmem>>)
      %dma_wait3A_115 = arith.constant 0 : i32
      %dma_wait3A_116 = arith.constant 0 : i32
      %dma_wait3A_117 = arith.constant 0 : i32
      %dma_wait3A_118 = tpu.memref_slice %arg5[%dma_wait3A_115, %dma_wait3A_116, %dma_wait3A_117] : memref<1280x2x128xi32, #tpu.memory_space<hbm>> -> memref<1x2x128xi32, #tpu.memory_space<hbm>>
      %dma_wait3A_119 = tpu.memref_squeeze %dma_wait3A_118 : memref<1x2x128xi32, #tpu.memory_space<hbm>> -> memref<2x128xi32, #tpu.memory_space<hbm>>
      %dma_wait3A_120 = arith.constant 0 : i32
      %dma_wait3A_121 = arith.constant 0 : i32
      %dma_wait3A_122 = tpu.memref_slice %arg5[%dma_wait3A_115, %dma_wait3A_120, %dma_wait3A_121] : memref<1280x2x128xi32, #tpu.memory_space<hbm>> -> memref<1x2x128xi32, #tpu.memory_space<hbm>>
      %dma_wait3A_123 = tpu.memref_squeeze %dma_wait3A_122 : memref<1x2x128xi32, #tpu.memory_space<hbm>> -> memref<2x128xi32, #tpu.memory_space<hbm>>
      tpu.wait_dma2 semaphore(%arg23 : memref<!tpu.dma_semaphore, #tpu.memory_space<semaphore_mem>>) src(%dma_wait3A_123 : memref<2x128xi32, #tpu.memory_space<hbm>>) dst(%arg17 : memref<2x128xi32, #tpu.memory_space<vmem>>)
      %dma_start3A_124 = arith.constant 0 : i32
      %dma_start3A_125 = arith.constant 0 : i32
      %dma_start3A_126 = arith.constant 0 : i32
      %dma_start3A_127 = tpu.memref_slice %arg19[%dma_start3A_125, %dma_start3A_126] : memref<256x64xf32, #tpu.memory_space<vmem>> -> memref<128x64xf32, #tpu.memory_space<vmem>>
      %dma_start3A_128 = arith.constant 0 : i32
      %dma_start3A_129 = tpu.memref_slice %arg15[%dma_start3A_124, %dma_start3A_128] : memref<2x128xi32, #tpu.memory_space<vmem>> -> memref<1x128xi32, #tpu.memory_space<vmem>>
      %dma_start3A_130 = tpu.memref_squeeze %dma_start3A_129 : memref<1x128xi32, #tpu.memory_space<vmem>> -> memref<128xi32, #tpu.memory_space<vmem>>
      %dma_start3A_131 = arith.constant 0 : i32
      %dma_start3A_132 = arith.constant 0 : i32
      %dma_start3A_133 = tpu.memref_slice %arg13[%dma_start3A_131, %dma_start3A_132] : memref<10112x64xf32, #tpu.memory_space<vmem_shared>> -> memref<10112x64xf32, #tpu.memory_space<vmem_shared>>
      tpu.enqueue_indirect_dma source(%dma_start3A_133 : memref<10112x64xf32, #tpu.memory_space<vmem_shared>>) target(%dma_start3A_127 : memref<128x64xf32, #tpu.memory_space<vmem>>) offsets(%dma_start3A_130 : memref<128xi32, #tpu.memory_space<vmem>>) semaphore(%arg25 : memref<!tpu.dma_semaphore, #tpu.memory_space<semaphore_mem>>)
      %dma_start3A_134 = arith.constant 1 : i32
      %dma_start3A_135 = arith.constant 128 : i32
      %dma_start3A_136 = arith.constant 0 : i32
      %dma_start3A_137 = tpu.memref_slice %arg19[%dma_start3A_135, %dma_start3A_136] : memref<256x64xf32, #tpu.memory_space<vmem>> -> memref<128x64xf32, #tpu.memory_space<vmem>>
      %dma_start3A_138 = arith.constant 0 : i32
      %dma_start3A_139 = tpu.memref_slice %arg15[%dma_start3A_134, %dma_start3A_138] : memref<2x128xi32, #tpu.memory_space<vmem>> -> memref<1x128xi32, #tpu.memory_space<vmem>>
      %dma_start3A_140 = tpu.memref_squeeze %dma_start3A_139 : memref<1x128xi32, #tpu.memory_space<vmem>> -> memref<128xi32, #tpu.memory_space<vmem>>
      %dma_start3A_141 = arith.constant 0 : i32
      %dma_start3A_142 = arith.constant 0 : i32
      %dma_start3A_143 = tpu.memref_slice %arg13[%dma_start3A_141, %dma_start3A_142] : memref<10112x64xf32, #tpu.memory_space<vmem_shared>> -> memref<10112x64xf32, #tpu.memory_space<vmem_shared>>
      tpu.enqueue_indirect_dma source(%dma_start3A_143 : memref<10112x64xf32, #tpu.memory_space<vmem_shared>>) target(%dma_start3A_137 : memref<128x64xf32, #tpu.memory_space<vmem>>) offsets(%dma_start3A_140 : memref<128xi32, #tpu.memory_space<vmem>>) semaphore(%arg25 : memref<!tpu.dma_semaphore, #tpu.memory_space<semaphore_mem>>)
      %dma_wait3A_144 = arith.constant 0 : i32
      %dma_wait3A_145 = arith.constant 0 : i32
      %dma_wait3A_146 = tpu.memref_slice %arg2[%dma_wait3A_144, %dma_wait3A_145] : memref<10112x64xf32, #tpu.memory_space<hbm>> -> memref<256x64xf32, #tpu.memory_space<hbm>>
      %dma_wait3A_147 = arith.constant 0 : i32
      %dma_wait3A_148 = arith.constant 0 : i32
      %dma_wait3A_149 = tpu.memref_slice %arg2[%dma_wait3A_147, %dma_wait3A_148] : memref<10112x64xf32, #tpu.memory_space<hbm>> -> memref<256x64xf32, #tpu.memory_space<hbm>>
      tpu.wait_dma2 semaphore(%arg24 : memref<!tpu.dma_semaphore, #tpu.memory_space<semaphore_mem>>) src(%dma_wait3A_149 : memref<256x64xf32, #tpu.memory_space<hbm>>) dst(%arg18 : memref<256x64xf32, #tpu.memory_space<vmem>>)
      %dma_start3A_150 = arith.constant 0 : i32
      %dma_start3A_151 = arith.constant 0 : i32
      %dma_start3A_152 = arith.constant 0 : i32
      %dma_start3A_153 = tpu.memref_slice %arg18[%dma_start3A_151, %dma_start3A_152] : memref<256x64xf32, #tpu.memory_space<vmem>> -> memref<128x64xf32, #tpu.memory_space<vmem>>
      %dma_start3A_154 = arith.constant 0 : i32
      %dma_start3A_155 = tpu.memref_slice %arg16[%dma_start3A_150, %dma_start3A_154] : memref<2x128xi32, #tpu.memory_space<vmem>> -> memref<1x128xi32, #tpu.memory_space<vmem>>
      %dma_start3A_156 = tpu.memref_squeeze %dma_start3A_155 : memref<1x128xi32, #tpu.memory_space<vmem>> -> memref<128xi32, #tpu.memory_space<vmem>>
      %dma_start3A_157 = arith.constant 0 : i32
      %dma_start3A_158 = arith.constant 0 : i32
      %dma_start3A_159 = tpu.memref_slice %arg12[%dma_start3A_157, %dma_start3A_158] : memref<10112x64xf32, #tpu.memory_space<vmem_shared>> -> memref<10112x64xf32, #tpu.memory_space<vmem_shared>>
      tpu.enqueue_indirect_dma source(%dma_start3A_153 : memref<128x64xf32, #tpu.memory_space<vmem>>) target(%dma_start3A_159 : memref<10112x64xf32, #tpu.memory_space<vmem_shared>>) offsets(%dma_start3A_156 : memref<128xi32, #tpu.memory_space<vmem>>) semaphore(%arg26 : memref<!tpu.dma_semaphore, #tpu.memory_space<semaphore_mem>>) {add = true}
      %dma_start3A_160 = arith.constant 1 : i32
      %dma_start3A_161 = arith.constant 128 : i32
      %dma_start3A_162 = arith.constant 0 : i32
      %dma_start3A_163 = tpu.memref_slice %arg18[%dma_start3A_161, %dma_start3A_162] : memref<256x64xf32, #tpu.memory_space<vmem>> -> memref<128x64xf32, #tpu.memory_space<vmem>>
      %dma_start3A_164 = arith.constant 0 : i32
      %dma_start3A_165 = tpu.memref_slice %arg16[%dma_start3A_160, %dma_start3A_164] : memref<2x128xi32, #tpu.memory_space<vmem>> -> memref<1x128xi32, #tpu.memory_space<vmem>>
      %dma_start3A_166 = tpu.memref_squeeze %dma_start3A_165 : memref<1x128xi32, #tpu.memory_space<vmem>> -> memref<128xi32, #tpu.memory_space<vmem>>
      %dma_start3A_167 = arith.constant 0 : i32
      %dma_start3A_168 = arith.constant 0 : i32
      %dma_start3A_169 = tpu.memref_slice %arg12[%dma_start3A_167, %dma_start3A_168] : memref<10112x64xf32, #tpu.memory_space<vmem_shared>> -> memref<10112x64xf32, #tpu.memory_space<vmem_shared>>
      tpu.enqueue_indirect_dma source(%dma_start3A_163 : memref<128x64xf32, #tpu.memory_space<vmem>>) target(%dma_start3A_169 : memref<10112x64xf32, #tpu.memory_space<vmem_shared>>) offsets(%dma_start3A_166 : memref<128xi32, #tpu.memory_space<vmem>>) semaphore(%arg26 : memref<!tpu.dma_semaphore, #tpu.memory_space<semaphore_mem>>) {add = true}
      %dma_wait3A_170 = arith.constant 0 : i32
      %dma_wait3A_171 = arith.constant 0 : i32
      %dma_wait3A_172 = tpu.memref_slice %arg2[%dma_wait3A_170, %dma_wait3A_171] : memref<10112x64xf32, #tpu.memory_space<hbm>> -> memref<256x64xf32, #tpu.memory_space<hbm>>
      %dma_wait3A_173 = arith.constant 0 : i32
      %dma_wait3A_174 = arith.constant 0 : i32
      %dma_wait3A_175 = tpu.memref_slice %arg2[%dma_wait3A_173, %dma_wait3A_174] : memref<10112x64xf32, #tpu.memory_space<hbm>> -> memref<256x64xf32, #tpu.memory_space<hbm>>
      tpu.wait_dma2 semaphore(%arg26 : memref<!tpu.dma_semaphore, #tpu.memory_space<semaphore_mem>>) src(%dma_wait3A_175 : memref<256x64xf32, #tpu.memory_space<hbm>>) dst(%arg18 : memref<256x64xf32, #tpu.memory_space<vmem>>)
      %dma_wait3A_176 = arith.constant 0 : i32
      %dma_wait3A_177 = arith.constant 0 : i32
      %dma_wait3A_178 = tpu.memref_slice %arg2[%dma_wait3A_176, %dma_wait3A_177] : memref<10112x64xf32, #tpu.memory_space<hbm>> -> memref<256x64xf32, #tpu.memory_space<hbm>>
      %dma_wait3A_179 = arith.constant 0 : i32
      %dma_wait3A_180 = arith.constant 0 : i32
      %dma_wait3A_181 = tpu.memref_slice %arg2[%dma_wait3A_179, %dma_wait3A_180] : memref<10112x64xf32, #tpu.memory_space<hbm>> -> memref<256x64xf32, #tpu.memory_space<hbm>>
      tpu.wait_dma2 semaphore(%arg25 : memref<!tpu.dma_semaphore, #tpu.memory_space<semaphore_mem>>) src(%dma_wait3A_181 : memref<256x64xf32, #tpu.memory_space<hbm>>) dst(%arg19 : memref<256x64xf32, #tpu.memory_space<vmem>>)
      %dma_start3A_182 = arith.constant 0 : i32
      %dma_start3A_183 = arith.constant 0 : i32
      %dma_start3A_184 = arith.constant 0 : i32
      %dma_start3A_185 = tpu.memref_slice %arg19[%dma_start3A_183, %dma_start3A_184] : memref<256x64xf32, #tpu.memory_space<vmem>> -> memref<128x64xf32, #tpu.memory_space<vmem>>
      %dma_start3A_186 = arith.constant 0 : i32
      %dma_start3A_187 = tpu.memref_slice %arg17[%dma_start3A_182, %dma_start3A_186] : memref<2x128xi32, #tpu.memory_space<vmem>> -> memref<1x128xi32, #tpu.memory_space<vmem>>
      %dma_start3A_188 = tpu.memref_squeeze %dma_start3A_187 : memref<1x128xi32, #tpu.memory_space<vmem>> -> memref<128xi32, #tpu.memory_space<vmem>>
      %dma_start3A_189 = arith.constant 0 : i32
      %dma_start3A_190 = arith.constant 0 : i32
      %dma_start3A_191 = tpu.memref_slice %arg12[%dma_start3A_189, %dma_start3A_190] : memref<10112x64xf32, #tpu.memory_space<vmem_shared>> -> memref<10112x64xf32, #tpu.memory_space<vmem_shared>>
      tpu.enqueue_indirect_dma source(%dma_start3A_185 : memref<128x64xf32, #tpu.memory_space<vmem>>) target(%dma_start3A_191 : memref<10112x64xf32, #tpu.memory_space<vmem_shared>>) offsets(%dma_start3A_188 : memref<128xi32, #tpu.memory_space<vmem>>) semaphore(%arg27 : memref<!tpu.dma_semaphore, #tpu.memory_space<semaphore_mem>>) {add = true}
      %dma_start3A_192 = arith.constant 1 : i32
      %dma_start3A_193 = arith.constant 128 : i32
      %dma_start3A_194 = arith.constant 0 : i32
      %dma_start3A_195 = tpu.memref_slice %arg19[%dma_start3A_193, %dma_start3A_194] : memref<256x64xf32, #tpu.memory_space<vmem>> -> memref<128x64xf32, #tpu.memory_space<vmem>>
      %dma_start3A_196 = arith.constant 0 : i32
      %dma_start3A_197 = tpu.memref_slice %arg17[%dma_start3A_192, %dma_start3A_196] : memref<2x128xi32, #tpu.memory_space<vmem>> -> memref<1x128xi32, #tpu.memory_space<vmem>>
      %dma_start3A_198 = tpu.memref_squeeze %dma_start3A_197 : memref<1x128xi32, #tpu.memory_space<vmem>> -> memref<128xi32, #tpu.memory_space<vmem>>
      %dma_start3A_199 = arith.constant 0 : i32
      %dma_start3A_200 = arith.constant 0 : i32
      %dma_start3A_201 = tpu.memref_slice %arg12[%dma_start3A_199, %dma_start3A_200] : memref<10112x64xf32, #tpu.memory_space<vmem_shared>> -> memref<10112x64xf32, #tpu.memory_space<vmem_shared>>
      tpu.enqueue_indirect_dma source(%dma_start3A_195 : memref<128x64xf32, #tpu.memory_space<vmem>>) target(%dma_start3A_201 : memref<10112x64xf32, #tpu.memory_space<vmem_shared>>) offsets(%dma_start3A_198 : memref<128xi32, #tpu.memory_space<vmem>>) semaphore(%arg27 : memref<!tpu.dma_semaphore, #tpu.memory_space<semaphore_mem>>) {add = true}
      %dma_wait3A_202 = arith.constant 0 : i32
      %dma_wait3A_203 = arith.constant 0 : i32
      %dma_wait3A_204 = tpu.memref_slice %arg2[%dma_wait3A_202, %dma_wait3A_203] : memref<10112x64xf32, #tpu.memory_space<hbm>> -> memref<256x64xf32, #tpu.memory_space<hbm>>
      %dma_wait3A_205 = arith.constant 0 : i32
      %dma_wait3A_206 = arith.constant 0 : i32
      %dma_wait3A_207 = tpu.memref_slice %arg2[%dma_wait3A_205, %dma_wait3A_206] : memref<10112x64xf32, #tpu.memory_space<hbm>> -> memref<256x64xf32, #tpu.memory_space<hbm>>
      tpu.wait_dma2 semaphore(%arg27 : memref<!tpu.dma_semaphore, #tpu.memory_space<semaphore_mem>>) src(%dma_wait3A_207 : memref<256x64xf32, #tpu.memory_space<hbm>>) dst(%arg19 : memref<256x64xf32, #tpu.memory_space<vmem>>)
      %barrier3A_208 = arith.constant 0 : index
      tpu.barrier barrier_id(%barrier3A_208)
      %run_scoped3A = arith.constant 0 : i32
      "tpu.region"() ({
        %run_scoped3A_391 = tpu.sem_alloc : memref<!tpu.dma_semaphore, #tpu.memory_space<semaphore_mem>>
        %dma_start3A_392 = arith.constant 0 : i32
        %dma_start3A_393 = arith.constant 0 : i32
        %dma_start3A_394 = tpu.memref_slice %arg6[%run_scoped3A, %arg1, %dma_start3A_392, %dma_start3A_393] : memref<2x16x3x128xi32, #tpu.memory_space<hbm>> -> memref<1x1x3x128xi32, #tpu.memory_space<hbm>>
        %dma_start3A_395 = tpu.memref_squeeze %dma_start3A_394 : memref<1x1x3x128xi32, #tpu.memory_space<hbm>> -> memref<3x128xi32, #tpu.memory_space<hbm>>
        %dma_start3A_396 = arith.constant 0 : i32
        %dma_start3A_397 = arith.constant 0 : i32
        %dma_start3A_398 = tpu.memref_slice %arg6[%run_scoped3A, %arg1, %dma_start3A_396, %dma_start3A_397] : memref<2x16x3x128xi32, #tpu.memory_space<hbm>> -> memref<1x1x3x128xi32, #tpu.memory_space<hbm>>
        %dma_start3A_399 = tpu.memref_squeeze %dma_start3A_398 : memref<1x1x3x128xi32, #tpu.memory_space<hbm>> -> memref<3x128xi32, #tpu.memory_space<hbm>>
        tpu.enqueue_dma source(%dma_start3A_399 : memref<3x128xi32, #tpu.memory_space<hbm>>) target(%arg20 : memref<3x128xi32, #tpu.memory_space<vmem>>) target_semaphore(%run_scoped3A_391 : memref<!tpu.dma_semaphore, #tpu.memory_space<semaphore_mem>>)
        %dma_wait3A_400 = arith.constant 0 : i32
        %dma_wait3A_401 = arith.constant 0 : i32
        %dma_wait3A_402 = tpu.memref_slice %arg6[%run_scoped3A, %arg1, %dma_wait3A_400, %dma_wait3A_401] : memref<2x16x3x128xi32, #tpu.memory_space<hbm>> -> memref<1x1x3x128xi32, #tpu.memory_space<hbm>>
        %dma_wait3A_403 = tpu.memref_squeeze %dma_wait3A_402 : memref<1x1x3x128xi32, #tpu.memory_space<hbm>> -> memref<3x128xi32, #tpu.memory_space<hbm>>
        %dma_wait3A_404 = arith.constant 0 : i32
        %dma_wait3A_405 = arith.constant 0 : i32
        %dma_wait3A_406 = tpu.memref_slice %arg6[%run_scoped3A, %arg1, %dma_wait3A_404, %dma_wait3A_405] : memref<2x16x3x128xi32, #tpu.memory_space<hbm>> -> memref<1x1x3x128xi32, #tpu.memory_space<hbm>>
        %dma_wait3A_407 = tpu.memref_squeeze %dma_wait3A_406 : memref<1x1x3x128xi32, #tpu.memory_space<hbm>> -> memref<3x128xi32, #tpu.memory_space<hbm>>
        tpu.wait_dma2 semaphore(%run_scoped3A_391 : memref<!tpu.dma_semaphore, #tpu.memory_space<semaphore_mem>>) src(%dma_wait3A_407 : memref<3x128xi32, #tpu.memory_space<hbm>>) dst(%arg20 : memref<3x128xi32, #tpu.memory_space<vmem>>)
        tpu.yield
      }) : () -> ()
      %dma_start3A_209 = arith.constant 0 : i32
      %dma_start3A_210 = arith.constant 0 : i32
      %dma_start3A_211 = arith.constant 0 : i32
      %dma_start3A_212 = tpu.memref_slice %arg21[%dma_start3A_210, %dma_start3A_211] : memref<384x16xf32, #tpu.memory_space<vmem>> -> memref<128x16xf32, #tpu.memory_space<vmem>>
      %dma_start3A_213 = arith.constant 0 : i32
      %dma_start3A_214 = tpu.memref_slice %arg20[%dma_start3A_209, %dma_start3A_213] : memref<3x128xi32, #tpu.memory_space<vmem>> -> memref<1x128xi32, #tpu.memory_space<vmem>>
      %dma_start3A_215 = tpu.memref_squeeze %dma_start3A_214 : memref<1x128xi32, #tpu.memory_space<vmem>> -> memref<128xi32, #tpu.memory_space<vmem>>
      %dma_start3A_216 = arith.constant 0 : i32
      %dma_start3A_217 = arith.constant 0 : i32
      %dma_start3A_218 = tpu.memref_slice %arg7[%dma_start3A_216, %dma_start3A_217] : memref<10000x16xf32, #tpu.memory_space<hbm>> -> memref<10000x16xf32, #tpu.memory_space<hbm>>
      tpu.enqueue_indirect_dma source(%dma_start3A_218 : memref<10000x16xf32, #tpu.memory_space<hbm>>) target(%dma_start3A_212 : memref<128x16xf32, #tpu.memory_space<vmem>>) offsets(%dma_start3A_215 : memref<128xi32, #tpu.memory_space<vmem>>) semaphore(%arg25 : memref<!tpu.dma_semaphore, #tpu.memory_space<semaphore_mem>>)
      %dma_start3A_219 = arith.constant 1 : i32
      %dma_start3A_220 = arith.constant 128 : i32
      %dma_start3A_221 = arith.constant 0 : i32
      %dma_start3A_222 = tpu.memref_slice %arg21[%dma_start3A_220, %dma_start3A_221] : memref<384x16xf32, #tpu.memory_space<vmem>> -> memref<128x16xf32, #tpu.memory_space<vmem>>
      %dma_start3A_223 = arith.constant 0 : i32
      %dma_start3A_224 = tpu.memref_slice %arg20[%dma_start3A_219, %dma_start3A_223] : memref<3x128xi32, #tpu.memory_space<vmem>> -> memref<1x128xi32, #tpu.memory_space<vmem>>
      %dma_start3A_225 = tpu.memref_squeeze %dma_start3A_224 : memref<1x128xi32, #tpu.memory_space<vmem>> -> memref<128xi32, #tpu.memory_space<vmem>>
      %dma_start3A_226 = arith.constant 0 : i32
      %dma_start3A_227 = arith.constant 0 : i32
      %dma_start3A_228 = tpu.memref_slice %arg7[%dma_start3A_226, %dma_start3A_227] : memref<10000x16xf32, #tpu.memory_space<hbm>> -> memref<10000x16xf32, #tpu.memory_space<hbm>>
      tpu.enqueue_indirect_dma source(%dma_start3A_228 : memref<10000x16xf32, #tpu.memory_space<hbm>>) target(%dma_start3A_222 : memref<128x16xf32, #tpu.memory_space<vmem>>) offsets(%dma_start3A_225 : memref<128xi32, #tpu.memory_space<vmem>>) semaphore(%arg25 : memref<!tpu.dma_semaphore, #tpu.memory_space<semaphore_mem>>)
      %dma_start3A_229 = arith.constant 2 : i32
      %dma_start3A_230 = arith.constant 256 : i32
      %dma_start3A_231 = arith.constant 0 : i32
      %dma_start3A_232 = tpu.memref_slice %arg21[%dma_start3A_230, %dma_start3A_231] : memref<384x16xf32, #tpu.memory_space<vmem>> -> memref<128x16xf32, #tpu.memory_space<vmem>>
      %dma_start3A_233 = arith.constant 0 : i32
      %dma_start3A_234 = tpu.memref_slice %arg20[%dma_start3A_229, %dma_start3A_233] : memref<3x128xi32, #tpu.memory_space<vmem>> -> memref<1x128xi32, #tpu.memory_space<vmem>>
      %dma_start3A_235 = tpu.memref_squeeze %dma_start3A_234 : memref<1x128xi32, #tpu.memory_space<vmem>> -> memref<128xi32, #tpu.memory_space<vmem>>
      %dma_start3A_236 = arith.constant 0 : i32
      %dma_start3A_237 = arith.constant 0 : i32
      %dma_start3A_238 = tpu.memref_slice %arg7[%dma_start3A_236, %dma_start3A_237] : memref<10000x16xf32, #tpu.memory_space<hbm>> -> memref<10000x16xf32, #tpu.memory_space<hbm>>
      tpu.enqueue_indirect_dma source(%dma_start3A_238 : memref<10000x16xf32, #tpu.memory_space<hbm>>) target(%dma_start3A_232 : memref<128x16xf32, #tpu.memory_space<vmem>>) offsets(%dma_start3A_235 : memref<128xi32, #tpu.memory_space<vmem>>) semaphore(%arg25 : memref<!tpu.dma_semaphore, #tpu.memory_space<semaphore_mem>>)
      %dma_start3A_239 = arith.constant 0 : i32
      %dma_start3A_240 = arith.constant 0 : i32
      %dma_start3A_241 = arith.constant 0 : i32
      %dma_start3A_242 = tpu.memref_slice %arg18[%dma_start3A_240, %dma_start3A_241] : memref<256x64xf32, #tpu.memory_space<vmem>> -> memref<128x64xf32, #tpu.memory_space<vmem>>
      %dma_start3A_243 = arith.constant 0 : i32
      %dma_start3A_244 = tpu.memref_slice %arg20[%dma_start3A_239, %dma_start3A_243] : memref<3x128xi32, #tpu.memory_space<vmem>> -> memref<1x128xi32, #tpu.memory_space<vmem>>
      %dma_start3A_245 = tpu.memref_squeeze %dma_start3A_244 : memref<1x128xi32, #tpu.memory_space<vmem>> -> memref<128xi32, #tpu.memory_space<vmem>>
      %dma_start3A_246 = arith.constant 0 : i32
      %dma_start3A_247 = arith.constant 0 : i32
      %dma_start3A_248 = tpu.memref_slice %arg12[%dma_start3A_246, %dma_start3A_247] : memref<10112x64xf32, #tpu.memory_space<vmem_shared>> -> memref<10112x64xf32, #tpu.memory_space<vmem_shared>>
      tpu.enqueue_indirect_dma source(%dma_start3A_248 : memref<10112x64xf32, #tpu.memory_space<vmem_shared>>) target(%dma_start3A_242 : memref<128x64xf32, #tpu.memory_space<vmem>>) offsets(%dma_start3A_245 : memref<128xi32, #tpu.memory_space<vmem>>) semaphore(%arg22 : memref<!tpu.dma_semaphore, #tpu.memory_space<semaphore_mem>>)
      %dma_start3A_249 = arith.constant 1 : i32
      %dma_start3A_250 = arith.constant 128 : i32
      %dma_start3A_251 = arith.constant 0 : i32
      %dma_start3A_252 = tpu.memref_slice %arg18[%dma_start3A_250, %dma_start3A_251] : memref<256x64xf32, #tpu.memory_space<vmem>> -> memref<128x64xf32, #tpu.memory_space<vmem>>
      %dma_start3A_253 = arith.constant 0 : i32
      %dma_start3A_254 = tpu.memref_slice %arg20[%dma_start3A_249, %dma_start3A_253] : memref<3x128xi32, #tpu.memory_space<vmem>> -> memref<1x128xi32, #tpu.memory_space<vmem>>
      %dma_start3A_255 = tpu.memref_squeeze %dma_start3A_254 : memref<1x128xi32, #tpu.memory_space<vmem>> -> memref<128xi32, #tpu.memory_space<vmem>>
      %dma_start3A_256 = arith.constant 0 : i32
      %dma_start3A_257 = arith.constant 0 : i32
      %dma_start3A_258 = tpu.memref_slice %arg12[%dma_start3A_256, %dma_start3A_257] : memref<10112x64xf32, #tpu.memory_space<vmem_shared>> -> memref<10112x64xf32, #tpu.memory_space<vmem_shared>>
      tpu.enqueue_indirect_dma source(%dma_start3A_258 : memref<10112x64xf32, #tpu.memory_space<vmem_shared>>) target(%dma_start3A_252 : memref<128x64xf32, #tpu.memory_space<vmem>>) offsets(%dma_start3A_255 : memref<128xi32, #tpu.memory_space<vmem>>) semaphore(%arg22 : memref<!tpu.dma_semaphore, #tpu.memory_space<semaphore_mem>>)
      %dma_start3A_259 = arith.constant 2 : i32
      %dma_start3A_260 = arith.constant 0 : i32
      %dma_start3A_261 = arith.constant 0 : i32
      %dma_start3A_262 = tpu.memref_slice %arg19[%dma_start3A_260, %dma_start3A_261] : memref<256x64xf32, #tpu.memory_space<vmem>> -> memref<128x64xf32, #tpu.memory_space<vmem>>
      %dma_start3A_263 = arith.constant 0 : i32
      %dma_start3A_264 = tpu.memref_slice %arg20[%dma_start3A_259, %dma_start3A_263] : memref<3x128xi32, #tpu.memory_space<vmem>> -> memref<1x128xi32, #tpu.memory_space<vmem>>
      %dma_start3A_265 = tpu.memref_squeeze %dma_start3A_264 : memref<1x128xi32, #tpu.memory_space<vmem>> -> memref<128xi32, #tpu.memory_space<vmem>>
      %dma_start3A_266 = arith.constant 0 : i32
      %dma_start3A_267 = arith.constant 0 : i32
      %dma_start3A_268 = tpu.memref_slice %arg12[%dma_start3A_266, %dma_start3A_267] : memref<10112x64xf32, #tpu.memory_space<vmem_shared>> -> memref<10112x64xf32, #tpu.memory_space<vmem_shared>>
      tpu.enqueue_indirect_dma source(%dma_start3A_268 : memref<10112x64xf32, #tpu.memory_space<vmem_shared>>) target(%dma_start3A_262 : memref<128x64xf32, #tpu.memory_space<vmem>>) offsets(%dma_start3A_265 : memref<128xi32, #tpu.memory_space<vmem>>) semaphore(%arg23 : memref<!tpu.dma_semaphore, #tpu.memory_space<semaphore_mem>>)
      %dma_wait3A_269 = arith.constant 0 : i32
      %dma_wait3A_270 = arith.constant 0 : i32
      %dma_wait3A_271 = arith.constant 0 : i32
      %dma_wait3A_272 = tpu.memref_slice %arg18[%dma_wait3A_270, %dma_wait3A_271] : memref<256x64xf32, #tpu.memory_space<vmem>> -> memref<128x64xf32, #tpu.memory_space<vmem>>
      %dma_wait3A_273 = arith.constant 0 : i32
      %dma_wait3A_274 = tpu.memref_slice %arg20[%dma_wait3A_269, %dma_wait3A_273] : memref<3x128xi32, #tpu.memory_space<vmem>> -> memref<1x128xi32, #tpu.memory_space<vmem>>
      %dma_wait3A_275 = tpu.memref_squeeze %dma_wait3A_274 : memref<1x128xi32, #tpu.memory_space<vmem>> -> memref<128xi32, #tpu.memory_space<vmem>>
      %dma_wait3A_276 = arith.constant 0 : i32
      %dma_wait3A_277 = arith.constant 0 : i32
      %dma_wait3A_278 = tpu.memref_slice %arg12[%dma_wait3A_276, %dma_wait3A_277] : memref<10112x64xf32, #tpu.memory_space<vmem_shared>> -> memref<10112x64xf32, #tpu.memory_space<vmem_shared>>
      tpu.wait_indirect_dma semaphore(%arg22 : memref<!tpu.dma_semaphore, #tpu.memory_space<semaphore_mem>>) src(%dma_wait3A_278 : memref<10112x64xf32, #tpu.memory_space<vmem_shared>>) dst(%dma_wait3A_272 : memref<128x64xf32, #tpu.memory_space<vmem>>)
      %dma_wait3A_279 = arith.constant 1 : i32
      %dma_wait3A_280 = arith.constant 128 : i32
      %dma_wait3A_281 = arith.constant 0 : i32
      %dma_wait3A_282 = tpu.memref_slice %arg18[%dma_wait3A_280, %dma_wait3A_281] : memref<256x64xf32, #tpu.memory_space<vmem>> -> memref<128x64xf32, #tpu.memory_space<vmem>>
      %dma_wait3A_283 = arith.constant 0 : i32
      %dma_wait3A_284 = tpu.memref_slice %arg20[%dma_wait3A_279, %dma_wait3A_283] : memref<3x128xi32, #tpu.memory_space<vmem>> -> memref<1x128xi32, #tpu.memory_space<vmem>>
      %dma_wait3A_285 = tpu.memref_squeeze %dma_wait3A_284 : memref<1x128xi32, #tpu.memory_space<vmem>> -> memref<128xi32, #tpu.memory_space<vmem>>
      %dma_wait3A_286 = arith.constant 0 : i32
      %dma_wait3A_287 = arith.constant 0 : i32
      %dma_wait3A_288 = tpu.memref_slice %arg12[%dma_wait3A_286, %dma_wait3A_287] : memref<10112x64xf32, #tpu.memory_space<vmem_shared>> -> memref<10112x64xf32, #tpu.memory_space<vmem_shared>>
      tpu.wait_indirect_dma semaphore(%arg22 : memref<!tpu.dma_semaphore, #tpu.memory_space<semaphore_mem>>) src(%dma_wait3A_288 : memref<10112x64xf32, #tpu.memory_space<vmem_shared>>) dst(%dma_wait3A_282 : memref<128x64xf32, #tpu.memory_space<vmem>>)
      %dma_wait3A_289 = arith.constant 2 : i32
      %dma_wait3A_290 = arith.constant 0 : i32
      %dma_wait3A_291 = arith.constant 0 : i32
      %dma_wait3A_292 = tpu.memref_slice %arg19[%dma_wait3A_290, %dma_wait3A_291] : memref<256x64xf32, #tpu.memory_space<vmem>> -> memref<128x64xf32, #tpu.memory_space<vmem>>
      %dma_wait3A_293 = arith.constant 0 : i32
      %dma_wait3A_294 = tpu.memref_slice %arg20[%dma_wait3A_289, %dma_wait3A_293] : memref<3x128xi32, #tpu.memory_space<vmem>> -> memref<1x128xi32, #tpu.memory_space<vmem>>
      %dma_wait3A_295 = tpu.memref_squeeze %dma_wait3A_294 : memref<1x128xi32, #tpu.memory_space<vmem>> -> memref<128xi32, #tpu.memory_space<vmem>>
      %dma_wait3A_296 = arith.constant 0 : i32
      %dma_wait3A_297 = arith.constant 0 : i32
      %dma_wait3A_298 = tpu.memref_slice %arg12[%dma_wait3A_296, %dma_wait3A_297] : memref<10112x64xf32, #tpu.memory_space<vmem_shared>> -> memref<10112x64xf32, #tpu.memory_space<vmem_shared>>
      tpu.wait_indirect_dma semaphore(%arg23 : memref<!tpu.dma_semaphore, #tpu.memory_space<semaphore_mem>>) src(%dma_wait3A_298 : memref<10112x64xf32, #tpu.memory_space<vmem_shared>>) dst(%dma_wait3A_292 : memref<128x64xf32, #tpu.memory_space<vmem>>)
      %mul3A_299 = arith.constant 384 : i32
      %mul3A_300 = arith.muli %arg1, %mul3A_299 : i32
      %dma_start3A_301 = arith.constant 0 : i32
      %dma_start3A_302 = arith.constant 0 : i32
      %dma_start3A_303 = tpu.memref_slice %arg10[%dma_start3A_301, %mul3A_300, %dma_start3A_302] : memref<2x6144x64xf32, #tpu.memory_space<hbm>> -> memref<1x256x64xf32, #tpu.memory_space<hbm>>
      %dma_start3A_304 = tpu.memref_squeeze %dma_start3A_303 : memref<1x256x64xf32, #tpu.memory_space<hbm>> -> memref<256x64xf32, #tpu.memory_space<hbm>>
      %dma_start3A_305 = arith.constant 0 : i32
      %dma_start3A_306 = tpu.memref_slice %arg10[%dma_start3A_301, %mul3A_300, %dma_start3A_305] : memref<2x6144x64xf32, #tpu.memory_space<hbm>> -> memref<1x256x64xf32, #tpu.memory_space<hbm>>
      %dma_start3A_307 = tpu.memref_squeeze %dma_start3A_306 : memref<1x256x64xf32, #tpu.memory_space<hbm>> -> memref<256x64xf32, #tpu.memory_space<hbm>>
      tpu.enqueue_dma source(%arg18 : memref<256x64xf32, #tpu.memory_space<vmem>>) target(%dma_start3A_307 : memref<256x64xf32, #tpu.memory_space<hbm>>) target_semaphore(%arg26 : memref<!tpu.dma_semaphore, #tpu.memory_space<semaphore_mem>>)
      %mul3A_308 = arith.constant 384 : i32
      %mul3A_309 = arith.muli %arg1, %mul3A_308 : i32
      %add3A_310 = arith.constant 256 : i32
      %add3A_311 = arith.addi %mul3A_309, %add3A_310 : i32
      %dma_start3A_312 = arith.constant 0 : i32
      %dma_start3A_313 = arith.constant 0 : i32
      %dma_start3A_314 = arith.constant 0 : i32
      %dma_start3A_315 = tpu.memref_slice %arg19[%dma_start3A_313, %dma_start3A_314] : memref<256x64xf32, #tpu.memory_space<vmem>> -> memref<128x64xf32, #tpu.memory_space<vmem>>
      %dma_start3A_316 = arith.constant 0 : i32
      %dma_start3A_317 = tpu.memref_slice %arg10[%dma_start3A_312, %add3A_311, %dma_start3A_316] : memref<2x6144x64xf32, #tpu.memory_space<hbm>> -> memref<1x128x64xf32, #tpu.memory_space<hbm>>
      %dma_start3A_318 = tpu.memref_squeeze %dma_start3A_317 : memref<1x128x64xf32, #tpu.memory_space<hbm>> -> memref<128x64xf32, #tpu.memory_space<hbm>>
      %dma_start3A_319 = arith.constant 0 : i32
      %dma_start3A_320 = tpu.memref_slice %arg10[%dma_start3A_312, %add3A_311, %dma_start3A_319] : memref<2x6144x64xf32, #tpu.memory_space<hbm>> -> memref<1x128x64xf32, #tpu.memory_space<hbm>>
      %dma_start3A_321 = tpu.memref_squeeze %dma_start3A_320 : memref<1x128x64xf32, #tpu.memory_space<hbm>> -> memref<128x64xf32, #tpu.memory_space<hbm>>
      %dma_start3A_322 = arith.constant 0 : i32
      %dma_start3A_323 = arith.constant 0 : i32
      %dma_start3A_324 = tpu.memref_slice %arg19[%dma_start3A_322, %dma_start3A_323] : memref<256x64xf32, #tpu.memory_space<vmem>> -> memref<128x64xf32, #tpu.memory_space<vmem>>
      tpu.enqueue_dma source(%dma_start3A_324 : memref<128x64xf32, #tpu.memory_space<vmem>>) target(%dma_start3A_321 : memref<128x64xf32, #tpu.memory_space<hbm>>) target_semaphore(%arg27 : memref<!tpu.dma_semaphore, #tpu.memory_space<semaphore_mem>>)
      %dma_wait3A_325 = arith.constant 0 : i32
      %dma_wait3A_326 = arith.constant 0 : i32
      %dma_wait3A_327 = arith.constant 0 : i32
      %dma_wait3A_328 = tpu.memref_slice %arg21[%dma_wait3A_326, %dma_wait3A_327] : memref<384x16xf32, #tpu.memory_space<vmem>> -> memref<128x16xf32, #tpu.memory_space<vmem>>
      %dma_wait3A_329 = arith.constant 0 : i32
      %dma_wait3A_330 = tpu.memref_slice %arg20[%dma_wait3A_325, %dma_wait3A_329] : memref<3x128xi32, #tpu.memory_space<vmem>> -> memref<1x128xi32, #tpu.memory_space<vmem>>
      %dma_wait3A_331 = tpu.memref_squeeze %dma_wait3A_330 : memref<1x128xi32, #tpu.memory_space<vmem>> -> memref<128xi32, #tpu.memory_space<vmem>>
      %dma_wait3A_332 = arith.constant 0 : i32
      %dma_wait3A_333 = arith.constant 0 : i32
      %dma_wait3A_334 = tpu.memref_slice %arg7[%dma_wait3A_332, %dma_wait3A_333] : memref<10000x16xf32, #tpu.memory_space<hbm>> -> memref<10000x16xf32, #tpu.memory_space<hbm>>
      tpu.wait_indirect_dma semaphore(%arg25 : memref<!tpu.dma_semaphore, #tpu.memory_space<semaphore_mem>>) src(%dma_wait3A_334 : memref<10000x16xf32, #tpu.memory_space<hbm>>) dst(%dma_wait3A_328 : memref<128x16xf32, #tpu.memory_space<vmem>>)
      %dma_wait3A_335 = arith.constant 1 : i32
      %dma_wait3A_336 = arith.constant 128 : i32
      %dma_wait3A_337 = arith.constant 0 : i32
      %dma_wait3A_338 = tpu.memref_slice %arg21[%dma_wait3A_336, %dma_wait3A_337] : memref<384x16xf32, #tpu.memory_space<vmem>> -> memref<128x16xf32, #tpu.memory_space<vmem>>
      %dma_wait3A_339 = arith.constant 0 : i32
      %dma_wait3A_340 = tpu.memref_slice %arg20[%dma_wait3A_335, %dma_wait3A_339] : memref<3x128xi32, #tpu.memory_space<vmem>> -> memref<1x128xi32, #tpu.memory_space<vmem>>
      %dma_wait3A_341 = tpu.memref_squeeze %dma_wait3A_340 : memref<1x128xi32, #tpu.memory_space<vmem>> -> memref<128xi32, #tpu.memory_space<vmem>>
      %dma_wait3A_342 = arith.constant 0 : i32
      %dma_wait3A_343 = arith.constant 0 : i32
      %dma_wait3A_344 = tpu.memref_slice %arg7[%dma_wait3A_342, %dma_wait3A_343] : memref<10000x16xf32, #tpu.memory_space<hbm>> -> memref<10000x16xf32, #tpu.memory_space<hbm>>
      tpu.wait_indirect_dma semaphore(%arg25 : memref<!tpu.dma_semaphore, #tpu.memory_space<semaphore_mem>>) src(%dma_wait3A_344 : memref<10000x16xf32, #tpu.memory_space<hbm>>) dst(%dma_wait3A_338 : memref<128x16xf32, #tpu.memory_space<vmem>>)
      %dma_wait3A_345 = arith.constant 2 : i32
      %dma_wait3A_346 = arith.constant 256 : i32
      %dma_wait3A_347 = arith.constant 0 : i32
      %dma_wait3A_348 = tpu.memref_slice %arg21[%dma_wait3A_346, %dma_wait3A_347] : memref<384x16xf32, #tpu.memory_space<vmem>> -> memref<128x16xf32, #tpu.memory_space<vmem>>
      %dma_wait3A_349 = arith.constant 0 : i32
      %dma_wait3A_350 = tpu.memref_slice %arg20[%dma_wait3A_345, %dma_wait3A_349] : memref<3x128xi32, #tpu.memory_space<vmem>> -> memref<1x128xi32, #tpu.memory_space<vmem>>
      %dma_wait3A_351 = tpu.memref_squeeze %dma_wait3A_350 : memref<1x128xi32, #tpu.memory_space<vmem>> -> memref<128xi32, #tpu.memory_space<vmem>>
      %dma_wait3A_352 = arith.constant 0 : i32
      %dma_wait3A_353 = arith.constant 0 : i32
      %dma_wait3A_354 = tpu.memref_slice %arg7[%dma_wait3A_352, %dma_wait3A_353] : memref<10000x16xf32, #tpu.memory_space<hbm>> -> memref<10000x16xf32, #tpu.memory_space<hbm>>
      tpu.wait_indirect_dma semaphore(%arg25 : memref<!tpu.dma_semaphore, #tpu.memory_space<semaphore_mem>>) src(%dma_wait3A_354 : memref<10000x16xf32, #tpu.memory_space<hbm>>) dst(%dma_wait3A_348 : memref<128x16xf32, #tpu.memory_space<vmem>>)
      %mul3A_355 = arith.constant 384 : i32
      %mul3A_356 = arith.muli %arg1, %mul3A_355 : i32
      %dma_start3A_357 = arith.constant 0 : i32
      %dma_start3A_358 = arith.constant 0 : i32
      %dma_start3A_359 = tpu.memref_slice %arg11[%dma_start3A_357, %mul3A_356, %dma_start3A_358] : memref<2x6144x16xf32, #tpu.memory_space<hbm>> -> memref<1x384x16xf32, #tpu.memory_space<hbm>>
      %dma_start3A_360 = tpu.memref_squeeze %dma_start3A_359 : memref<1x384x16xf32, #tpu.memory_space<hbm>> -> memref<384x16xf32, #tpu.memory_space<hbm>>
      %dma_start3A_361 = arith.constant 0 : i32
      %dma_start3A_362 = tpu.memref_slice %arg11[%dma_start3A_357, %mul3A_356, %dma_start3A_361] : memref<2x6144x16xf32, #tpu.memory_space<hbm>> -> memref<1x384x16xf32, #tpu.memory_space<hbm>>
      %dma_start3A_363 = tpu.memref_squeeze %dma_start3A_362 : memref<1x384x16xf32, #tpu.memory_space<hbm>> -> memref<384x16xf32, #tpu.memory_space<hbm>>
      tpu.enqueue_dma source(%arg21 : memref<384x16xf32, #tpu.memory_space<vmem>>) target(%dma_start3A_363 : memref<384x16xf32, #tpu.memory_space<hbm>>) target_semaphore(%arg24 : memref<!tpu.dma_semaphore, #tpu.memory_space<semaphore_mem>>)
      %dma_wait3A_364 = arith.constant 0 : i32
      %dma_wait3A_365 = arith.constant 0 : i32
      %dma_wait3A_366 = tpu.memref_slice %arg10[%dma_wait3A_364, %mul3A_300, %dma_wait3A_365] : memref<2x6144x64xf32, #tpu.memory_space<hbm>> -> memref<1x256x64xf32, #tpu.memory_space<hbm>>
      %dma_wait3A_367 = tpu.memref_squeeze %dma_wait3A_366 : memref<1x256x64xf32, #tpu.memory_space<hbm>> -> memref<256x64xf32, #tpu.memory_space<hbm>>
      %dma_wait3A_368 = arith.constant 0 : i32
      %dma_wait3A_369 = tpu.memref_slice %arg10[%dma_wait3A_364, %mul3A_300, %dma_wait3A_368] : memref<2x6144x64xf32, #tpu.memory_space<hbm>> -> memref<1x256x64xf32, #tpu.memory_space<hbm>>
      %dma_wait3A_370 = tpu.memref_squeeze %dma_wait3A_369 : memref<1x256x64xf32, #tpu.memory_space<hbm>> -> memref<256x64xf32, #tpu.memory_space<hbm>>
      tpu.wait_dma2 semaphore(%arg26 : memref<!tpu.dma_semaphore, #tpu.memory_space<semaphore_mem>>) src(%arg18 : memref<256x64xf32, #tpu.memory_space<vmem>>) dst(%dma_wait3A_370 : memref<256x64xf32, #tpu.memory_space<hbm>>)
      %dma_wait3A_371 = arith.constant 0 : i32
      %dma_wait3A_372 = arith.constant 0 : i32
      %dma_wait3A_373 = arith.constant 0 : i32
      %dma_wait3A_374 = tpu.memref_slice %arg19[%dma_wait3A_372, %dma_wait3A_373] : memref<256x64xf32, #tpu.memory_space<vmem>> -> memref<128x64xf32, #tpu.memory_space<vmem>>
      %dma_wait3A_375 = arith.constant 0 : i32
      %dma_wait3A_376 = tpu.memref_slice %arg10[%dma_wait3A_371, %add3A_311, %dma_wait3A_375] : memref<2x6144x64xf32, #tpu.memory_space<hbm>> -> memref<1x128x64xf32, #tpu.memory_space<hbm>>
      %dma_wait3A_377 = tpu.memref_squeeze %dma_wait3A_376 : memref<1x128x64xf32, #tpu.memory_space<hbm>> -> memref<128x64xf32, #tpu.memory_space<hbm>>
      %dma_wait3A_378 = arith.constant 0 : i32
      %dma_wait3A_379 = tpu.memref_slice %arg10[%dma_wait3A_371, %add3A_311, %dma_wait3A_378] : memref<2x6144x64xf32, #tpu.memory_space<hbm>> -> memref<1x128x64xf32, #tpu.memory_space<hbm>>
      %dma_wait3A_380 = tpu.memref_squeeze %dma_wait3A_379 : memref<1x128x64xf32, #tpu.memory_space<hbm>> -> memref<128x64xf32, #tpu.memory_space<hbm>>
      %dma_wait3A_381 = arith.constant 0 : i32
      %dma_wait3A_382 = arith.constant 0 : i32
      %dma_wait3A_383 = tpu.memref_slice %arg19[%dma_wait3A_381, %dma_wait3A_382] : memref<256x64xf32, #tpu.memory_space<vmem>> -> memref<128x64xf32, #tpu.memory_space<vmem>>
      tpu.wait_dma2 semaphore(%arg27 : memref<!tpu.dma_semaphore, #tpu.memory_space<semaphore_mem>>) src(%dma_wait3A_383 : memref<128x64xf32, #tpu.memory_space<vmem>>) dst(%dma_wait3A_380 : memref<128x64xf32, #tpu.memory_space<hbm>>)
      %dma_wait3A_384 = arith.constant 0 : i32
      %dma_wait3A_385 = arith.constant 0 : i32
      %dma_wait3A_386 = tpu.memref_slice %arg11[%dma_wait3A_384, %mul3A_356, %dma_wait3A_385] : memref<2x6144x16xf32, #tpu.memory_space<hbm>> -> memref<1x384x16xf32, #tpu.memory_space<hbm>>
      %dma_wait3A_387 = tpu.memref_squeeze %dma_wait3A_386 : memref<1x384x16xf32, #tpu.memory_space<hbm>> -> memref<384x16xf32, #tpu.memory_space<hbm>>
      %dma_wait3A_388 = arith.constant 0 : i32
      %dma_wait3A_389 = tpu.memref_slice %arg11[%dma_wait3A_384, %mul3A_356, %dma_wait3A_388] : memref<2x6144x16xf32, #tpu.memory_space<hbm>> -> memref<1x384x16xf32, #tpu.memory_space<hbm>>
      %dma_wait3A_390 = tpu.memref_squeeze %dma_wait3A_389 : memref<1x384x16xf32, #tpu.memory_space<hbm>> -> memref<384x16xf32, #tpu.memory_space<hbm>>
      tpu.wait_dma2 semaphore(%arg24 : memref<!tpu.dma_semaphore, #tpu.memory_space<semaphore_mem>>) src(%arg21 : memref<384x16xf32, #tpu.memory_space<vmem>>) dst(%dma_wait3A_390 : memref<384x16xf32, #tpu.memory_space<hbm>>)
    } else {
    }
    %eq3A_2 = arith.constant 1 : i32
    %eq3A_3 = arith.cmpi eq, %arg0, %eq3A_2 : i32
    %convert_element_type3A_4 = arith.extui %eq3A_3 : i1 to i32
    %cond3A_5 = arith.constant 0 : i32
    %cond3A_6 = arith.cmpi ne, %convert_element_type3A_4, %cond3A_5 : i32
    scf.if %cond3A_6 {
      %mul3A = arith.constant 632 : i32
      %mul3A_7 = arith.muli %arg1, %mul3A : i32
      %dma_start3A = arith.constant 0 : i32
      %dma_start3A_8 = tpu.memref_slice %arg12[%mul3A_7, %dma_start3A] : memref<10112x64xf32, #tpu.memory_space<vmem_shared>> -> memref<632x64xf32, #tpu.memory_space<vmem_shared>>
      tpu.enqueue_dma source(%arg9 : memref<632x64xf32, #tpu.memory_space<hbm>>) target(%dma_start3A_8 : memref<632x64xf32, #tpu.memory_space<vmem_shared>>) target_semaphore(%arg26 : memref<!tpu.dma_semaphore, #tpu.memory_space<semaphore_mem>>)
      %mul3A_9 = arith.constant 632 : i32
      %mul3A_10 = arith.muli %arg1, %mul3A_9 : i32
      %mul3A_11 = arith.constant 632 : i32
      %mul3A_12 = arith.muli %arg1, %mul3A_11 : i32
      %dma_start3A_13 = arith.constant 0 : i32
      %dma_start3A_14 = tpu.memref_slice %arg13[%mul3A_12, %dma_start3A_13] : memref<10112x64xf32, #tpu.memory_space<vmem_shared>> -> memref<632x64xf32, #tpu.memory_space<vmem_shared>>
      %dma_start3A_15 = arith.constant 0 : i32
      %dma_start3A_16 = tpu.memref_slice %arg3[%mul3A_10, %dma_start3A_15] : memref<10112x64xf32, #tpu.memory_space<hbm>> -> memref<632x64xf32, #tpu.memory_space<hbm>>
      tpu.enqueue_dma source(%dma_start3A_16 : memref<632x64xf32, #tpu.memory_space<hbm>>) target(%dma_start3A_14 : memref<632x64xf32, #tpu.memory_space<vmem_shared>>) target_semaphore(%arg27 : memref<!tpu.dma_semaphore, #tpu.memory_space<semaphore_mem>>)
      %dma_wait3A = arith.constant 0 : i32
      %dma_wait3A_17 = tpu.memref_slice %arg12[%mul3A_7, %dma_wait3A] : memref<10112x64xf32, #tpu.memory_space<vmem_shared>> -> memref<632x64xf32, #tpu.memory_space<vmem_shared>>
      tpu.wait_dma2 semaphore(%arg26 : memref<!tpu.dma_semaphore, #tpu.memory_space<semaphore_mem>>) src(%arg9 : memref<632x64xf32, #tpu.memory_space<hbm>>) dst(%dma_wait3A_17 : memref<632x64xf32, #tpu.memory_space<vmem_shared>>)
      %dma_wait3A_18 = arith.constant 0 : i32
      %dma_wait3A_19 = tpu.memref_slice %arg13[%mul3A_12, %dma_wait3A_18] : memref<10112x64xf32, #tpu.memory_space<vmem_shared>> -> memref<632x64xf32, #tpu.memory_space<vmem_shared>>
      %dma_wait3A_20 = arith.constant 0 : i32
      %dma_wait3A_21 = tpu.memref_slice %arg3[%mul3A_10, %dma_wait3A_20] : memref<10112x64xf32, #tpu.memory_space<hbm>> -> memref<632x64xf32, #tpu.memory_space<hbm>>
      tpu.wait_dma2 semaphore(%arg27 : memref<!tpu.dma_semaphore, #tpu.memory_space<semaphore_mem>>) src(%dma_wait3A_21 : memref<632x64xf32, #tpu.memory_space<hbm>>) dst(%dma_wait3A_19 : memref<632x64xf32, #tpu.memory_space<vmem_shared>>)
      %barrier3A = arith.constant 0 : index
      tpu.barrier barrier_id(%barrier3A)
      %mul3A_22 = arith.constant 80 : i32
      %mul3A_23 = arith.muli %arg1, %mul3A_22 : i32
      %add3A = arith.constant 0 : i32
      %add3A_24 = arith.addi %mul3A_23, %add3A : i32
      %dma_start3A_25 = arith.constant 0 : i32
      %dma_start3A_26 = arith.constant 0 : i32
      %dma_start3A_27 = tpu.memref_slice %arg4[%add3A_24, %dma_start3A_25, %dma_start3A_26] : memref<1280x2x128xi32, #tpu.memory_space<hbm>> -> memref<1x2x128xi32, #tpu.memory_space<hbm>>
      %dma_start3A_28 = tpu.memref_squeeze %dma_start3A_27 : memref<1x2x128xi32, #tpu.memory_space<hbm>> -> memref<2x128xi32, #tpu.memory_space<hbm>>
      %dma_start3A_29 = arith.constant 0 : i32
      %dma_start3A_30 = arith.constant 0 : i32
      %dma_start3A_31 = tpu.memref_slice %arg4[%add3A_24, %dma_start3A_29, %dma_start3A_30] : memref<1280x2x128xi32, #tpu.memory_space<hbm>> -> memref<1x2x128xi32, #tpu.memory_space<hbm>>
      %dma_start3A_32 = tpu.memref_squeeze %dma_start3A_31 : memref<1x2x128xi32, #tpu.memory_space<hbm>> -> memref<2x128xi32, #tpu.memory_space<hbm>>
      tpu.enqueue_dma source(%dma_start3A_32 : memref<2x128xi32, #tpu.memory_space<hbm>>) target(%arg14 : memref<2x128xi32, #tpu.memory_space<vmem>>) target_semaphore(%arg22 : memref<!tpu.dma_semaphore, #tpu.memory_space<semaphore_mem>>)
      %add3A_33 = arith.constant 0 : i32
      %add3A_34 = arith.addi %mul3A_23, %add3A_33 : i32
      %dma_start3A_35 = arith.constant 0 : i32
      %dma_start3A_36 = arith.constant 0 : i32
      %dma_start3A_37 = tpu.memref_slice %arg5[%add3A_34, %dma_start3A_35, %dma_start3A_36] : memref<1280x2x128xi32, #tpu.memory_space<hbm>> -> memref<1x2x128xi32, #tpu.memory_space<hbm>>
      %dma_start3A_38 = tpu.memref_squeeze %dma_start3A_37 : memref<1x2x128xi32, #tpu.memory_space<hbm>> -> memref<2x128xi32, #tpu.memory_space<hbm>>
      %dma_start3A_39 = arith.constant 0 : i32
      %dma_start3A_40 = arith.constant 0 : i32
      %dma_start3A_41 = tpu.memref_slice %arg5[%add3A_34, %dma_start3A_39, %dma_start3A_40] : memref<1280x2x128xi32, #tpu.memory_space<hbm>> -> memref<1x2x128xi32, #tpu.memory_space<hbm>>
      %dma_start3A_42 = tpu.memref_squeeze %dma_start3A_41 : memref<1x2x128xi32, #tpu.memory_space<hbm>> -> memref<2x128xi32, #tpu.memory_space<hbm>>
      tpu.enqueue_dma source(%dma_start3A_42 : memref<2x128xi32, #tpu.memory_space<hbm>>) target(%arg16 : memref<2x128xi32, #tpu.memory_space<vmem>>) target_semaphore(%arg22 : memref<!tpu.dma_semaphore, #tpu.memory_space<semaphore_mem>>)
      %dma_wait3A_43 = arith.constant 0 : i32
      %dma_wait3A_44 = arith.constant 0 : i32
      %dma_wait3A_45 = arith.constant 0 : i32
      %dma_wait3A_46 = tpu.memref_slice %arg4[%dma_wait3A_43, %dma_wait3A_44, %dma_wait3A_45] : memref<1280x2x128xi32, #tpu.memory_space<hbm>> -> memref<1x2x128xi32, #tpu.memory_space<hbm>>
      %dma_wait3A_47 = tpu.memref_squeeze %dma_wait3A_46 : memref<1x2x128xi32, #tpu.memory_space<hbm>> -> memref<2x128xi32, #tpu.memory_space<hbm>>
      %dma_wait3A_48 = arith.constant 0 : i32
      %dma_wait3A_49 = arith.constant 0 : i32
      %dma_wait3A_50 = tpu.memref_slice %arg4[%dma_wait3A_43, %dma_wait3A_48, %dma_wait3A_49] : memref<1280x2x128xi32, #tpu.memory_space<hbm>> -> memref<1x2x128xi32, #tpu.memory_space<hbm>>
      %dma_wait3A_51 = tpu.memref_squeeze %dma_wait3A_50 : memref<1x2x128xi32, #tpu.memory_space<hbm>> -> memref<2x128xi32, #tpu.memory_space<hbm>>
      tpu.wait_dma2 semaphore(%arg22 : memref<!tpu.dma_semaphore, #tpu.memory_space<semaphore_mem>>) src(%dma_wait3A_51 : memref<2x128xi32, #tpu.memory_space<hbm>>) dst(%arg14 : memref<2x128xi32, #tpu.memory_space<vmem>>)
      %dma_wait3A_52 = arith.constant 0 : i32
      %dma_wait3A_53 = arith.constant 0 : i32
      %dma_wait3A_54 = arith.constant 0 : i32
      %dma_wait3A_55 = tpu.memref_slice %arg4[%dma_wait3A_52, %dma_wait3A_53, %dma_wait3A_54] : memref<1280x2x128xi32, #tpu.memory_space<hbm>> -> memref<1x2x128xi32, #tpu.memory_space<hbm>>
      %dma_wait3A_56 = tpu.memref_squeeze %dma_wait3A_55 : memref<1x2x128xi32, #tpu.memory_space<hbm>> -> memref<2x128xi32, #tpu.memory_space<hbm>>
      %dma_wait3A_57 = arith.constant 0 : i32
      %dma_wait3A_58 = arith.constant 0 : i32
      %dma_wait3A_59 = tpu.memref_slice %arg4[%dma_wait3A_52, %dma_wait3A_57, %dma_wait3A_58] : memref<1280x2x128xi32, #tpu.memory_space<hbm>> -> memref<1x2x128xi32, #tpu.memory_space<hbm>>
      %dma_wait3A_60 = tpu.memref_squeeze %dma_wait3A_59 : memref<1x2x128xi32, #tpu.memory_space<hbm>> -> memref<2x128xi32, #tpu.memory_space<hbm>>
      tpu.wait_dma2 semaphore(%arg22 : memref<!tpu.dma_semaphore, #tpu.memory_space<semaphore_mem>>) src(%dma_wait3A_60 : memref<2x128xi32, #tpu.memory_space<hbm>>) dst(%arg16 : memref<2x128xi32, #tpu.memory_space<vmem>>)
      %dma_start3A_61 = arith.constant 0 : i32
      %dma_start3A_62 = arith.constant 0 : i32
      %dma_start3A_63 = arith.constant 0 : i32
      %dma_start3A_64 = tpu.memref_slice %arg18[%dma_start3A_62, %dma_start3A_63] : memref<256x64xf32, #tpu.memory_space<vmem>> -> memref<128x64xf32, #tpu.memory_space<vmem>>
      %dma_start3A_65 = arith.constant 0 : i32
      %dma_start3A_66 = tpu.memref_slice %arg14[%dma_start3A_61, %dma_start3A_65] : memref<2x128xi32, #tpu.memory_space<vmem>> -> memref<1x128xi32, #tpu.memory_space<vmem>>
      %dma_start3A_67 = tpu.memref_squeeze %dma_start3A_66 : memref<1x128xi32, #tpu.memory_space<vmem>> -> memref<128xi32, #tpu.memory_space<vmem>>
      %dma_start3A_68 = arith.constant 0 : i32
      %dma_start3A_69 = arith.constant 0 : i32
      %dma_start3A_70 = tpu.memref_slice %arg13[%dma_start3A_68, %dma_start3A_69] : memref<10112x64xf32, #tpu.memory_space<vmem_shared>> -> memref<10112x64xf32, #tpu.memory_space<vmem_shared>>
      tpu.enqueue_indirect_dma source(%dma_start3A_70 : memref<10112x64xf32, #tpu.memory_space<vmem_shared>>) target(%dma_start3A_64 : memref<128x64xf32, #tpu.memory_space<vmem>>) offsets(%dma_start3A_67 : memref<128xi32, #tpu.memory_space<vmem>>) semaphore(%arg24 : memref<!tpu.dma_semaphore, #tpu.memory_space<semaphore_mem>>)
      %dma_start3A_71 = arith.constant 1 : i32
      %dma_start3A_72 = arith.constant 128 : i32
      %dma_start3A_73 = arith.constant 0 : i32
      %dma_start3A_74 = tpu.memref_slice %arg18[%dma_start3A_72, %dma_start3A_73] : memref<256x64xf32, #tpu.memory_space<vmem>> -> memref<128x64xf32, #tpu.memory_space<vmem>>
      %dma_start3A_75 = arith.constant 0 : i32
      %dma_start3A_76 = tpu.memref_slice %arg14[%dma_start3A_71, %dma_start3A_75] : memref<2x128xi32, #tpu.memory_space<vmem>> -> memref<1x128xi32, #tpu.memory_space<vmem>>
      %dma_start3A_77 = tpu.memref_squeeze %dma_start3A_76 : memref<1x128xi32, #tpu.memory_space<vmem>> -> memref<128xi32, #tpu.memory_space<vmem>>
      %dma_start3A_78 = arith.constant 0 : i32
      %dma_start3A_79 = arith.constant 0 : i32
      %dma_start3A_80 = tpu.memref_slice %arg13[%dma_start3A_78, %dma_start3A_79] : memref<10112x64xf32, #tpu.memory_space<vmem_shared>> -> memref<10112x64xf32, #tpu.memory_space<vmem_shared>>
      tpu.enqueue_indirect_dma source(%dma_start3A_80 : memref<10112x64xf32, #tpu.memory_space<vmem_shared>>) target(%dma_start3A_74 : memref<128x64xf32, #tpu.memory_space<vmem>>) offsets(%dma_start3A_77 : memref<128xi32, #tpu.memory_space<vmem>>) semaphore(%arg24 : memref<!tpu.dma_semaphore, #tpu.memory_space<semaphore_mem>>)
      %add3A_81 = arith.constant 1 : i32
      %add3A_82 = arith.addi %mul3A_23, %add3A_81 : i32
      %dma_start3A_83 = arith.constant 0 : i32
      %dma_start3A_84 = arith.constant 0 : i32
      %dma_start3A_85 = tpu.memref_slice %arg4[%add3A_82, %dma_start3A_83, %dma_start3A_84] : memref<1280x2x128xi32, #tpu.memory_space<hbm>> -> memref<1x2x128xi32, #tpu.memory_space<hbm>>
      %dma_start3A_86 = tpu.memref_squeeze %dma_start3A_85 : memref<1x2x128xi32, #tpu.memory_space<hbm>> -> memref<2x128xi32, #tpu.memory_space<hbm>>
      %dma_start3A_87 = arith.constant 0 : i32
      %dma_start3A_88 = arith.constant 0 : i32
      %dma_start3A_89 = tpu.memref_slice %arg4[%add3A_82, %dma_start3A_87, %dma_start3A_88] : memref<1280x2x128xi32, #tpu.memory_space<hbm>> -> memref<1x2x128xi32, #tpu.memory_space<hbm>>
      %dma_start3A_90 = tpu.memref_squeeze %dma_start3A_89 : memref<1x2x128xi32, #tpu.memory_space<hbm>> -> memref<2x128xi32, #tpu.memory_space<hbm>>
      tpu.enqueue_dma source(%dma_start3A_90 : memref<2x128xi32, #tpu.memory_space<hbm>>) target(%arg15 : memref<2x128xi32, #tpu.memory_space<vmem>>) target_semaphore(%arg23 : memref<!tpu.dma_semaphore, #tpu.memory_space<semaphore_mem>>)
      %add3A_91 = arith.constant 1 : i32
      %add3A_92 = arith.addi %mul3A_23, %add3A_91 : i32
      %dma_start3A_93 = arith.constant 0 : i32
      %dma_start3A_94 = arith.constant 0 : i32
      %dma_start3A_95 = tpu.memref_slice %arg5[%add3A_92, %dma_start3A_93, %dma_start3A_94] : memref<1280x2x128xi32, #tpu.memory_space<hbm>> -> memref<1x2x128xi32, #tpu.memory_space<hbm>>
      %dma_start3A_96 = tpu.memref_squeeze %dma_start3A_95 : memref<1x2x128xi32, #tpu.memory_space<hbm>> -> memref<2x128xi32, #tpu.memory_space<hbm>>
      %dma_start3A_97 = arith.constant 0 : i32
      %dma_start3A_98 = arith.constant 0 : i32
      %dma_start3A_99 = tpu.memref_slice %arg5[%add3A_92, %dma_start3A_97, %dma_start3A_98] : memref<1280x2x128xi32, #tpu.memory_space<hbm>> -> memref<1x2x128xi32, #tpu.memory_space<hbm>>
      %dma_start3A_100 = tpu.memref_squeeze %dma_start3A_99 : memref<1x2x128xi32, #tpu.memory_space<hbm>> -> memref<2x128xi32, #tpu.memory_space<hbm>>
      tpu.enqueue_dma source(%dma_start3A_100 : memref<2x128xi32, #tpu.memory_space<hbm>>) target(%arg17 : memref<2x128xi32, #tpu.memory_space<vmem>>) target_semaphore(%arg23 : memref<!tpu.dma_semaphore, #tpu.memory_space<semaphore_mem>>)
      %scan3A = arith.constant 0 : i32
      %scan3A_101 = arith.constant 0 : i32
      %scan3A_102 = arith.constant 39 : i32
      %scan3A_103 = arith.addi %scan3A_101, %scan3A_102 : i32
      %scan3A_104 = arith.constant 1 : i32
      scf.for %scan3A_391 = %scan3A_101 to %scan3A_103 step %scan3A_104  : i32 {
        %mul3A_392 = arith.constant 2 : i32
        %mul3A_393 = arith.muli %mul3A_392, %scan3A_391 : i32
        %dma_wait3A_394 = arith.constant 0 : i32
        %dma_wait3A_395 = arith.constant 0 : i32
        %dma_wait3A_396 = arith.constant 0 : i32
        %dma_wait3A_397 = tpu.memref_slice %arg4[%dma_wait3A_394, %dma_wait3A_395, %dma_wait3A_396] : memref<1280x2x128xi32, #tpu.memory_space<hbm>> -> memref<1x2x128xi32, #tpu.memory_space<hbm>>
        %dma_wait3A_398 = tpu.memref_squeeze %dma_wait3A_397 : memref<1x2x128xi32, #tpu.memory_space<hbm>> -> memref<2x128xi32, #tpu.memory_space<hbm>>
        %dma_wait3A_399 = arith.constant 0 : i32
        %dma_wait3A_400 = arith.constant 0 : i32
        %dma_wait3A_401 = tpu.memref_slice %arg4[%dma_wait3A_394, %dma_wait3A_399, %dma_wait3A_400] : memref<1280x2x128xi32, #tpu.memory_space<hbm>> -> memref<1x2x128xi32, #tpu.memory_space<hbm>>
        %dma_wait3A_402 = tpu.memref_squeeze %dma_wait3A_401 : memref<1x2x128xi32, #tpu.memory_space<hbm>> -> memref<2x128xi32, #tpu.memory_space<hbm>>
        tpu.wait_dma2 semaphore(%arg23 : memref<!tpu.dma_semaphore, #tpu.memory_space<semaphore_mem>>) src(%dma_wait3A_402 : memref<2x128xi32, #tpu.memory_space<hbm>>) dst(%arg15 : memref<2x128xi32, #tpu.memory_space<vmem>>)
        %dma_wait3A_403 = arith.constant 0 : i32
        %dma_wait3A_404 = arith.constant 0 : i32
        %dma_wait3A_405 = arith.constant 0 : i32
        %dma_wait3A_406 = tpu.memref_slice %arg4[%dma_wait3A_403, %dma_wait3A_404, %dma_wait3A_405] : memref<1280x2x128xi32, #tpu.memory_space<hbm>> -> memref<1x2x128xi32, #tpu.memory_space<hbm>>
        %dma_wait3A_407 = tpu.memref_squeeze %dma_wait3A_406 : memref<1x2x128xi32, #tpu.memory_space<hbm>> -> memref<2x128xi32, #tpu.memory_space<hbm>>
        %dma_wait3A_408 = arith.constant 0 : i32
        %dma_wait3A_409 = arith.constant 0 : i32
        %dma_wait3A_410 = tpu.memref_slice %arg4[%dma_wait3A_403, %dma_wait3A_408, %dma_wait3A_409] : memref<1280x2x128xi32, #tpu.memory_space<hbm>> -> memref<1x2x128xi32, #tpu.memory_space<hbm>>
        %dma_wait3A_411 = tpu.memref_squeeze %dma_wait3A_410 : memref<1x2x128xi32, #tpu.memory_space<hbm>> -> memref<2x128xi32, #tpu.memory_space<hbm>>
        tpu.wait_dma2 semaphore(%arg23 : memref<!tpu.dma_semaphore, #tpu.memory_space<semaphore_mem>>) src(%dma_wait3A_411 : memref<2x128xi32, #tpu.memory_space<hbm>>) dst(%arg17 : memref<2x128xi32, #tpu.memory_space<vmem>>)
        %dma_start3A_412 = arith.constant 0 : i32
        %dma_start3A_413 = arith.constant 0 : i32
        %dma_start3A_414 = arith.constant 0 : i32
        %dma_start3A_415 = tpu.memref_slice %arg19[%dma_start3A_413, %dma_start3A_414] : memref<256x64xf32, #tpu.memory_space<vmem>> -> memref<128x64xf32, #tpu.memory_space<vmem>>
        %dma_start3A_416 = arith.constant 0 : i32
        %dma_start3A_417 = tpu.memref_slice %arg15[%dma_start3A_412, %dma_start3A_416] : memref<2x128xi32, #tpu.memory_space<vmem>> -> memref<1x128xi32, #tpu.memory_space<vmem>>
        %dma_start3A_418 = tpu.memref_squeeze %dma_start3A_417 : memref<1x128xi32, #tpu.memory_space<vmem>> -> memref<128xi32, #tpu.memory_space<vmem>>
        %dma_start3A_419 = arith.constant 0 : i32
        %dma_start3A_420 = arith.constant 0 : i32
        %dma_start3A_421 = tpu.memref_slice %arg13[%dma_start3A_419, %dma_start3A_420] : memref<10112x64xf32, #tpu.memory_space<vmem_shared>> -> memref<10112x64xf32, #tpu.memory_space<vmem_shared>>
        tpu.enqueue_indirect_dma source(%dma_start3A_421 : memref<10112x64xf32, #tpu.memory_space<vmem_shared>>) target(%dma_start3A_415 : memref<128x64xf32, #tpu.memory_space<vmem>>) offsets(%dma_start3A_418 : memref<128xi32, #tpu.memory_space<vmem>>) semaphore(%arg25 : memref<!tpu.dma_semaphore, #tpu.memory_space<semaphore_mem>>)
        %dma_start3A_422 = arith.constant 1 : i32
        %dma_start3A_423 = arith.constant 128 : i32
        %dma_start3A_424 = arith.constant 0 : i32
        %dma_start3A_425 = tpu.memref_slice %arg19[%dma_start3A_423, %dma_start3A_424] : memref<256x64xf32, #tpu.memory_space<vmem>> -> memref<128x64xf32, #tpu.memory_space<vmem>>
        %dma_start3A_426 = arith.constant 0 : i32
        %dma_start3A_427 = tpu.memref_slice %arg15[%dma_start3A_422, %dma_start3A_426] : memref<2x128xi32, #tpu.memory_space<vmem>> -> memref<1x128xi32, #tpu.memory_space<vmem>>
        %dma_start3A_428 = tpu.memref_squeeze %dma_start3A_427 : memref<1x128xi32, #tpu.memory_space<vmem>> -> memref<128xi32, #tpu.memory_space<vmem>>
        %dma_start3A_429 = arith.constant 0 : i32
        %dma_start3A_430 = arith.constant 0 : i32
        %dma_start3A_431 = tpu.memref_slice %arg13[%dma_start3A_429, %dma_start3A_430] : memref<10112x64xf32, #tpu.memory_space<vmem_shared>> -> memref<10112x64xf32, #tpu.memory_space<vmem_shared>>
        tpu.enqueue_indirect_dma source(%dma_start3A_431 : memref<10112x64xf32, #tpu.memory_space<vmem_shared>>) target(%dma_start3A_425 : memref<128x64xf32, #tpu.memory_space<vmem>>) offsets(%dma_start3A_428 : memref<128xi32, #tpu.memory_space<vmem>>) semaphore(%arg25 : memref<!tpu.dma_semaphore, #tpu.memory_space<semaphore_mem>>)
        %dma_wait3A_432 = arith.constant 0 : i32
        %dma_wait3A_433 = arith.constant 0 : i32
        %dma_wait3A_434 = tpu.memref_slice %arg2[%dma_wait3A_432, %dma_wait3A_433] : memref<10112x64xf32, #tpu.memory_space<hbm>> -> memref<256x64xf32, #tpu.memory_space<hbm>>
        %dma_wait3A_435 = arith.constant 0 : i32
        %dma_wait3A_436 = arith.constant 0 : i32
        %dma_wait3A_437 = tpu.memref_slice %arg2[%dma_wait3A_435, %dma_wait3A_436] : memref<10112x64xf32, #tpu.memory_space<hbm>> -> memref<256x64xf32, #tpu.memory_space<hbm>>
        tpu.wait_dma2 semaphore(%arg24 : memref<!tpu.dma_semaphore, #tpu.memory_space<semaphore_mem>>) src(%dma_wait3A_437 : memref<256x64xf32, #tpu.memory_space<hbm>>) dst(%arg18 : memref<256x64xf32, #tpu.memory_space<vmem>>)
        %dma_start3A_438 = arith.constant 0 : i32
        %dma_start3A_439 = arith.constant 0 : i32
        %dma_start3A_440 = arith.constant 0 : i32
        %dma_start3A_441 = tpu.memref_slice %arg18[%dma_start3A_439, %dma_start3A_440] : memref<256x64xf32, #tpu.memory_space<vmem>> -> memref<128x64xf32, #tpu.memory_space<vmem>>
        %dma_start3A_442 = arith.constant 0 : i32
        %dma_start3A_443 = tpu.memref_slice %arg16[%dma_start3A_438, %dma_start3A_442] : memref<2x128xi32, #tpu.memory_space<vmem>> -> memref<1x128xi32, #tpu.memory_space<vmem>>
        %dma_start3A_444 = tpu.memref_squeeze %dma_start3A_443 : memref<1x128xi32, #tpu.memory_space<vmem>> -> memref<128xi32, #tpu.memory_space<vmem>>
        %dma_start3A_445 = arith.constant 0 : i32
        %dma_start3A_446 = arith.constant 0 : i32
        %dma_start3A_447 = tpu.memref_slice %arg12[%dma_start3A_445, %dma_start3A_446] : memref<10112x64xf32, #tpu.memory_space<vmem_shared>> -> memref<10112x64xf32, #tpu.memory_space<vmem_shared>>
        tpu.enqueue_indirect_dma source(%dma_start3A_441 : memref<128x64xf32, #tpu.memory_space<vmem>>) target(%dma_start3A_447 : memref<10112x64xf32, #tpu.memory_space<vmem_shared>>) offsets(%dma_start3A_444 : memref<128xi32, #tpu.memory_space<vmem>>) semaphore(%arg26 : memref<!tpu.dma_semaphore, #tpu.memory_space<semaphore_mem>>) {add = true}
        %dma_start3A_448 = arith.constant 1 : i32
        %dma_start3A_449 = arith.constant 128 : i32
        %dma_start3A_450 = arith.constant 0 : i32
        %dma_start3A_451 = tpu.memref_slice %arg18[%dma_start3A_449, %dma_start3A_450] : memref<256x64xf32, #tpu.memory_space<vmem>> -> memref<128x64xf32, #tpu.memory_space<vmem>>
        %dma_start3A_452 = arith.constant 0 : i32
        %dma_start3A_453 = tpu.memref_slice %arg16[%dma_start3A_448, %dma_start3A_452] : memref<2x128xi32, #tpu.memory_space<vmem>> -> memref<1x128xi32, #tpu.memory_space<vmem>>
        %dma_start3A_454 = tpu.memref_squeeze %dma_start3A_453 : memref<1x128xi32, #tpu.memory_space<vmem>> -> memref<128xi32, #tpu.memory_space<vmem>>
        %dma_start3A_455 = arith.constant 0 : i32
        %dma_start3A_456 = arith.constant 0 : i32
        %dma_start3A_457 = tpu.memref_slice %arg12[%dma_start3A_455, %dma_start3A_456] : memref<10112x64xf32, #tpu.memory_space<vmem_shared>> -> memref<10112x64xf32, #tpu.memory_space<vmem_shared>>
        tpu.enqueue_indirect_dma source(%dma_start3A_451 : memref<128x64xf32, #tpu.memory_space<vmem>>) target(%dma_start3A_457 : memref<10112x64xf32, #tpu.memory_space<vmem_shared>>) offsets(%dma_start3A_454 : memref<128xi32, #tpu.memory_space<vmem>>) semaphore(%arg26 : memref<!tpu.dma_semaphore, #tpu.memory_space<semaphore_mem>>) {add = true}
        %dma_wait3A_458 = arith.constant 0 : i32
        %dma_wait3A_459 = arith.constant 0 : i32
        %dma_wait3A_460 = tpu.memref_slice %arg2[%dma_wait3A_458, %dma_wait3A_459] : memref<10112x64xf32, #tpu.memory_space<hbm>> -> memref<256x64xf32, #tpu.memory_space<hbm>>
        %dma_wait3A_461 = arith.constant 0 : i32
        %dma_wait3A_462 = arith.constant 0 : i32
        %dma_wait3A_463 = tpu.memref_slice %arg2[%dma_wait3A_461, %dma_wait3A_462] : memref<10112x64xf32, #tpu.memory_space<hbm>> -> memref<256x64xf32, #tpu.memory_space<hbm>>
        tpu.wait_dma2 semaphore(%arg26 : memref<!tpu.dma_semaphore, #tpu.memory_space<semaphore_mem>>) src(%dma_wait3A_463 : memref<256x64xf32, #tpu.memory_space<hbm>>) dst(%arg18 : memref<256x64xf32, #tpu.memory_space<vmem>>)
        %add3A_464 = arith.constant 2 : i32
        %add3A_465 = arith.addi %mul3A_393, %add3A_464 : i32
        %add3A_466 = arith.addi %mul3A_23, %add3A_465 : i32
        %dma_start3A_467 = arith.constant 0 : i32
        %dma_start3A_468 = arith.constant 0 : i32
        %dma_start3A_469 = tpu.memref_slice %arg4[%add3A_466, %dma_start3A_467, %dma_start3A_468] : memref<1280x2x128xi32, #tpu.memory_space<hbm>> -> memref<1x2x128xi32, #tpu.memory_space<hbm>>
        %dma_start3A_470 = tpu.memref_squeeze %dma_start3A_469 : memref<1x2x128xi32, #tpu.memory_space<hbm>> -> memref<2x128xi32, #tpu.memory_space<hbm>>
        %dma_start3A_471 = arith.constant 0 : i32
        %dma_start3A_472 = arith.constant 0 : i32
        %dma_start3A_473 = tpu.memref_slice %arg4[%add3A_466, %dma_start3A_471, %dma_start3A_472] : memref<1280x2x128xi32, #tpu.memory_space<hbm>> -> memref<1x2x128xi32, #tpu.memory_space<hbm>>
        %dma_start3A_474 = tpu.memref_squeeze %dma_start3A_473 : memref<1x2x128xi32, #tpu.memory_space<hbm>> -> memref<2x128xi32, #tpu.memory_space<hbm>>
        tpu.enqueue_dma source(%dma_start3A_474 : memref<2x128xi32, #tpu.memory_space<hbm>>) target(%arg14 : memref<2x128xi32, #tpu.memory_space<vmem>>) target_semaphore(%arg22 : memref<!tpu.dma_semaphore, #tpu.memory_space<semaphore_mem>>)
        %add3A_475 = arith.addi %mul3A_23, %add3A_465 : i32
        %dma_start3A_476 = arith.constant 0 : i32
        %dma_start3A_477 = arith.constant 0 : i32
        %dma_start3A_478 = tpu.memref_slice %arg5[%add3A_475, %dma_start3A_476, %dma_start3A_477] : memref<1280x2x128xi32, #tpu.memory_space<hbm>> -> memref<1x2x128xi32, #tpu.memory_space<hbm>>
        %dma_start3A_479 = tpu.memref_squeeze %dma_start3A_478 : memref<1x2x128xi32, #tpu.memory_space<hbm>> -> memref<2x128xi32, #tpu.memory_space<hbm>>
        %dma_start3A_480 = arith.constant 0 : i32
        %dma_start3A_481 = arith.constant 0 : i32
        %dma_start3A_482 = tpu.memref_slice %arg5[%add3A_475, %dma_start3A_480, %dma_start3A_481] : memref<1280x2x128xi32, #tpu.memory_space<hbm>> -> memref<1x2x128xi32, #tpu.memory_space<hbm>>
        %dma_start3A_483 = tpu.memref_squeeze %dma_start3A_482 : memref<1x2x128xi32, #tpu.memory_space<hbm>> -> memref<2x128xi32, #tpu.memory_space<hbm>>
        tpu.enqueue_dma source(%dma_start3A_483 : memref<2x128xi32, #tpu.memory_space<hbm>>) target(%arg16 : memref<2x128xi32, #tpu.memory_space<vmem>>) target_semaphore(%arg22 : memref<!tpu.dma_semaphore, #tpu.memory_space<semaphore_mem>>)
        %dma_wait3A_484 = arith.constant 0 : i32
        %dma_wait3A_485 = arith.constant 0 : i32
        %dma_wait3A_486 = arith.constant 0 : i32
        %dma_wait3A_487 = tpu.memref_slice %arg4[%dma_wait3A_484, %dma_wait3A_485, %dma_wait3A_486] : memref<1280x2x128xi32, #tpu.memory_space<hbm>> -> memref<1x2x128xi32, #tpu.memory_space<hbm>>
        %dma_wait3A_488 = tpu.memref_squeeze %dma_wait3A_487 : memref<1x2x128xi32, #tpu.memory_space<hbm>> -> memref<2x128xi32, #tpu.memory_space<hbm>>
        %dma_wait3A_489 = arith.constant 0 : i32
        %dma_wait3A_490 = arith.constant 0 : i32
        %dma_wait3A_491 = tpu.memref_slice %arg4[%dma_wait3A_484, %dma_wait3A_489, %dma_wait3A_490] : memref<1280x2x128xi32, #tpu.memory_space<hbm>> -> memref<1x2x128xi32, #tpu.memory_space<hbm>>
        %dma_wait3A_492 = tpu.memref_squeeze %dma_wait3A_491 : memref<1x2x128xi32, #tpu.memory_space<hbm>> -> memref<2x128xi32, #tpu.memory_space<hbm>>
        tpu.wait_dma2 semaphore(%arg22 : memref<!tpu.dma_semaphore, #tpu.memory_space<semaphore_mem>>) src(%dma_wait3A_492 : memref<2x128xi32, #tpu.memory_space<hbm>>) dst(%arg14 : memref<2x128xi32, #tpu.memory_space<vmem>>)
        %dma_wait3A_493 = arith.constant 0 : i32
        %dma_wait3A_494 = arith.constant 0 : i32
        %dma_wait3A_495 = arith.constant 0 : i32
        %dma_wait3A_496 = tpu.memref_slice %arg4[%dma_wait3A_493, %dma_wait3A_494, %dma_wait3A_495] : memref<1280x2x128xi32, #tpu.memory_space<hbm>> -> memref<1x2x128xi32, #tpu.memory_space<hbm>>
        %dma_wait3A_497 = tpu.memref_squeeze %dma_wait3A_496 : memref<1x2x128xi32, #tpu.memory_space<hbm>> -> memref<2x128xi32, #tpu.memory_space<hbm>>
        %dma_wait3A_498 = arith.constant 0 : i32
        %dma_wait3A_499 = arith.constant 0 : i32
        %dma_wait3A_500 = tpu.memref_slice %arg4[%dma_wait3A_493, %dma_wait3A_498, %dma_wait3A_499] : memref<1280x2x128xi32, #tpu.memory_space<hbm>> -> memref<1x2x128xi32, #tpu.memory_space<hbm>>
        %dma_wait3A_501 = tpu.memref_squeeze %dma_wait3A_500 : memref<1x2x128xi32, #tpu.memory_space<hbm>> -> memref<2x128xi32, #tpu.memory_space<hbm>>
        tpu.wait_dma2 semaphore(%arg22 : memref<!tpu.dma_semaphore, #tpu.memory_space<semaphore_mem>>) src(%dma_wait3A_501 : memref<2x128xi32, #tpu.memory_space<hbm>>) dst(%arg16 : memref<2x128xi32, #tpu.memory_space<vmem>>)
        %dma_start3A_502 = arith.constant 0 : i32
        %dma_start3A_503 = arith.constant 0 : i32
        %dma_start3A_504 = arith.constant 0 : i32
        %dma_start3A_505 = tpu.memref_slice %arg18[%dma_start3A_503, %dma_start3A_504] : memref<256x64xf32, #tpu.memory_space<vmem>> -> memref<128x64xf32, #tpu.memory_space<vmem>>
        %dma_start3A_506 = arith.constant 0 : i32
        %dma_start3A_507 = tpu.memref_slice %arg14[%dma_start3A_502, %dma_start3A_506] : memref<2x128xi32, #tpu.memory_space<vmem>> -> memref<1x128xi32, #tpu.memory_space<vmem>>
        %dma_start3A_508 = tpu.memref_squeeze %dma_start3A_507 : memref<1x128xi32, #tpu.memory_space<vmem>> -> memref<128xi32, #tpu.memory_space<vmem>>
        %dma_start3A_509 = arith.constant 0 : i32
        %dma_start3A_510 = arith.constant 0 : i32
        %dma_start3A_511 = tpu.memref_slice %arg13[%dma_start3A_509, %dma_start3A_510] : memref<10112x64xf32, #tpu.memory_space<vmem_shared>> -> memref<10112x64xf32, #tpu.memory_space<vmem_shared>>
        tpu.enqueue_indirect_dma source(%dma_start3A_511 : memref<10112x64xf32, #tpu.memory_space<vmem_shared>>) target(%dma_start3A_505 : memref<128x64xf32, #tpu.memory_space<vmem>>) offsets(%dma_start3A_508 : memref<128xi32, #tpu.memory_space<vmem>>) semaphore(%arg24 : memref<!tpu.dma_semaphore, #tpu.memory_space<semaphore_mem>>)
        %dma_start3A_512 = arith.constant 1 : i32
        %dma_start3A_513 = arith.constant 128 : i32
        %dma_start3A_514 = arith.constant 0 : i32
        %dma_start3A_515 = tpu.memref_slice %arg18[%dma_start3A_513, %dma_start3A_514] : memref<256x64xf32, #tpu.memory_space<vmem>> -> memref<128x64xf32, #tpu.memory_space<vmem>>
        %dma_start3A_516 = arith.constant 0 : i32
        %dma_start3A_517 = tpu.memref_slice %arg14[%dma_start3A_512, %dma_start3A_516] : memref<2x128xi32, #tpu.memory_space<vmem>> -> memref<1x128xi32, #tpu.memory_space<vmem>>
        %dma_start3A_518 = tpu.memref_squeeze %dma_start3A_517 : memref<1x128xi32, #tpu.memory_space<vmem>> -> memref<128xi32, #tpu.memory_space<vmem>>
        %dma_start3A_519 = arith.constant 0 : i32
        %dma_start3A_520 = arith.constant 0 : i32
        %dma_start3A_521 = tpu.memref_slice %arg13[%dma_start3A_519, %dma_start3A_520] : memref<10112x64xf32, #tpu.memory_space<vmem_shared>> -> memref<10112x64xf32, #tpu.memory_space<vmem_shared>>
        tpu.enqueue_indirect_dma source(%dma_start3A_521 : memref<10112x64xf32, #tpu.memory_space<vmem_shared>>) target(%dma_start3A_515 : memref<128x64xf32, #tpu.memory_space<vmem>>) offsets(%dma_start3A_518 : memref<128xi32, #tpu.memory_space<vmem>>) semaphore(%arg24 : memref<!tpu.dma_semaphore, #tpu.memory_space<semaphore_mem>>)
        %dma_wait3A_522 = arith.constant 0 : i32
        %dma_wait3A_523 = arith.constant 0 : i32
        %dma_wait3A_524 = tpu.memref_slice %arg2[%dma_wait3A_522, %dma_wait3A_523] : memref<10112x64xf32, #tpu.memory_space<hbm>> -> memref<256x64xf32, #tpu.memory_space<hbm>>
        %dma_wait3A_525 = arith.constant 0 : i32
        %dma_wait3A_526 = arith.constant 0 : i32
        %dma_wait3A_527 = tpu.memref_slice %arg2[%dma_wait3A_525, %dma_wait3A_526] : memref<10112x64xf32, #tpu.memory_space<hbm>> -> memref<256x64xf32, #tpu.memory_space<hbm>>
        tpu.wait_dma2 semaphore(%arg25 : memref<!tpu.dma_semaphore, #tpu.memory_space<semaphore_mem>>) src(%dma_wait3A_527 : memref<256x64xf32, #tpu.memory_space<hbm>>) dst(%arg19 : memref<256x64xf32, #tpu.memory_space<vmem>>)
        %dma_start3A_528 = arith.constant 0 : i32
        %dma_start3A_529 = arith.constant 0 : i32
        %dma_start3A_530 = arith.constant 0 : i32
        %dma_start3A_531 = tpu.memref_slice %arg19[%dma_start3A_529, %dma_start3A_530] : memref<256x64xf32, #tpu.memory_space<vmem>> -> memref<128x64xf32, #tpu.memory_space<vmem>>
        %dma_start3A_532 = arith.constant 0 : i32
        %dma_start3A_533 = tpu.memref_slice %arg17[%dma_start3A_528, %dma_start3A_532] : memref<2x128xi32, #tpu.memory_space<vmem>> -> memref<1x128xi32, #tpu.memory_space<vmem>>
        %dma_start3A_534 = tpu.memref_squeeze %dma_start3A_533 : memref<1x128xi32, #tpu.memory_space<vmem>> -> memref<128xi32, #tpu.memory_space<vmem>>
        %dma_start3A_535 = arith.constant 0 : i32
        %dma_start3A_536 = arith.constant 0 : i32
        %dma_start3A_537 = tpu.memref_slice %arg12[%dma_start3A_535, %dma_start3A_536] : memref<10112x64xf32, #tpu.memory_space<vmem_shared>> -> memref<10112x64xf32, #tpu.memory_space<vmem_shared>>
        tpu.enqueue_indirect_dma source(%dma_start3A_531 : memref<128x64xf32, #tpu.memory_space<vmem>>) target(%dma_start3A_537 : memref<10112x64xf32, #tpu.memory_space<vmem_shared>>) offsets(%dma_start3A_534 : memref<128xi32, #tpu.memory_space<vmem>>) semaphore(%arg27 : memref<!tpu.dma_semaphore, #tpu.memory_space<semaphore_mem>>) {add = true}
        %dma_start3A_538 = arith.constant 1 : i32
        %dma_start3A_539 = arith.constant 128 : i32
        %dma_start3A_540 = arith.constant 0 : i32
        %dma_start3A_541 = tpu.memref_slice %arg19[%dma_start3A_539, %dma_start3A_540] : memref<256x64xf32, #tpu.memory_space<vmem>> -> memref<128x64xf32, #tpu.memory_space<vmem>>
        %dma_start3A_542 = arith.constant 0 : i32
        %dma_start3A_543 = tpu.memref_slice %arg17[%dma_start3A_538, %dma_start3A_542] : memref<2x128xi32, #tpu.memory_space<vmem>> -> memref<1x128xi32, #tpu.memory_space<vmem>>
        %dma_start3A_544 = tpu.memref_squeeze %dma_start3A_543 : memref<1x128xi32, #tpu.memory_space<vmem>> -> memref<128xi32, #tpu.memory_space<vmem>>
        %dma_start3A_545 = arith.constant 0 : i32
        %dma_start3A_546 = arith.constant 0 : i32
        %dma_start3A_547 = tpu.memref_slice %arg12[%dma_start3A_545, %dma_start3A_546] : memref<10112x64xf32, #tpu.memory_space<vmem_shared>> -> memref<10112x64xf32, #tpu.memory_space<vmem_shared>>
        tpu.enqueue_indirect_dma source(%dma_start3A_541 : memref<128x64xf32, #tpu.memory_space<vmem>>) target(%dma_start3A_547 : memref<10112x64xf32, #tpu.memory_space<vmem_shared>>) offsets(%dma_start3A_544 : memref<128xi32, #tpu.memory_space<vmem>>) semaphore(%arg27 : memref<!tpu.dma_semaphore, #tpu.memory_space<semaphore_mem>>) {add = true}
        %dma_wait3A_548 = arith.constant 0 : i32
        %dma_wait3A_549 = arith.constant 0 : i32
        %dma_wait3A_550 = tpu.memref_slice %arg2[%dma_wait3A_548, %dma_wait3A_549] : memref<10112x64xf32, #tpu.memory_space<hbm>> -> memref<256x64xf32, #tpu.memory_space<hbm>>
        %dma_wait3A_551 = arith.constant 0 : i32
        %dma_wait3A_552 = arith.constant 0 : i32
        %dma_wait3A_553 = tpu.memref_slice %arg2[%dma_wait3A_551, %dma_wait3A_552] : memref<10112x64xf32, #tpu.memory_space<hbm>> -> memref<256x64xf32, #tpu.memory_space<hbm>>
        tpu.wait_dma2 semaphore(%arg27 : memref<!tpu.dma_semaphore, #tpu.memory_space<semaphore_mem>>) src(%dma_wait3A_553 : memref<256x64xf32, #tpu.memory_space<hbm>>) dst(%arg19 : memref<256x64xf32, #tpu.memory_space<vmem>>)
        %add3A_554 = arith.constant 3 : i32
        %add3A_555 = arith.addi %mul3A_393, %add3A_554 : i32
        %add3A_556 = arith.addi %mul3A_23, %add3A_555 : i32
        %dma_start3A_557 = arith.constant 0 : i32
        %dma_start3A_558 = arith.constant 0 : i32
        %dma_start3A_559 = tpu.memref_slice %arg4[%add3A_556, %dma_start3A_557, %dma_start3A_558] : memref<1280x2x128xi32, #tpu.memory_space<hbm>> -> memref<1x2x128xi32, #tpu.memory_space<hbm>>
        %dma_start3A_560 = tpu.memref_squeeze %dma_start3A_559 : memref<1x2x128xi32, #tpu.memory_space<hbm>> -> memref<2x128xi32, #tpu.memory_space<hbm>>
        %dma_start3A_561 = arith.constant 0 : i32
        %dma_start3A_562 = arith.constant 0 : i32
        %dma_start3A_563 = tpu.memref_slice %arg4[%add3A_556, %dma_start3A_561, %dma_start3A_562] : memref<1280x2x128xi32, #tpu.memory_space<hbm>> -> memref<1x2x128xi32, #tpu.memory_space<hbm>>
        %dma_start3A_564 = tpu.memref_squeeze %dma_start3A_563 : memref<1x2x128xi32, #tpu.memory_space<hbm>> -> memref<2x128xi32, #tpu.memory_space<hbm>>
        tpu.enqueue_dma source(%dma_start3A_564 : memref<2x128xi32, #tpu.memory_space<hbm>>) target(%arg15 : memref<2x128xi32, #tpu.memory_space<vmem>>) target_semaphore(%arg23 : memref<!tpu.dma_semaphore, #tpu.memory_space<semaphore_mem>>)
        %add3A_565 = arith.addi %mul3A_23, %add3A_555 : i32
        %dma_start3A_566 = arith.constant 0 : i32
        %dma_start3A_567 = arith.constant 0 : i32
        %dma_start3A_568 = tpu.memref_slice %arg5[%add3A_565, %dma_start3A_566, %dma_start3A_567] : memref<1280x2x128xi32, #tpu.memory_space<hbm>> -> memref<1x2x128xi32, #tpu.memory_space<hbm>>
        %dma_start3A_569 = tpu.memref_squeeze %dma_start3A_568 : memref<1x2x128xi32, #tpu.memory_space<hbm>> -> memref<2x128xi32, #tpu.memory_space<hbm>>
        %dma_start3A_570 = arith.constant 0 : i32
        %dma_start3A_571 = arith.constant 0 : i32
        %dma_start3A_572 = tpu.memref_slice %arg5[%add3A_565, %dma_start3A_570, %dma_start3A_571] : memref<1280x2x128xi32, #tpu.memory_space<hbm>> -> memref<1x2x128xi32, #tpu.memory_space<hbm>>
        %dma_start3A_573 = tpu.memref_squeeze %dma_start3A_572 : memref<1x2x128xi32, #tpu.memory_space<hbm>> -> memref<2x128xi32, #tpu.memory_space<hbm>>
        tpu.enqueue_dma source(%dma_start3A_573 : memref<2x128xi32, #tpu.memory_space<hbm>>) target(%arg17 : memref<2x128xi32, #tpu.memory_space<vmem>>) target_semaphore(%arg23 : memref<!tpu.dma_semaphore, #tpu.memory_space<semaphore_mem>>)
      }
      %scan3A_105 = arith.constant 39 : i32
      %dma_wait3A_106 = arith.constant 0 : i32
      %dma_wait3A_107 = arith.constant 0 : i32
      %dma_wait3A_108 = arith.constant 0 : i32
      %dma_wait3A_109 = tpu.memref_slice %arg4[%dma_wait3A_106, %dma_wait3A_107, %dma_wait3A_108] : memref<1280x2x128xi32, #tpu.memory_space<hbm>> -> memref<1x2x128xi32, #tpu.memory_space<hbm>>
      %dma_wait3A_110 = tpu.memref_squeeze %dma_wait3A_109 : memref<1x2x128xi32, #tpu.memory_space<hbm>> -> memref<2x128xi32, #tpu.memory_space<hbm>>
      %dma_wait3A_111 = arith.constant 0 : i32
      %dma_wait3A_112 = arith.constant 0 : i32
      %dma_wait3A_113 = tpu.memref_slice %arg4[%dma_wait3A_106, %dma_wait3A_111, %dma_wait3A_112] : memref<1280x2x128xi32, #tpu.memory_space<hbm>> -> memref<1x2x128xi32, #tpu.memory_space<hbm>>
      %dma_wait3A_114 = tpu.memref_squeeze %dma_wait3A_113 : memref<1x2x128xi32, #tpu.memory_space<hbm>> -> memref<2x128xi32, #tpu.memory_space<hbm>>
      tpu.wait_dma2 semaphore(%arg23 : memref<!tpu.dma_semaphore, #tpu.memory_space<semaphore_mem>>) src(%dma_wait3A_114 : memref<2x128xi32, #tpu.memory_space<hbm>>) dst(%arg15 : memref<2x128xi32, #tpu.memory_space<vmem>>)
      %dma_wait3A_115 = arith.constant 0 : i32
      %dma_wait3A_116 = arith.constant 0 : i32
      %dma_wait3A_117 = arith.constant 0 : i32
      %dma_wait3A_118 = tpu.memref_slice %arg4[%dma_wait3A_115, %dma_wait3A_116, %dma_wait3A_117] : memref<1280x2x128xi32, #tpu.memory_space<hbm>> -> memref<1x2x128xi32, #tpu.memory_space<hbm>>
      %dma_wait3A_119 = tpu.memref_squeeze %dma_wait3A_118 : memref<1x2x128xi32, #tpu.memory_space<hbm>> -> memref<2x128xi32, #tpu.memory_space<hbm>>
      %dma_wait3A_120 = arith.constant 0 : i32
      %dma_wait3A_121 = arith.constant 0 : i32
      %dma_wait3A_122 = tpu.memref_slice %arg4[%dma_wait3A_115, %dma_wait3A_120, %dma_wait3A_121] : memref<1280x2x128xi32, #tpu.memory_space<hbm>> -> memref<1x2x128xi32, #tpu.memory_space<hbm>>
      %dma_wait3A_123 = tpu.memref_squeeze %dma_wait3A_122 : memref<1x2x128xi32, #tpu.memory_space<hbm>> -> memref<2x128xi32, #tpu.memory_space<hbm>>
      tpu.wait_dma2 semaphore(%arg23 : memref<!tpu.dma_semaphore, #tpu.memory_space<semaphore_mem>>) src(%dma_wait3A_123 : memref<2x128xi32, #tpu.memory_space<hbm>>) dst(%arg17 : memref<2x128xi32, #tpu.memory_space<vmem>>)
      %dma_start3A_124 = arith.constant 0 : i32
      %dma_start3A_125 = arith.constant 0 : i32
      %dma_start3A_126 = arith.constant 0 : i32
      %dma_start3A_127 = tpu.memref_slice %arg19[%dma_start3A_125, %dma_start3A_126] : memref<256x64xf32, #tpu.memory_space<vmem>> -> memref<128x64xf32, #tpu.memory_space<vmem>>
      %dma_start3A_128 = arith.constant 0 : i32
      %dma_start3A_129 = tpu.memref_slice %arg15[%dma_start3A_124, %dma_start3A_128] : memref<2x128xi32, #tpu.memory_space<vmem>> -> memref<1x128xi32, #tpu.memory_space<vmem>>
      %dma_start3A_130 = tpu.memref_squeeze %dma_start3A_129 : memref<1x128xi32, #tpu.memory_space<vmem>> -> memref<128xi32, #tpu.memory_space<vmem>>
      %dma_start3A_131 = arith.constant 0 : i32
      %dma_start3A_132 = arith.constant 0 : i32
      %dma_start3A_133 = tpu.memref_slice %arg13[%dma_start3A_131, %dma_start3A_132] : memref<10112x64xf32, #tpu.memory_space<vmem_shared>> -> memref<10112x64xf32, #tpu.memory_space<vmem_shared>>
      tpu.enqueue_indirect_dma source(%dma_start3A_133 : memref<10112x64xf32, #tpu.memory_space<vmem_shared>>) target(%dma_start3A_127 : memref<128x64xf32, #tpu.memory_space<vmem>>) offsets(%dma_start3A_130 : memref<128xi32, #tpu.memory_space<vmem>>) semaphore(%arg25 : memref<!tpu.dma_semaphore, #tpu.memory_space<semaphore_mem>>)
      %dma_start3A_134 = arith.constant 1 : i32
      %dma_start3A_135 = arith.constant 128 : i32
      %dma_start3A_136 = arith.constant 0 : i32
      %dma_start3A_137 = tpu.memref_slice %arg19[%dma_start3A_135, %dma_start3A_136] : memref<256x64xf32, #tpu.memory_space<vmem>> -> memref<128x64xf32, #tpu.memory_space<vmem>>
      %dma_start3A_138 = arith.constant 0 : i32
      %dma_start3A_139 = tpu.memref_slice %arg15[%dma_start3A_134, %dma_start3A_138] : memref<2x128xi32, #tpu.memory_space<vmem>> -> memref<1x128xi32, #tpu.memory_space<vmem>>
      %dma_start3A_140 = tpu.memref_squeeze %dma_start3A_139 : memref<1x128xi32, #tpu.memory_space<vmem>> -> memref<128xi32, #tpu.memory_space<vmem>>
      %dma_start3A_141 = arith.constant 0 : i32
      %dma_start3A_142 = arith.constant 0 : i32
      %dma_start3A_143 = tpu.memref_slice %arg13[%dma_start3A_141, %dma_start3A_142] : memref<10112x64xf32, #tpu.memory_space<vmem_shared>> -> memref<10112x64xf32, #tpu.memory_space<vmem_shared>>
      tpu.enqueue_indirect_dma source(%dma_start3A_143 : memref<10112x64xf32, #tpu.memory_space<vmem_shared>>) target(%dma_start3A_137 : memref<128x64xf32, #tpu.memory_space<vmem>>) offsets(%dma_start3A_140 : memref<128xi32, #tpu.memory_space<vmem>>) semaphore(%arg25 : memref<!tpu.dma_semaphore, #tpu.memory_space<semaphore_mem>>)
      %dma_wait3A_144 = arith.constant 0 : i32
      %dma_wait3A_145 = arith.constant 0 : i32
      %dma_wait3A_146 = tpu.memref_slice %arg2[%dma_wait3A_144, %dma_wait3A_145] : memref<10112x64xf32, #tpu.memory_space<hbm>> -> memref<256x64xf32, #tpu.memory_space<hbm>>
      %dma_wait3A_147 = arith.constant 0 : i32
      %dma_wait3A_148 = arith.constant 0 : i32
      %dma_wait3A_149 = tpu.memref_slice %arg2[%dma_wait3A_147, %dma_wait3A_148] : memref<10112x64xf32, #tpu.memory_space<hbm>> -> memref<256x64xf32, #tpu.memory_space<hbm>>
      tpu.wait_dma2 semaphore(%arg24 : memref<!tpu.dma_semaphore, #tpu.memory_space<semaphore_mem>>) src(%dma_wait3A_149 : memref<256x64xf32, #tpu.memory_space<hbm>>) dst(%arg18 : memref<256x64xf32, #tpu.memory_space<vmem>>)
      %dma_start3A_150 = arith.constant 0 : i32
      %dma_start3A_151 = arith.constant 0 : i32
      %dma_start3A_152 = arith.constant 0 : i32
      %dma_start3A_153 = tpu.memref_slice %arg18[%dma_start3A_151, %dma_start3A_152] : memref<256x64xf32, #tpu.memory_space<vmem>> -> memref<128x64xf32, #tpu.memory_space<vmem>>
      %dma_start3A_154 = arith.constant 0 : i32
      %dma_start3A_155 = tpu.memref_slice %arg16[%dma_start3A_150, %dma_start3A_154] : memref<2x128xi32, #tpu.memory_space<vmem>> -> memref<1x128xi32, #tpu.memory_space<vmem>>
      %dma_start3A_156 = tpu.memref_squeeze %dma_start3A_155 : memref<1x128xi32, #tpu.memory_space<vmem>> -> memref<128xi32, #tpu.memory_space<vmem>>
      %dma_start3A_157 = arith.constant 0 : i32
      %dma_start3A_158 = arith.constant 0 : i32
      %dma_start3A_159 = tpu.memref_slice %arg12[%dma_start3A_157, %dma_start3A_158] : memref<10112x64xf32, #tpu.memory_space<vmem_shared>> -> memref<10112x64xf32, #tpu.memory_space<vmem_shared>>
      tpu.enqueue_indirect_dma source(%dma_start3A_153 : memref<128x64xf32, #tpu.memory_space<vmem>>) target(%dma_start3A_159 : memref<10112x64xf32, #tpu.memory_space<vmem_shared>>) offsets(%dma_start3A_156 : memref<128xi32, #tpu.memory_space<vmem>>) semaphore(%arg26 : memref<!tpu.dma_semaphore, #tpu.memory_space<semaphore_mem>>) {add = true}
      %dma_start3A_160 = arith.constant 1 : i32
      %dma_start3A_161 = arith.constant 128 : i32
      %dma_start3A_162 = arith.constant 0 : i32
      %dma_start3A_163 = tpu.memref_slice %arg18[%dma_start3A_161, %dma_start3A_162] : memref<256x64xf32, #tpu.memory_space<vmem>> -> memref<128x64xf32, #tpu.memory_space<vmem>>
      %dma_start3A_164 = arith.constant 0 : i32
      %dma_start3A_165 = tpu.memref_slice %arg16[%dma_start3A_160, %dma_start3A_164] : memref<2x128xi32, #tpu.memory_space<vmem>> -> memref<1x128xi32, #tpu.memory_space<vmem>>
      %dma_start3A_166 = tpu.memref_squeeze %dma_start3A_165 : memref<1x128xi32, #tpu.memory_space<vmem>> -> memref<128xi32, #tpu.memory_space<vmem>>
      %dma_start3A_167 = arith.constant 0 : i32
      %dma_start3A_168 = arith.constant 0 : i32
      %dma_start3A_169 = tpu.memref_slice %arg12[%dma_start3A_167, %dma_start3A_168] : memref<10112x64xf32, #tpu.memory_space<vmem_shared>> -> memref<10112x64xf32, #tpu.memory_space<vmem_shared>>
      tpu.enqueue_indirect_dma source(%dma_start3A_163 : memref<128x64xf32, #tpu.memory_space<vmem>>) target(%dma_start3A_169 : memref<10112x64xf32, #tpu.memory_space<vmem_shared>>) offsets(%dma_start3A_166 : memref<128xi32, #tpu.memory_space<vmem>>) semaphore(%arg26 : memref<!tpu.dma_semaphore, #tpu.memory_space<semaphore_mem>>) {add = true}
      %dma_wait3A_170 = arith.constant 0 : i32
      %dma_wait3A_171 = arith.constant 0 : i32
      %dma_wait3A_172 = tpu.memref_slice %arg2[%dma_wait3A_170, %dma_wait3A_171] : memref<10112x64xf32, #tpu.memory_space<hbm>> -> memref<256x64xf32, #tpu.memory_space<hbm>>
      %dma_wait3A_173 = arith.constant 0 : i32
      %dma_wait3A_174 = arith.constant 0 : i32
      %dma_wait3A_175 = tpu.memref_slice %arg2[%dma_wait3A_173, %dma_wait3A_174] : memref<10112x64xf32, #tpu.memory_space<hbm>> -> memref<256x64xf32, #tpu.memory_space<hbm>>
      tpu.wait_dma2 semaphore(%arg26 : memref<!tpu.dma_semaphore, #tpu.memory_space<semaphore_mem>>) src(%dma_wait3A_175 : memref<256x64xf32, #tpu.memory_space<hbm>>) dst(%arg18 : memref<256x64xf32, #tpu.memory_space<vmem>>)
      %dma_wait3A_176 = arith.constant 0 : i32
      %dma_wait3A_177 = arith.constant 0 : i32
      %dma_wait3A_178 = tpu.memref_slice %arg2[%dma_wait3A_176, %dma_wait3A_177] : memref<10112x64xf32, #tpu.memory_space<hbm>> -> memref<256x64xf32, #tpu.memory_space<hbm>>
      %dma_wait3A_179 = arith.constant 0 : i32
      %dma_wait3A_180 = arith.constant 0 : i32
      %dma_wait3A_181 = tpu.memref_slice %arg2[%dma_wait3A_179, %dma_wait3A_180] : memref<10112x64xf32, #tpu.memory_space<hbm>> -> memref<256x64xf32, #tpu.memory_space<hbm>>
      tpu.wait_dma2 semaphore(%arg25 : memref<!tpu.dma_semaphore, #tpu.memory_space<semaphore_mem>>) src(%dma_wait3A_181 : memref<256x64xf32, #tpu.memory_space<hbm>>) dst(%arg19 : memref<256x64xf32, #tpu.memory_space<vmem>>)
      %dma_start3A_182 = arith.constant 0 : i32
      %dma_start3A_183 = arith.constant 0 : i32
      %dma_start3A_184 = arith.constant 0 : i32
      %dma_start3A_185 = tpu.memref_slice %arg19[%dma_start3A_183, %dma_start3A_184] : memref<256x64xf32, #tpu.memory_space<vmem>> -> memref<128x64xf32, #tpu.memory_space<vmem>>
      %dma_start3A_186 = arith.constant 0 : i32
      %dma_start3A_187 = tpu.memref_slice %arg17[%dma_start3A_182, %dma_start3A_186] : memref<2x128xi32, #tpu.memory_space<vmem>> -> memref<1x128xi32, #tpu.memory_space<vmem>>
      %dma_start3A_188 = tpu.memref_squeeze %dma_start3A_187 : memref<1x128xi32, #tpu.memory_space<vmem>> -> memref<128xi32, #tpu.memory_space<vmem>>
      %dma_start3A_189 = arith.constant 0 : i32
      %dma_start3A_190 = arith.constant 0 : i32
      %dma_start3A_191 = tpu.memref_slice %arg12[%dma_start3A_189, %dma_start3A_190] : memref<10112x64xf32, #tpu.memory_space<vmem_shared>> -> memref<10112x64xf32, #tpu.memory_space<vmem_shared>>
      tpu.enqueue_indirect_dma source(%dma_start3A_185 : memref<128x64xf32, #tpu.memory_space<vmem>>) target(%dma_start3A_191 : memref<10112x64xf32, #tpu.memory_space<vmem_shared>>) offsets(%dma_start3A_188 : memref<128xi32, #tpu.memory_space<vmem>>) semaphore(%arg27 : memref<!tpu.dma_semaphore, #tpu.memory_space<semaphore_mem>>) {add = true}
      %dma_start3A_192 = arith.constant 1 : i32
      %dma_start3A_193 = arith.constant 128 : i32
      %dma_start3A_194 = arith.constant 0 : i32
      %dma_start3A_195 = tpu.memref_slice %arg19[%dma_start3A_193, %dma_start3A_194] : memref<256x64xf32, #tpu.memory_space<vmem>> -> memref<128x64xf32, #tpu.memory_space<vmem>>
      %dma_start3A_196 = arith.constant 0 : i32
      %dma_start3A_197 = tpu.memref_slice %arg17[%dma_start3A_192, %dma_start3A_196] : memref<2x128xi32, #tpu.memory_space<vmem>> -> memref<1x128xi32, #tpu.memory_space<vmem>>
      %dma_start3A_198 = tpu.memref_squeeze %dma_start3A_197 : memref<1x128xi32, #tpu.memory_space<vmem>> -> memref<128xi32, #tpu.memory_space<vmem>>
      %dma_start3A_199 = arith.constant 0 : i32
      %dma_start3A_200 = arith.constant 0 : i32
      %dma_start3A_201 = tpu.memref_slice %arg12[%dma_start3A_199, %dma_start3A_200] : memref<10112x64xf32, #tpu.memory_space<vmem_shared>> -> memref<10112x64xf32, #tpu.memory_space<vmem_shared>>
      tpu.enqueue_indirect_dma source(%dma_start3A_195 : memref<128x64xf32, #tpu.memory_space<vmem>>) target(%dma_start3A_201 : memref<10112x64xf32, #tpu.memory_space<vmem_shared>>) offsets(%dma_start3A_198 : memref<128xi32, #tpu.memory_space<vmem>>) semaphore(%arg27 : memref<!tpu.dma_semaphore, #tpu.memory_space<semaphore_mem>>) {add = true}
      %dma_wait3A_202 = arith.constant 0 : i32
      %dma_wait3A_203 = arith.constant 0 : i32
      %dma_wait3A_204 = tpu.memref_slice %arg2[%dma_wait3A_202, %dma_wait3A_203] : memref<10112x64xf32, #tpu.memory_space<hbm>> -> memref<256x64xf32, #tpu.memory_space<hbm>>
      %dma_wait3A_205 = arith.constant 0 : i32
      %dma_wait3A_206 = arith.constant 0 : i32
      %dma_wait3A_207 = tpu.memref_slice %arg2[%dma_wait3A_205, %dma_wait3A_206] : memref<10112x64xf32, #tpu.memory_space<hbm>> -> memref<256x64xf32, #tpu.memory_space<hbm>>
      tpu.wait_dma2 semaphore(%arg27 : memref<!tpu.dma_semaphore, #tpu.memory_space<semaphore_mem>>) src(%dma_wait3A_207 : memref<256x64xf32, #tpu.memory_space<hbm>>) dst(%arg19 : memref<256x64xf32, #tpu.memory_space<vmem>>)
      %barrier3A_208 = arith.constant 0 : index
      tpu.barrier barrier_id(%barrier3A_208)
      %run_scoped3A = arith.constant 1 : i32
      "tpu.region"() ({
        %run_scoped3A_391 = tpu.sem_alloc : memref<!tpu.dma_semaphore, #tpu.memory_space<semaphore_mem>>
        %dma_start3A_392 = arith.constant 0 : i32
        %dma_start3A_393 = arith.constant 0 : i32
        %dma_start3A_394 = tpu.memref_slice %arg6[%run_scoped3A, %arg1, %dma_start3A_392, %dma_start3A_393] : memref<2x16x3x128xi32, #tpu.memory_space<hbm>> -> memref<1x1x3x128xi32, #tpu.memory_space<hbm>>
        %dma_start3A_395 = tpu.memref_squeeze %dma_start3A_394 : memref<1x1x3x128xi32, #tpu.memory_space<hbm>> -> memref<3x128xi32, #tpu.memory_space<hbm>>
        %dma_start3A_396 = arith.constant 0 : i32
        %dma_start3A_397 = arith.constant 0 : i32
        %dma_start3A_398 = tpu.memref_slice %arg6[%run_scoped3A, %arg1, %dma_start3A_396, %dma_start3A_397] : memref<2x16x3x128xi32, #tpu.memory_space<hbm>> -> memref<1x1x3x128xi32, #tpu.memory_space<hbm>>
        %dma_start3A_399 = tpu.memref_squeeze %dma_start3A_398 : memref<1x1x3x128xi32, #tpu.memory_space<hbm>> -> memref<3x128xi32, #tpu.memory_space<hbm>>
        tpu.enqueue_dma source(%dma_start3A_399 : memref<3x128xi32, #tpu.memory_space<hbm>>) target(%arg20 : memref<3x128xi32, #tpu.memory_space<vmem>>) target_semaphore(%run_scoped3A_391 : memref<!tpu.dma_semaphore, #tpu.memory_space<semaphore_mem>>)
        %dma_wait3A_400 = arith.constant 0 : i32
        %dma_wait3A_401 = arith.constant 0 : i32
        %dma_wait3A_402 = tpu.memref_slice %arg6[%run_scoped3A, %arg1, %dma_wait3A_400, %dma_wait3A_401] : memref<2x16x3x128xi32, #tpu.memory_space<hbm>> -> memref<1x1x3x128xi32, #tpu.memory_space<hbm>>
        %dma_wait3A_403 = tpu.memref_squeeze %dma_wait3A_402 : memref<1x1x3x128xi32, #tpu.memory_space<hbm>> -> memref<3x128xi32, #tpu.memory_space<hbm>>
        %dma_wait3A_404 = arith.constant 0 : i32
        %dma_wait3A_405 = arith.constant 0 : i32
        %dma_wait3A_406 = tpu.memref_slice %arg6[%run_scoped3A, %arg1, %dma_wait3A_404, %dma_wait3A_405] : memref<2x16x3x128xi32, #tpu.memory_space<hbm>> -> memref<1x1x3x128xi32, #tpu.memory_space<hbm>>
        %dma_wait3A_407 = tpu.memref_squeeze %dma_wait3A_406 : memref<1x1x3x128xi32, #tpu.memory_space<hbm>> -> memref<3x128xi32, #tpu.memory_space<hbm>>
        tpu.wait_dma2 semaphore(%run_scoped3A_391 : memref<!tpu.dma_semaphore, #tpu.memory_space<semaphore_mem>>) src(%dma_wait3A_407 : memref<3x128xi32, #tpu.memory_space<hbm>>) dst(%arg20 : memref<3x128xi32, #tpu.memory_space<vmem>>)
        tpu.yield
      }) : () -> ()
      %dma_start3A_209 = arith.constant 0 : i32
      %dma_start3A_210 = arith.constant 0 : i32
      %dma_start3A_211 = arith.constant 0 : i32
      %dma_start3A_212 = tpu.memref_slice %arg21[%dma_start3A_210, %dma_start3A_211] : memref<384x16xf32, #tpu.memory_space<vmem>> -> memref<128x16xf32, #tpu.memory_space<vmem>>
      %dma_start3A_213 = arith.constant 0 : i32
      %dma_start3A_214 = tpu.memref_slice %arg20[%dma_start3A_209, %dma_start3A_213] : memref<3x128xi32, #tpu.memory_space<vmem>> -> memref<1x128xi32, #tpu.memory_space<vmem>>
      %dma_start3A_215 = tpu.memref_squeeze %dma_start3A_214 : memref<1x128xi32, #tpu.memory_space<vmem>> -> memref<128xi32, #tpu.memory_space<vmem>>
      %dma_start3A_216 = arith.constant 0 : i32
      %dma_start3A_217 = arith.constant 0 : i32
      %dma_start3A_218 = tpu.memref_slice %arg8[%dma_start3A_216, %dma_start3A_217] : memref<10000x16xf32, #tpu.memory_space<hbm>> -> memref<10000x16xf32, #tpu.memory_space<hbm>>
      tpu.enqueue_indirect_dma source(%dma_start3A_218 : memref<10000x16xf32, #tpu.memory_space<hbm>>) target(%dma_start3A_212 : memref<128x16xf32, #tpu.memory_space<vmem>>) offsets(%dma_start3A_215 : memref<128xi32, #tpu.memory_space<vmem>>) semaphore(%arg25 : memref<!tpu.dma_semaphore, #tpu.memory_space<semaphore_mem>>)
      %dma_start3A_219 = arith.constant 1 : i32
      %dma_start3A_220 = arith.constant 128 : i32
      %dma_start3A_221 = arith.constant 0 : i32
      %dma_start3A_222 = tpu.memref_slice %arg21[%dma_start3A_220, %dma_start3A_221] : memref<384x16xf32, #tpu.memory_space<vmem>> -> memref<128x16xf32, #tpu.memory_space<vmem>>
      %dma_start3A_223 = arith.constant 0 : i32
      %dma_start3A_224 = tpu.memref_slice %arg20[%dma_start3A_219, %dma_start3A_223] : memref<3x128xi32, #tpu.memory_space<vmem>> -> memref<1x128xi32, #tpu.memory_space<vmem>>
      %dma_start3A_225 = tpu.memref_squeeze %dma_start3A_224 : memref<1x128xi32, #tpu.memory_space<vmem>> -> memref<128xi32, #tpu.memory_space<vmem>>
      %dma_start3A_226 = arith.constant 0 : i32
      %dma_start3A_227 = arith.constant 0 : i32
      %dma_start3A_228 = tpu.memref_slice %arg8[%dma_start3A_226, %dma_start3A_227] : memref<10000x16xf32, #tpu.memory_space<hbm>> -> memref<10000x16xf32, #tpu.memory_space<hbm>>
      tpu.enqueue_indirect_dma source(%dma_start3A_228 : memref<10000x16xf32, #tpu.memory_space<hbm>>) target(%dma_start3A_222 : memref<128x16xf32, #tpu.memory_space<vmem>>) offsets(%dma_start3A_225 : memref<128xi32, #tpu.memory_space<vmem>>) semaphore(%arg25 : memref<!tpu.dma_semaphore, #tpu.memory_space<semaphore_mem>>)
      %dma_start3A_229 = arith.constant 2 : i32
      %dma_start3A_230 = arith.constant 256 : i32
      %dma_start3A_231 = arith.constant 0 : i32
      %dma_start3A_232 = tpu.memref_slice %arg21[%dma_start3A_230, %dma_start3A_231] : memref<384x16xf32, #tpu.memory_space<vmem>> -> memref<128x16xf32, #tpu.memory_space<vmem>>
      %dma_start3A_233 = arith.constant 0 : i32
      %dma_start3A_234 = tpu.memref_slice %arg20[%dma_start3A_229, %dma_start3A_233] : memref<3x128xi32, #tpu.memory_space<vmem>> -> memref<1x128xi32, #tpu.memory_space<vmem>>
      %dma_start3A_235 = tpu.memref_squeeze %dma_start3A_234 : memref<1x128xi32, #tpu.memory_space<vmem>> -> memref<128xi32, #tpu.memory_space<vmem>>
      %dma_start3A_236 = arith.constant 0 : i32
      %dma_start3A_237 = arith.constant 0 : i32
      %dma_start3A_238 = tpu.memref_slice %arg8[%dma_start3A_236, %dma_start3A_237] : memref<10000x16xf32, #tpu.memory_space<hbm>> -> memref<10000x16xf32, #tpu.memory_space<hbm>>
      tpu.enqueue_indirect_dma source(%dma_start3A_238 : memref<10000x16xf32, #tpu.memory_space<hbm>>) target(%dma_start3A_232 : memref<128x16xf32, #tpu.memory_space<vmem>>) offsets(%dma_start3A_235 : memref<128xi32, #tpu.memory_space<vmem>>) semaphore(%arg25 : memref<!tpu.dma_semaphore, #tpu.memory_space<semaphore_mem>>)
      %dma_start3A_239 = arith.constant 0 : i32
      %dma_start3A_240 = arith.constant 0 : i32
      %dma_start3A_241 = arith.constant 0 : i32
      %dma_start3A_242 = tpu.memref_slice %arg18[%dma_start3A_240, %dma_start3A_241] : memref<256x64xf32, #tpu.memory_space<vmem>> -> memref<128x64xf32, #tpu.memory_space<vmem>>
      %dma_start3A_243 = arith.constant 0 : i32
      %dma_start3A_244 = tpu.memref_slice %arg20[%dma_start3A_239, %dma_start3A_243] : memref<3x128xi32, #tpu.memory_space<vmem>> -> memref<1x128xi32, #tpu.memory_space<vmem>>
      %dma_start3A_245 = tpu.memref_squeeze %dma_start3A_244 : memref<1x128xi32, #tpu.memory_space<vmem>> -> memref<128xi32, #tpu.memory_space<vmem>>
      %dma_start3A_246 = arith.constant 0 : i32
      %dma_start3A_247 = arith.constant 0 : i32
      %dma_start3A_248 = tpu.memref_slice %arg12[%dma_start3A_246, %dma_start3A_247] : memref<10112x64xf32, #tpu.memory_space<vmem_shared>> -> memref<10112x64xf32, #tpu.memory_space<vmem_shared>>
      tpu.enqueue_indirect_dma source(%dma_start3A_248 : memref<10112x64xf32, #tpu.memory_space<vmem_shared>>) target(%dma_start3A_242 : memref<128x64xf32, #tpu.memory_space<vmem>>) offsets(%dma_start3A_245 : memref<128xi32, #tpu.memory_space<vmem>>) semaphore(%arg22 : memref<!tpu.dma_semaphore, #tpu.memory_space<semaphore_mem>>)
      %dma_start3A_249 = arith.constant 1 : i32
      %dma_start3A_250 = arith.constant 128 : i32
      %dma_start3A_251 = arith.constant 0 : i32
      %dma_start3A_252 = tpu.memref_slice %arg18[%dma_start3A_250, %dma_start3A_251] : memref<256x64xf32, #tpu.memory_space<vmem>> -> memref<128x64xf32, #tpu.memory_space<vmem>>
      %dma_start3A_253 = arith.constant 0 : i32
      %dma_start3A_254 = tpu.memref_slice %arg20[%dma_start3A_249, %dma_start3A_253] : memref<3x128xi32, #tpu.memory_space<vmem>> -> memref<1x128xi32, #tpu.memory_space<vmem>>
      %dma_start3A_255 = tpu.memref_squeeze %dma_start3A_254 : memref<1x128xi32, #tpu.memory_space<vmem>> -> memref<128xi32, #tpu.memory_space<vmem>>
      %dma_start3A_256 = arith.constant 0 : i32
      %dma_start3A_257 = arith.constant 0 : i32
      %dma_start3A_258 = tpu.memref_slice %arg12[%dma_start3A_256, %dma_start3A_257] : memref<10112x64xf32, #tpu.memory_space<vmem_shared>> -> memref<10112x64xf32, #tpu.memory_space<vmem_shared>>
      tpu.enqueue_indirect_dma source(%dma_start3A_258 : memref<10112x64xf32, #tpu.memory_space<vmem_shared>>) target(%dma_start3A_252 : memref<128x64xf32, #tpu.memory_space<vmem>>) offsets(%dma_start3A_255 : memref<128xi32, #tpu.memory_space<vmem>>) semaphore(%arg22 : memref<!tpu.dma_semaphore, #tpu.memory_space<semaphore_mem>>)
      %dma_start3A_259 = arith.constant 2 : i32
      %dma_start3A_260 = arith.constant 0 : i32
      %dma_start3A_261 = arith.constant 0 : i32
      %dma_start3A_262 = tpu.memref_slice %arg19[%dma_start3A_260, %dma_start3A_261] : memref<256x64xf32, #tpu.memory_space<vmem>> -> memref<128x64xf32, #tpu.memory_space<vmem>>
      %dma_start3A_263 = arith.constant 0 : i32
      %dma_start3A_264 = tpu.memref_slice %arg20[%dma_start3A_259, %dma_start3A_263] : memref<3x128xi32, #tpu.memory_space<vmem>> -> memref<1x128xi32, #tpu.memory_space<vmem>>
      %dma_start3A_265 = tpu.memref_squeeze %dma_start3A_264 : memref<1x128xi32, #tpu.memory_space<vmem>> -> memref<128xi32, #tpu.memory_space<vmem>>
      %dma_start3A_266 = arith.constant 0 : i32
      %dma_start3A_267 = arith.constant 0 : i32
      %dma_start3A_268 = tpu.memref_slice %arg12[%dma_start3A_266, %dma_start3A_267] : memref<10112x64xf32, #tpu.memory_space<vmem_shared>> -> memref<10112x64xf32, #tpu.memory_space<vmem_shared>>
      tpu.enqueue_indirect_dma source(%dma_start3A_268 : memref<10112x64xf32, #tpu.memory_space<vmem_shared>>) target(%dma_start3A_262 : memref<128x64xf32, #tpu.memory_space<vmem>>) offsets(%dma_start3A_265 : memref<128xi32, #tpu.memory_space<vmem>>) semaphore(%arg23 : memref<!tpu.dma_semaphore, #tpu.memory_space<semaphore_mem>>)
      %dma_wait3A_269 = arith.constant 0 : i32
      %dma_wait3A_270 = arith.constant 0 : i32
      %dma_wait3A_271 = arith.constant 0 : i32
      %dma_wait3A_272 = tpu.memref_slice %arg18[%dma_wait3A_270, %dma_wait3A_271] : memref<256x64xf32, #tpu.memory_space<vmem>> -> memref<128x64xf32, #tpu.memory_space<vmem>>
      %dma_wait3A_273 = arith.constant 0 : i32
      %dma_wait3A_274 = tpu.memref_slice %arg20[%dma_wait3A_269, %dma_wait3A_273] : memref<3x128xi32, #tpu.memory_space<vmem>> -> memref<1x128xi32, #tpu.memory_space<vmem>>
      %dma_wait3A_275 = tpu.memref_squeeze %dma_wait3A_274 : memref<1x128xi32, #tpu.memory_space<vmem>> -> memref<128xi32, #tpu.memory_space<vmem>>
      %dma_wait3A_276 = arith.constant 0 : i32
      %dma_wait3A_277 = arith.constant 0 : i32
      %dma_wait3A_278 = tpu.memref_slice %arg12[%dma_wait3A_276, %dma_wait3A_277] : memref<10112x64xf32, #tpu.memory_space<vmem_shared>> -> memref<10112x64xf32, #tpu.memory_space<vmem_shared>>
      tpu.wait_indirect_dma semaphore(%arg22 : memref<!tpu.dma_semaphore, #tpu.memory_space<semaphore_mem>>) src(%dma_wait3A_278 : memref<10112x64xf32, #tpu.memory_space<vmem_shared>>) dst(%dma_wait3A_272 : memref<128x64xf32, #tpu.memory_space<vmem>>)
      %dma_wait3A_279 = arith.constant 1 : i32
      %dma_wait3A_280 = arith.constant 128 : i32
      %dma_wait3A_281 = arith.constant 0 : i32
      %dma_wait3A_282 = tpu.memref_slice %arg18[%dma_wait3A_280, %dma_wait3A_281] : memref<256x64xf32, #tpu.memory_space<vmem>> -> memref<128x64xf32, #tpu.memory_space<vmem>>
      %dma_wait3A_283 = arith.constant 0 : i32
      %dma_wait3A_284 = tpu.memref_slice %arg20[%dma_wait3A_279, %dma_wait3A_283] : memref<3x128xi32, #tpu.memory_space<vmem>> -> memref<1x128xi32, #tpu.memory_space<vmem>>
      %dma_wait3A_285 = tpu.memref_squeeze %dma_wait3A_284 : memref<1x128xi32, #tpu.memory_space<vmem>> -> memref<128xi32, #tpu.memory_space<vmem>>
      %dma_wait3A_286 = arith.constant 0 : i32
      %dma_wait3A_287 = arith.constant 0 : i32
      %dma_wait3A_288 = tpu.memref_slice %arg12[%dma_wait3A_286, %dma_wait3A_287] : memref<10112x64xf32, #tpu.memory_space<vmem_shared>> -> memref<10112x64xf32, #tpu.memory_space<vmem_shared>>
      tpu.wait_indirect_dma semaphore(%arg22 : memref<!tpu.dma_semaphore, #tpu.memory_space<semaphore_mem>>) src(%dma_wait3A_288 : memref<10112x64xf32, #tpu.memory_space<vmem_shared>>) dst(%dma_wait3A_282 : memref<128x64xf32, #tpu.memory_space<vmem>>)
      %dma_wait3A_289 = arith.constant 2 : i32
      %dma_wait3A_290 = arith.constant 0 : i32
      %dma_wait3A_291 = arith.constant 0 : i32
      %dma_wait3A_292 = tpu.memref_slice %arg19[%dma_wait3A_290, %dma_wait3A_291] : memref<256x64xf32, #tpu.memory_space<vmem>> -> memref<128x64xf32, #tpu.memory_space<vmem>>
      %dma_wait3A_293 = arith.constant 0 : i32
      %dma_wait3A_294 = tpu.memref_slice %arg20[%dma_wait3A_289, %dma_wait3A_293] : memref<3x128xi32, #tpu.memory_space<vmem>> -> memref<1x128xi32, #tpu.memory_space<vmem>>
      %dma_wait3A_295 = tpu.memref_squeeze %dma_wait3A_294 : memref<1x128xi32, #tpu.memory_space<vmem>> -> memref<128xi32, #tpu.memory_space<vmem>>
      %dma_wait3A_296 = arith.constant 0 : i32
      %dma_wait3A_297 = arith.constant 0 : i32
      %dma_wait3A_298 = tpu.memref_slice %arg12[%dma_wait3A_296, %dma_wait3A_297] : memref<10112x64xf32, #tpu.memory_space<vmem_shared>> -> memref<10112x64xf32, #tpu.memory_space<vmem_shared>>
      tpu.wait_indirect_dma semaphore(%arg23 : memref<!tpu.dma_semaphore, #tpu.memory_space<semaphore_mem>>) src(%dma_wait3A_298 : memref<10112x64xf32, #tpu.memory_space<vmem_shared>>) dst(%dma_wait3A_292 : memref<128x64xf32, #tpu.memory_space<vmem>>)
      %mul3A_299 = arith.constant 384 : i32
      %mul3A_300 = arith.muli %arg1, %mul3A_299 : i32
      %dma_start3A_301 = arith.constant 1 : i32
      %dma_start3A_302 = arith.constant 0 : i32
      %dma_start3A_303 = tpu.memref_slice %arg10[%dma_start3A_301, %mul3A_300, %dma_start3A_302] : memref<2x6144x64xf32, #tpu.memory_space<hbm>> -> memref<1x256x64xf32, #tpu.memory_space<hbm>>
      %dma_start3A_304 = tpu.memref_squeeze %dma_start3A_303 : memref<1x256x64xf32, #tpu.memory_space<hbm>> -> memref<256x64xf32, #tpu.memory_space<hbm>>
      %dma_start3A_305 = arith.constant 0 : i32
      %dma_start3A_306 = tpu.memref_slice %arg10[%dma_start3A_301, %mul3A_300, %dma_start3A_305] : memref<2x6144x64xf32, #tpu.memory_space<hbm>> -> memref<1x256x64xf32, #tpu.memory_space<hbm>>
      %dma_start3A_307 = tpu.memref_squeeze %dma_start3A_306 : memref<1x256x64xf32, #tpu.memory_space<hbm>> -> memref<256x64xf32, #tpu.memory_space<hbm>>
      tpu.enqueue_dma source(%arg18 : memref<256x64xf32, #tpu.memory_space<vmem>>) target(%dma_start3A_307 : memref<256x64xf32, #tpu.memory_space<hbm>>) target_semaphore(%arg26 : memref<!tpu.dma_semaphore, #tpu.memory_space<semaphore_mem>>)
      %mul3A_308 = arith.constant 384 : i32
      %mul3A_309 = arith.muli %arg1, %mul3A_308 : i32
      %add3A_310 = arith.constant 256 : i32
      %add3A_311 = arith.addi %mul3A_309, %add3A_310 : i32
      %dma_start3A_312 = arith.constant 1 : i32
      %dma_start3A_313 = arith.constant 0 : i32
      %dma_start3A_314 = arith.constant 0 : i32
      %dma_start3A_315 = tpu.memref_slice %arg19[%dma_start3A_313, %dma_start3A_314] : memref<256x64xf32, #tpu.memory_space<vmem>> -> memref<128x64xf32, #tpu.memory_space<vmem>>
      %dma_start3A_316 = arith.constant 0 : i32
      %dma_start3A_317 = tpu.memref_slice %arg10[%dma_start3A_312, %add3A_311, %dma_start3A_316] : memref<2x6144x64xf32, #tpu.memory_space<hbm>> -> memref<1x128x64xf32, #tpu.memory_space<hbm>>
      %dma_start3A_318 = tpu.memref_squeeze %dma_start3A_317 : memref<1x128x64xf32, #tpu.memory_space<hbm>> -> memref<128x64xf32, #tpu.memory_space<hbm>>
      %dma_start3A_319 = arith.constant 0 : i32
      %dma_start3A_320 = tpu.memref_slice %arg10[%dma_start3A_312, %add3A_311, %dma_start3A_319] : memref<2x6144x64xf32, #tpu.memory_space<hbm>> -> memref<1x128x64xf32, #tpu.memory_space<hbm>>
      %dma_start3A_321 = tpu.memref_squeeze %dma_start3A_320 : memref<1x128x64xf32, #tpu.memory_space<hbm>> -> memref<128x64xf32, #tpu.memory_space<hbm>>
      %dma_start3A_322 = arith.constant 0 : i32
      %dma_start3A_323 = arith.constant 0 : i32
      %dma_start3A_324 = tpu.memref_slice %arg19[%dma_start3A_322, %dma_start3A_323] : memref<256x64xf32, #tpu.memory_space<vmem>> -> memref<128x64xf32, #tpu.memory_space<vmem>>
      tpu.enqueue_dma source(%dma_start3A_324 : memref<128x64xf32, #tpu.memory_space<vmem>>) target(%dma_start3A_321 : memref<128x64xf32, #tpu.memory_space<hbm>>) target_semaphore(%arg27 : memref<!tpu.dma_semaphore, #tpu.memory_space<semaphore_mem>>)
      %dma_wait3A_325 = arith.constant 0 : i32
      %dma_wait3A_326 = arith.constant 0 : i32
      %dma_wait3A_327 = arith.constant 0 : i32
      %dma_wait3A_328 = tpu.memref_slice %arg21[%dma_wait3A_326, %dma_wait3A_327] : memref<384x16xf32, #tpu.memory_space<vmem>> -> memref<128x16xf32, #tpu.memory_space<vmem>>
      %dma_wait3A_329 = arith.constant 0 : i32
      %dma_wait3A_330 = tpu.memref_slice %arg20[%dma_wait3A_325, %dma_wait3A_329] : memref<3x128xi32, #tpu.memory_space<vmem>> -> memref<1x128xi32, #tpu.memory_space<vmem>>
      %dma_wait3A_331 = tpu.memref_squeeze %dma_wait3A_330 : memref<1x128xi32, #tpu.memory_space<vmem>> -> memref<128xi32, #tpu.memory_space<vmem>>
      %dma_wait3A_332 = arith.constant 0 : i32
      %dma_wait3A_333 = arith.constant 0 : i32
      %dma_wait3A_334 = tpu.memref_slice %arg8[%dma_wait3A_332, %dma_wait3A_333] : memref<10000x16xf32, #tpu.memory_space<hbm>> -> memref<10000x16xf32, #tpu.memory_space<hbm>>
      tpu.wait_indirect_dma semaphore(%arg25 : memref<!tpu.dma_semaphore, #tpu.memory_space<semaphore_mem>>) src(%dma_wait3A_334 : memref<10000x16xf32, #tpu.memory_space<hbm>>) dst(%dma_wait3A_328 : memref<128x16xf32, #tpu.memory_space<vmem>>)
      %dma_wait3A_335 = arith.constant 1 : i32
      %dma_wait3A_336 = arith.constant 128 : i32
      %dma_wait3A_337 = arith.constant 0 : i32
      %dma_wait3A_338 = tpu.memref_slice %arg21[%dma_wait3A_336, %dma_wait3A_337] : memref<384x16xf32, #tpu.memory_space<vmem>> -> memref<128x16xf32, #tpu.memory_space<vmem>>
      %dma_wait3A_339 = arith.constant 0 : i32
      %dma_wait3A_340 = tpu.memref_slice %arg20[%dma_wait3A_335, %dma_wait3A_339] : memref<3x128xi32, #tpu.memory_space<vmem>> -> memref<1x128xi32, #tpu.memory_space<vmem>>
      %dma_wait3A_341 = tpu.memref_squeeze %dma_wait3A_340 : memref<1x128xi32, #tpu.memory_space<vmem>> -> memref<128xi32, #tpu.memory_space<vmem>>
      %dma_wait3A_342 = arith.constant 0 : i32
      %dma_wait3A_343 = arith.constant 0 : i32
      %dma_wait3A_344 = tpu.memref_slice %arg8[%dma_wait3A_342, %dma_wait3A_343] : memref<10000x16xf32, #tpu.memory_space<hbm>> -> memref<10000x16xf32, #tpu.memory_space<hbm>>
      tpu.wait_indirect_dma semaphore(%arg25 : memref<!tpu.dma_semaphore, #tpu.memory_space<semaphore_mem>>) src(%dma_wait3A_344 : memref<10000x16xf32, #tpu.memory_space<hbm>>) dst(%dma_wait3A_338 : memref<128x16xf32, #tpu.memory_space<vmem>>)
      %dma_wait3A_345 = arith.constant 2 : i32
      %dma_wait3A_346 = arith.constant 256 : i32
      %dma_wait3A_347 = arith.constant 0 : i32
      %dma_wait3A_348 = tpu.memref_slice %arg21[%dma_wait3A_346, %dma_wait3A_347] : memref<384x16xf32, #tpu.memory_space<vmem>> -> memref<128x16xf32, #tpu.memory_space<vmem>>
      %dma_wait3A_349 = arith.constant 0 : i32
      %dma_wait3A_350 = tpu.memref_slice %arg20[%dma_wait3A_345, %dma_wait3A_349] : memref<3x128xi32, #tpu.memory_space<vmem>> -> memref<1x128xi32, #tpu.memory_space<vmem>>
      %dma_wait3A_351 = tpu.memref_squeeze %dma_wait3A_350 : memref<1x128xi32, #tpu.memory_space<vmem>> -> memref<128xi32, #tpu.memory_space<vmem>>
      %dma_wait3A_352 = arith.constant 0 : i32
      %dma_wait3A_353 = arith.constant 0 : i32
      %dma_wait3A_354 = tpu.memref_slice %arg8[%dma_wait3A_352, %dma_wait3A_353] : memref<10000x16xf32, #tpu.memory_space<hbm>> -> memref<10000x16xf32, #tpu.memory_space<hbm>>
      tpu.wait_indirect_dma semaphore(%arg25 : memref<!tpu.dma_semaphore, #tpu.memory_space<semaphore_mem>>) src(%dma_wait3A_354 : memref<10000x16xf32, #tpu.memory_space<hbm>>) dst(%dma_wait3A_348 : memref<128x16xf32, #tpu.memory_space<vmem>>)
      %mul3A_355 = arith.constant 384 : i32
      %mul3A_356 = arith.muli %arg1, %mul3A_355 : i32
      %dma_start3A_357 = arith.constant 1 : i32
      %dma_start3A_358 = arith.constant 0 : i32
      %dma_start3A_359 = tpu.memref_slice %arg11[%dma_start3A_357, %mul3A_356, %dma_start3A_358] : memref<2x6144x16xf32, #tpu.memory_space<hbm>> -> memref<1x384x16xf32, #tpu.memory_space<hbm>>
      %dma_start3A_360 = tpu.memref_squeeze %dma_start3A_359 : memref<1x384x16xf32, #tpu.memory_space<hbm>> -> memref<384x16xf32, #tpu.memory_space<hbm>>
      %dma_start3A_361 = arith.constant 0 : i32
      %dma_start3A_362 = tpu.memref_slice %arg11[%dma_start3A_357, %mul3A_356, %dma_start3A_361] : memref<2x6144x16xf32, #tpu.memory_space<hbm>> -> memref<1x384x16xf32, #tpu.memory_space<hbm>>
      %dma_start3A_363 = tpu.memref_squeeze %dma_start3A_362 : memref<1x384x16xf32, #tpu.memory_space<hbm>> -> memref<384x16xf32, #tpu.memory_space<hbm>>
      tpu.enqueue_dma source(%arg21 : memref<384x16xf32, #tpu.memory_space<vmem>>) target(%dma_start3A_363 : memref<384x16xf32, #tpu.memory_space<hbm>>) target_semaphore(%arg24 : memref<!tpu.dma_semaphore, #tpu.memory_space<semaphore_mem>>)
      %dma_wait3A_364 = arith.constant 1 : i32
      %dma_wait3A_365 = arith.constant 0 : i32
      %dma_wait3A_366 = tpu.memref_slice %arg10[%dma_wait3A_364, %mul3A_300, %dma_wait3A_365] : memref<2x6144x64xf32, #tpu.memory_space<hbm>> -> memref<1x256x64xf32, #tpu.memory_space<hbm>>
      %dma_wait3A_367 = tpu.memref_squeeze %dma_wait3A_366 : memref<1x256x64xf32, #tpu.memory_space<hbm>> -> memref<256x64xf32, #tpu.memory_space<hbm>>
      %dma_wait3A_368 = arith.constant 0 : i32
      %dma_wait3A_369 = tpu.memref_slice %arg10[%dma_wait3A_364, %mul3A_300, %dma_wait3A_368] : memref<2x6144x64xf32, #tpu.memory_space<hbm>> -> memref<1x256x64xf32, #tpu.memory_space<hbm>>
      %dma_wait3A_370 = tpu.memref_squeeze %dma_wait3A_369 : memref<1x256x64xf32, #tpu.memory_space<hbm>> -> memref<256x64xf32, #tpu.memory_space<hbm>>
      tpu.wait_dma2 semaphore(%arg26 : memref<!tpu.dma_semaphore, #tpu.memory_space<semaphore_mem>>) src(%arg18 : memref<256x64xf32, #tpu.memory_space<vmem>>) dst(%dma_wait3A_370 : memref<256x64xf32, #tpu.memory_space<hbm>>)
      %dma_wait3A_371 = arith.constant 1 : i32
      %dma_wait3A_372 = arith.constant 0 : i32
      %dma_wait3A_373 = arith.constant 0 : i32
      %dma_wait3A_374 = tpu.memref_slice %arg19[%dma_wait3A_372, %dma_wait3A_373] : memref<256x64xf32, #tpu.memory_space<vmem>> -> memref<128x64xf32, #tpu.memory_space<vmem>>
      %dma_wait3A_375 = arith.constant 0 : i32
      %dma_wait3A_376 = tpu.memref_slice %arg10[%dma_wait3A_371, %add3A_311, %dma_wait3A_375] : memref<2x6144x64xf32, #tpu.memory_space<hbm>> -> memref<1x128x64xf32, #tpu.memory_space<hbm>>
      %dma_wait3A_377 = tpu.memref_squeeze %dma_wait3A_376 : memref<1x128x64xf32, #tpu.memory_space<hbm>> -> memref<128x64xf32, #tpu.memory_space<hbm>>
      %dma_wait3A_378 = arith.constant 0 : i32
      %dma_wait3A_379 = tpu.memref_slice %arg10[%dma_wait3A_371, %add3A_311, %dma_wait3A_378] : memref<2x6144x64xf32, #tpu.memory_space<hbm>> -> memref<1x128x64xf32, #tpu.memory_space<hbm>>
      %dma_wait3A_380 = tpu.memref_squeeze %dma_wait3A_379 : memref<1x128x64xf32, #tpu.memory_space<hbm>> -> memref<128x64xf32, #tpu.memory_space<hbm>>
      %dma_wait3A_381 = arith.constant 0 : i32
      %dma_wait3A_382 = arith.constant 0 : i32
      %dma_wait3A_383 = tpu.memref_slice %arg19[%dma_wait3A_381, %dma_wait3A_382] : memref<256x64xf32, #tpu.memory_space<vmem>> -> memref<128x64xf32, #tpu.memory_space<vmem>>
      tpu.wait_dma2 semaphore(%arg27 : memref<!tpu.dma_semaphore, #tpu.memory_space<semaphore_mem>>) src(%dma_wait3A_383 : memref<128x64xf32, #tpu.memory_space<vmem>>) dst(%dma_wait3A_380 : memref<128x64xf32, #tpu.memory_space<hbm>>)
      %dma_wait3A_384 = arith.constant 1 : i32
      %dma_wait3A_385 = arith.constant 0 : i32
      %dma_wait3A_386 = tpu.memref_slice %arg11[%dma_wait3A_384, %mul3A_356, %dma_wait3A_385] : memref<2x6144x16xf32, #tpu.memory_space<hbm>> -> memref<1x384x16xf32, #tpu.memory_space<hbm>>
      %dma_wait3A_387 = tpu.memref_squeeze %dma_wait3A_386 : memref<1x384x16xf32, #tpu.memory_space<hbm>> -> memref<384x16xf32, #tpu.memory_space<hbm>>
      %dma_wait3A_388 = arith.constant 0 : i32
      %dma_wait3A_389 = tpu.memref_slice %arg11[%dma_wait3A_384, %mul3A_356, %dma_wait3A_388] : memref<2x6144x16xf32, #tpu.memory_space<hbm>> -> memref<1x384x16xf32, #tpu.memory_space<hbm>>
      %dma_wait3A_390 = tpu.memref_squeeze %dma_wait3A_389 : memref<1x384x16xf32, #tpu.memory_space<hbm>> -> memref<384x16xf32, #tpu.memory_space<hbm>>
      tpu.wait_dma2 semaphore(%arg24 : memref<!tpu.dma_semaphore, #tpu.memory_space<semaphore_mem>>) src(%arg21 : memref<384x16xf32, #tpu.memory_space<vmem>>) dst(%dma_wait3A_390 : memref<384x16xf32, #tpu.memory_space<hbm>>)
    } else {
    }
    return
  }
}

module attributes {stable_mosaic.version = 14 : i64} {
  func.func @_tc_body(%arg0: i32, %arg1: memref<2x6144x64xf32, #tpu.memory_space<vmem>>, %arg2: memref<2x6144x16xf32, #tpu.memory_space<vmem>>, %arg3: memref<16x10000xf32, #tpu.memory_space<vmem>>, %arg4: memref<16x10000xf32, #tpu.memory_space<vmem>>, %arg5: memref<10000x64xf32, #tpu.memory_space<vmem>>, %arg6: memref<10000x64xf32, #tpu.memory_space<vmem>>, %arg7: memref<1024x5xf32, #tpu.memory_space<vmem>>, %arg8: memref<1024x5xf32, #tpu.memory_space<vmem>>, %arg9: memref<1x1xf32, #tpu.memory_space<vmem>>, %arg10: memref<1x1xf32, #tpu.memory_space<vmem>>, %arg11: memref<1x1xf32, #tpu.memory_space<vmem>>, %arg12: memref<5120x64xf32, #tpu.memory_space<vmem>>, %arg13: memref<5120x64xf32, #tpu.memory_space<vmem>>) attributes {dimension_semantics = [#tpu.dimension_semantics<arbitrary>], iteration_bounds = array<i64: 11>, scalar_prefetch = 0 : i64, scratch_operands = 2 : i64, tpu.core_type = #tpu.core_type<tc>, window_params = [{pipeline_mode = #tpu.pipeline_mode<synchronous>, transform_indices = @transform_0, window_bounds = array<i64: 2, 6144, 64>}, {pipeline_mode = #tpu.pipeline_mode<synchronous>, transform_indices = @transform_1, window_bounds = array<i64: 2, 6144, 16>}, {pipeline_mode = #tpu.pipeline_mode<synchronous>, transform_indices = @transform_2, window_bounds = array<i64: 16, 10000>}, {pipeline_mode = #tpu.pipeline_mode<synchronous>, transform_indices = @transform_3, window_bounds = array<i64: 16, 10000>}, {pipeline_mode = #tpu.pipeline_mode<synchronous>, transform_indices = @transform_4, window_bounds = array<i64: 10000, 64>}, {pipeline_mode = #tpu.pipeline_mode<synchronous>, transform_indices = @transform_5, window_bounds = array<i64: 10000, 64>}, {pipeline_mode = #tpu.pipeline_mode<synchronous>, transform_indices = @transform_6, window_bounds = array<i64: 1024, 5>}, {pipeline_mode = #tpu.pipeline_mode<synchronous>, transform_indices = @transform_7, window_bounds = array<i64: 1024, 5>}, {pipeline_mode = #tpu.pipeline_mode<synchronous>, transform_indices = @transform_8, window_bounds = array<i64: 1, 1>}, {pipeline_mode = #tpu.pipeline_mode<synchronous>, transform_indices = @transform_9, window_bounds = array<i64: 1, 1>}, {pipeline_mode = #tpu.pipeline_mode<synchronous>, transform_indices = @transform_10, window_bounds = array<i64: 1, 1>}]} {
    %eq3A = arith.constant 0 : i32
    %eq3A_0 = arith.cmpi eq, %arg0, %eq3A : i32
    %convert_element_type3A = arith.extui %eq3A_0 : i1 to i32
    %cond3A = arith.constant 0 : i32
    %cond3A_1 = arith.cmpi ne, %convert_element_type3A, %cond3A : i32
    scf.if %cond3A_1 {
      %get3A = arith.constant 0 : index
      %get3A_6 = arith.constant 0 : index
      %get3A_7 = arith.constant 0 : index
      %get3A_8 = vector.load %arg1[%get3A, %get3A_6, %get3A_7] : memref<2x6144x64xf32, #tpu.memory_space<vmem>>, vector<1x1024x64xf32>
      %get3A_9 = vector.shape_cast %get3A_8 : vector<1x1024x64xf32> to vector<1024x64xf32>
      %get3A_10 = arith.constant 0 : index
      %get3A_11 = arith.constant 1024 : index
      %get3A_12 = arith.constant 0 : index
      %get3A_13 = vector.load %arg1[%get3A_10, %get3A_11, %get3A_12] : memref<2x6144x64xf32, #tpu.memory_space<vmem>>, vector<1x5120x64xf32>
      %get3A_14 = vector.shape_cast %get3A_13 : vector<1x5120x64xf32> to vector<5120x64xf32>
      %reshape3A = vector.shape_cast %get3A_14 : vector<5120x64xf32> to vector<1024x5x64xf32>
      %get3A_15 = arith.constant 1 : index
      %get3A_16 = arith.constant 0 : index
      %get3A_17 = arith.constant 0 : index
      %get3A_18 = vector.load %arg1[%get3A_15, %get3A_16, %get3A_17] : memref<2x6144x64xf32, #tpu.memory_space<vmem>>, vector<1x5120x64xf32>
      %get3A_19 = vector.shape_cast %get3A_18 : vector<1x5120x64xf32> to vector<5120x64xf32>
      %reshape3A_20 = vector.shape_cast %get3A_19 : vector<5120x64xf32> to vector<1024x5x64xf32>
      %get3A_21 = arith.constant 0 : index
      %get3A_22 = arith.constant 0 : index
      %get3A_23 = arith.constant 0 : index
      %get3A_24 = vector.load %arg2[%get3A_21, %get3A_22, %get3A_23] : memref<2x6144x16xf32, #tpu.memory_space<vmem>>, vector<1x1024x16xf32>
      %get3A_25 = vector.shape_cast %get3A_24 : vector<1x1024x16xf32> to vector<1024x16xf32>
      %get3A_26 = arith.constant 1 : index
      %get3A_27 = arith.constant 0 : index
      %get3A_28 = arith.constant 0 : index
      %get3A_29 = vector.load %arg2[%get3A_26, %get3A_27, %get3A_28] : memref<2x6144x16xf32, #tpu.memory_space<vmem>>, vector<1x5120x16xf32>
      %get3A_30 = vector.shape_cast %get3A_29 : vector<1x5120x16xf32> to vector<5120x16xf32>
      %get3A_31 = arith.constant 0 : index
      %get3A_32 = arith.constant 0 : index
      %get3A_33 = vector.load %arg3[%get3A_31, %get3A_32] : memref<16x10000xf32, #tpu.memory_space<vmem>>, vector<16x10000xf32>
      %get3A_34 = arith.constant 0 : index
      %get3A_35 = arith.constant 0 : index
      %get3A_36 = vector.load %arg5[%get3A_34, %get3A_35] : memref<10000x64xf32, #tpu.memory_space<vmem>>, vector<10000x64xf32>
      %dot_general3A = arith.constant dense<0.000000e+00> : vector<16x64xf32>
      %dot_general3A_37 = tpu.matmul %get3A_33, %get3A_36, %dot_general3A {dimension_numbers = #tpu.dot_dimension_numbers<[1], [0], [0], [1], [0, 0, 1, 1], [], []>, transpose_lhs_hint = false} : vector<16x10000xf32>, vector<10000x64xf32>, vector<16x64xf32> -> vector<16x64xf32>
      %get3A_38 = arith.constant 0 : index
      %get3A_39 = arith.constant 0 : index
      %get3A_40 = vector.load %arg4[%get3A_38, %get3A_39] : memref<16x10000xf32, #tpu.memory_space<vmem>>, vector<16x10000xf32>
      %get3A_41 = arith.constant 0 : index
      %get3A_42 = arith.constant 0 : index
      %get3A_43 = vector.load %arg6[%get3A_41, %get3A_42] : memref<10000x64xf32, #tpu.memory_space<vmem>>, vector<10000x64xf32>
      %dot_general3A_44 = arith.constant dense<0.000000e+00> : vector<16x64xf32>
      %dot_general3A_45 = tpu.matmul %get3A_40, %get3A_43, %dot_general3A_44 {dimension_numbers = #tpu.dot_dimension_numbers<[1], [0], [0], [1], [0, 0, 1, 1], [], []>, transpose_lhs_hint = false} : vector<16x10000xf32>, vector<10000x64xf32>, vector<16x64xf32> -> vector<16x64xf32>
      %dot_general3A_46 = arith.constant dense<0.000000e+00> : vector<1024x64xf32>
      %dot_general3A_47 = tpu.matmul %get3A_25, %dot_general3A_45, %dot_general3A_46 {dimension_numbers = #tpu.dot_dimension_numbers<[1], [0], [0], [1], [0, 0, 1, 1], [], []>, transpose_lhs_hint = false} : vector<1024x16xf32>, vector<16x64xf32>, vector<1024x64xf32> -> vector<1024x64xf32>
      %mul3A = arith.mulf %dot_general3A_47, %dot_general3A_47 : vector<1024x64xf32>
      %reduce_sum3A = arith.constant dense<0.000000e+00> : vector<1024xf32>
      %reduce_sum3A_48 = vector.multi_reduction <add>, %mul3A, %reduce_sum3A [1] : vector<1024x64xf32> to vector<1024xf32>
      %broadcast_in_dim3A = vector.shape_cast %reduce_sum3A_48 : vector<1024xf32> to vector<1024x1xf32>
      %sqrt3A = math.sqrt %broadcast_in_dim3A : vector<1024x1xf32>
      %max3A = arith.constant 9.99999996E-13 : f32
      %max3A_49 = vector.broadcast %max3A : f32 to vector<1024x1xf32>
      %max3A_50 = arith.maximumf %sqrt3A, %max3A_49 : vector<1024x1xf32>
      %div3A = vector.broadcast %max3A_50 : vector<1024x1xf32> to vector<1024x64xf32>
      %div3A_51 = arith.divf %dot_general3A_47, %div3A : vector<1024x64xf32>
      %mul3A_52 = arith.mulf %get3A_9, %get3A_9 : vector<1024x64xf32>
      %reduce_sum3A_53 = arith.constant dense<0.000000e+00> : vector<1024xf32>
      %reduce_sum3A_54 = vector.multi_reduction <add>, %mul3A_52, %reduce_sum3A_53 [1] : vector<1024x64xf32> to vector<1024xf32>
      %broadcast_in_dim3A_55 = vector.shape_cast %reduce_sum3A_54 : vector<1024xf32> to vector<1024x1xf32>
      %sqrt3A_56 = math.sqrt %broadcast_in_dim3A_55 : vector<1024x1xf32>
      %max3A_57 = arith.constant 9.99999996E-13 : f32
      %max3A_58 = vector.broadcast %max3A_57 : f32 to vector<1024x1xf32>
      %max3A_59 = arith.maximumf %sqrt3A_56, %max3A_58 : vector<1024x1xf32>
      %div3A_60 = vector.broadcast %max3A_59 : vector<1024x1xf32> to vector<1024x64xf32>
      %div3A_61 = arith.divf %get3A_9, %div3A_60 : vector<1024x64xf32>
      %dot_general3A_62 = arith.constant dense<0.000000e+00> : vector<5120x64xf32>
      %dot_general3A_63 = tpu.matmul %get3A_30, %dot_general3A_37, %dot_general3A_62 {dimension_numbers = #tpu.dot_dimension_numbers<[1], [0], [0], [1], [0, 0, 1, 1], [], []>, transpose_lhs_hint = false} : vector<5120x16xf32>, vector<16x64xf32>, vector<5120x64xf32> -> vector<5120x64xf32>
      %mul3A_64 = arith.mulf %dot_general3A_63, %dot_general3A_63 : vector<5120x64xf32>
      %reduce_sum3A_65 = arith.constant dense<0.000000e+00> : vector<5120xf32>
      %reduce_sum3A_66 = vector.multi_reduction <add>, %mul3A_64, %reduce_sum3A_65 [1] : vector<5120x64xf32> to vector<5120xf32>
      %broadcast_in_dim3A_67 = vector.shape_cast %reduce_sum3A_66 : vector<5120xf32> to vector<5120x1xf32>
      %sqrt3A_68 = math.sqrt %broadcast_in_dim3A_67 : vector<5120x1xf32>
      %max3A_69 = arith.constant 9.99999996E-13 : f32
      %max3A_70 = vector.broadcast %max3A_69 : f32 to vector<5120x1xf32>
      %max3A_71 = arith.maximumf %sqrt3A_68, %max3A_70 : vector<5120x1xf32>
      %div3A_72 = vector.broadcast %max3A_71 : vector<5120x1xf32> to vector<5120x64xf32>
      %div3A_73 = arith.divf %dot_general3A_63, %div3A_72 : vector<5120x64xf32>
      %swap3A = arith.constant 0 : index
      %swap3A_74 = arith.constant 0 : index
      %swap3A_75 = vector.load %arg12[%swap3A, %swap3A_74] : memref<5120x64xf32, #tpu.memory_space<vmem>>, vector<5120x64xf32>
      tpu.vector_store %arg12[%swap3A, %swap3A_74], %div3A_73 {strides = array<i32>} : memref<5120x64xf32, #tpu.memory_space<vmem>>, vector<5120x64xf32>,
      %mul3A_76 = arith.mulf %get3A_19, %get3A_19 : vector<5120x64xf32>
      %reduce_sum3A_77 = arith.constant dense<0.000000e+00> : vector<5120xf32>
      %reduce_sum3A_78 = vector.multi_reduction <add>, %mul3A_76, %reduce_sum3A_77 [1] : vector<5120x64xf32> to vector<5120xf32>
      %broadcast_in_dim3A_79 = vector.shape_cast %reduce_sum3A_78 : vector<5120xf32> to vector<5120x1xf32>
      %sqrt3A_80 = math.sqrt %broadcast_in_dim3A_79 : vector<5120x1xf32>
      %max3A_81 = arith.constant 9.99999996E-13 : f32
      %max3A_82 = vector.broadcast %max3A_81 : f32 to vector<5120x1xf32>
      %max3A_83 = arith.maximumf %sqrt3A_80, %max3A_82 : vector<5120x1xf32>
      %div3A_84 = vector.broadcast %max3A_83 : vector<5120x1xf32> to vector<5120x64xf32>
      %div3A_85 = arith.divf %get3A_19, %div3A_84 : vector<5120x64xf32>
      %swap3A_86 = arith.constant 0 : index
      %swap3A_87 = arith.constant 0 : index
      %swap3A_88 = vector.load %arg13[%swap3A_86, %swap3A_87] : memref<5120x64xf32, #tpu.memory_space<vmem>>, vector<5120x64xf32>
      tpu.vector_store %arg13[%swap3A_86, %swap3A_87], %div3A_85 {strides = array<i32>} : memref<5120x64xf32, #tpu.memory_space<vmem>>, vector<5120x64xf32>,
      %mul3A_89 = arith.mulf %div3A_51, %div3A_61 : vector<1024x64xf32>
      %reduce_sum3A_90 = arith.constant dense<0.000000e+00> : vector<1024xf32>
      %reduce_sum3A_91 = vector.multi_reduction <add>, %mul3A_89, %reduce_sum3A_90 [1] : vector<1024x64xf32> to vector<1024xf32>
      %exp3A = math.exp %reduce_sum3A_91 : vector<1024xf32>
      %dot_general3A_92 = arith.constant dense<0.000000e+00> : vector<1024x1024xf32>
      %dot_general3A_93 = tpu.matmul %div3A_51, %div3A_61, %dot_general3A_92 {dimension_numbers = #tpu.dot_dimension_numbers<[1], [1], [0], [0], [0, 0, 1, 0], [], []>, transpose_lhs_hint = false} : vector<1024x64xf32>, vector<1024x64xf32>, vector<1024x1024xf32> -> vector<1024x1024xf32>
      %exp3A_94 = math.exp %dot_general3A_93 : vector<1024x1024xf32>
      %reduce_sum3A_95 = arith.constant dense<0.000000e+00> : vector<1024xf32>
      %reduce_sum3A_96 = vector.multi_reduction <add>, %exp3A_94, %reduce_sum3A_95 [1] : vector<1024x1024xf32> to vector<1024xf32>
      %add3A = arith.constant 9.99999993E-9 : f32
      %add3A_97 = vector.broadcast %add3A : f32 to vector<1024xf32>
      %add3A_98 = arith.addf %reduce_sum3A_96, %add3A_97 : vector<1024xf32>
      %div3A_99 = arith.divf %exp3A, %add3A_98 : vector<1024xf32>
      %add3A_100 = arith.constant 9.99999993E-9 : f32
      %add3A_101 = vector.broadcast %add3A_100 : f32 to vector<1024xf32>
      %add3A_102 = arith.addf %div3A_99, %add3A_101 : vector<1024xf32>
      %log3A = math.log %add3A_102 : vector<1024xf32>
      %neg3A = arith.constant 0.000000e+00 : f32
      %neg3A_103 = vector.broadcast %neg3A : f32 to vector<1024xf32>
      %neg3A_104 = arith.subf %neg3A_103, %log3A : vector<1024xf32>
      %reduce_sum3A_105 = vector.shape_cast %neg3A_104 : vector<1024xf32> to vector<1x1024xf32>
      %reduce_sum3A_106 = arith.constant dense<0.000000e+00> : vector<1xf32>
      %reduce_sum3A_107 = vector.multi_reduction <add>, %reduce_sum3A_105, %reduce_sum3A_106 [1] : vector<1x1024xf32> to vector<1xf32>
      %reduce_sum3A_108 = vector.shape_cast %reduce_sum3A_107 : vector<1xf32> to vector<1x1xf32>
      %reduce_sum3A_109 = vector.extract %reduce_sum3A_108[0, 0] : f32 from vector<1x1xf32>
      %div3A_110 = arith.constant 1.024000e+03 : f32
      %div3A_111 = arith.divf %reduce_sum3A_109, %div3A_110 : f32
      %mul3A_112 = arith.mulf %reshape3A, %reshape3A_20 : vector<1024x5x64xf32>
      %reduce_sum3A_113 = arith.constant dense<0.000000e+00> : vector<1024x5xf32>
      %reduce_sum3A_114 = vector.multi_reduction <add>, %mul3A_112, %reduce_sum3A_113 [2] : vector<1024x5x64xf32> to vector<1024x5xf32>
      %reduce_max3A = arith.constant dense<0xFF800000> : vector<1024xf32>
      %reduce_max3A_115 = vector.multi_reduction <maximumf>, %reduce_sum3A_114, %reduce_max3A [1] : vector<1024x5xf32> to vector<1024xf32>
      %broadcast_in_dim3A_116 = vector.shape_cast %reduce_max3A_115 : vector<1024xf32> to vector<1024x1xf32>
      %sub3A = vector.broadcast %broadcast_in_dim3A_116 : vector<1024x1xf32> to vector<1024x5xf32>
      %sub3A_117 = arith.subf %reduce_sum3A_114, %sub3A : vector<1024x5xf32>
      %exp3A_118 = math.exp %sub3A_117 : vector<1024x5xf32>
      %reduce_sum3A_119 = arith.constant dense<0.000000e+00> : vector<1024xf32>
      %reduce_sum3A_120 = vector.multi_reduction <add>, %exp3A_118, %reduce_sum3A_119 [1] : vector<1024x5xf32> to vector<1024xf32>
      %broadcast_in_dim3A_121 = vector.shape_cast %reduce_sum3A_120 : vector<1024xf32> to vector<1024x1xf32>
      %div3A_122 = vector.broadcast %broadcast_in_dim3A_121 : vector<1024x1xf32> to vector<1024x5xf32>
      %div3A_123 = arith.divf %exp3A_118, %div3A_122 : vector<1024x5xf32>
      %reduce_max3A_124 = arith.constant dense<0xFF800000> : vector<1024xf32>
      %reduce_max3A_125 = vector.multi_reduction <maximumf>, %div3A_123, %reduce_max3A_124 [1] : vector<1024x5xf32> to vector<1024xf32>
      %broadcast_in_dim3A_126 = vector.shape_cast %reduce_max3A_125 : vector<1024xf32> to vector<1024x1xf32>
      %sub3A_127 = vector.broadcast %broadcast_in_dim3A_126 : vector<1024x1xf32> to vector<1024x5xf32>
      %sub3A_128 = arith.subf %div3A_123, %sub3A_127 : vector<1024x5xf32>
      %exp3A_129 = math.exp %sub3A_128 : vector<1024x5xf32>
      %reduce_sum3A_130 = arith.constant dense<0.000000e+00> : vector<1024xf32>
      %reduce_sum3A_131 = vector.multi_reduction <add>, %exp3A_129, %reduce_sum3A_130 [1] : vector<1024x5xf32> to vector<1024xf32>
      %broadcast_in_dim3A_132 = vector.shape_cast %reduce_sum3A_131 : vector<1024xf32> to vector<1024x1xf32>
      %log3A_133 = math.log %broadcast_in_dim3A_132 : vector<1024x1xf32>
      %add3A_134 = arith.addf %broadcast_in_dim3A_126, %log3A_133 : vector<1024x1xf32>
      %sub3A_135 = vector.broadcast %add3A_134 : vector<1024x1xf32> to vector<1024x5xf32>
      %sub3A_136 = arith.subf %div3A_123, %sub3A_135 : vector<1024x5xf32>
      %get3A_137 = arith.constant 0 : index
      %get3A_138 = arith.constant 0 : index
      %get3A_139 = vector.load %arg7[%get3A_137, %get3A_138] : memref<1024x5xf32, #tpu.memory_space<vmem>>, vector<1024x5xf32>
      %reduce_max3A_140 = arith.constant dense<0xFF800000> : vector<1024xf32>
      %reduce_max3A_141 = vector.multi_reduction <maximumf>, %get3A_139, %reduce_max3A_140 [1] : vector<1024x5xf32> to vector<1024xf32>
      %broadcast_in_dim3A_142 = vector.shape_cast %reduce_max3A_141 : vector<1024xf32> to vector<1024x1xf32>
      %iota3A = tpu.iota {dimensions = array<i32: 1>} : vector<1024x5xi32>
      %ge3A = vector.broadcast %broadcast_in_dim3A_142 : vector<1024x1xf32> to vector<1024x5xf32>
      %ge3A_143 = arith.cmpf oge, %get3A_139, %ge3A : vector<1024x5xf32>
      %jit3A = arith.constant 5 : i32
      %broadcast_in_dim3A_144 = vector.broadcast %jit3A : i32 to vector<1024x5xi32>
      %select_n3A = arith.select %ge3A_143, %iota3A, %broadcast_in_dim3A_144 : vector<1024x5xi1>, vector<1024x5xi32>
      %reduce_min3A = arith.constant dense<2147483647> : vector<1024xi32>
      %reduce_min3A_145 = vector.multi_reduction <minsi>, %select_n3A, %reduce_min3A [1] : vector<1024x5xi32> to vector<1024xi32>
      %broadcast_in_dim3A_146 = vector.shape_cast %reduce_min3A_145 : vector<1024xi32> to vector<1024x1xi32>
      %eq3A_147 = vector.broadcast %broadcast_in_dim3A_146 : vector<1024x1xi32> to vector<1024x5xi32>
      %eq3A_148 = arith.cmpi eq, %iota3A, %eq3A_147 : vector<1024x5xi32>
      %convert_element_type3A_149 = arith.extui %eq3A_148 : vector<1024x5xi1> to vector<1024x5xi32>
      %convert_element_type3A_150 = arith.sitofp %convert_element_type3A_149 : vector<1024x5xi32> to vector<1024x5xf32>
      %mul3A_151 = arith.mulf %sub3A_136, %convert_element_type3A_150 : vector<1024x5xf32>
      %reduce_sum3A_152 = arith.constant dense<0.000000e+00> : vector<1024xf32>
      %reduce_sum3A_153 = vector.multi_reduction <add>, %mul3A_151, %reduce_sum3A_152 [1] : vector<1024x5xf32> to vector<1024xf32>
      %reduce_sum3A_154 = vector.shape_cast %reduce_sum3A_153 : vector<1024xf32> to vector<1x1024xf32>
      %reduce_sum3A_155 = arith.constant dense<0.000000e+00> : vector<1xf32>
      %reduce_sum3A_156 = vector.multi_reduction <add>, %reduce_sum3A_154, %reduce_sum3A_155 [1] : vector<1x1024xf32> to vector<1xf32>
      %reduce_sum3A_157 = vector.shape_cast %reduce_sum3A_156 : vector<1xf32> to vector<1x1xf32>
      %reduce_sum3A_158 = vector.extract %reduce_sum3A_157[0, 0] : f32 from vector<1x1xf32>
      %div3A_159 = arith.constant 1.024000e+03 : f32
      %div3A_160 = arith.divf %reduce_sum3A_158, %div3A_159 : f32
      %neg3A_161 = arith.constant 0.000000e+00 : f32
      %neg3A_162 = arith.subf %neg3A_161, %div3A_160 : f32
      %integer_pow3A = arith.mulf %get3A_9, %get3A_9 : vector<1024x64xf32>
      %reduce_sum3A_163 = vector.shape_cast %integer_pow3A : vector<1024x64xf32> to vector<1x1024x64xf32>
      %reduce_sum3A_164 = arith.constant dense<0.000000e+00> : vector<1xf32>
      %reduce_sum3A_165 = vector.multi_reduction <add>, %reduce_sum3A_163, %reduce_sum3A_164 [1, 2] : vector<1x1024x64xf32> to vector<1xf32>
      %reduce_sum3A_166 = vector.shape_cast %reduce_sum3A_165 : vector<1xf32> to vector<1x1x1xf32>
      %reduce_sum3A_167 = vector.extract %reduce_sum3A_166[0, 0, 0] : f32 from vector<1x1x1xf32>
      %integer_pow3A_168 = arith.mulf %get3A_19, %get3A_19 : vector<5120x64xf32>
      %reduce_sum3A_169 = vector.shape_cast %integer_pow3A_168 : vector<5120x64xf32> to vector<1x5120x64xf32>
      %reduce_sum3A_170 = arith.constant dense<0.000000e+00> : vector<1xf32>
      %reduce_sum3A_171 = vector.multi_reduction <add>, %reduce_sum3A_169, %reduce_sum3A_170 [1, 2] : vector<1x5120x64xf32> to vector<1xf32>
      %reduce_sum3A_172 = vector.shape_cast %reduce_sum3A_171 : vector<1xf32> to vector<1x1x1xf32>
      %reduce_sum3A_173 = vector.extract %reduce_sum3A_172[0, 0, 0] : f32 from vector<1x1x1xf32>
      %add3A_174 = arith.addf %reduce_sum3A_167, %reduce_sum3A_173 : f32
      %mul3A_175 = arith.constant 5.000000e-01 : f32
      %mul3A_176 = arith.mulf %add3A_174, %mul3A_175 : f32
      %mul3A_177 = arith.constant 9.76562475E-8 : f32
      %mul3A_178 = arith.mulf %mul3A_176, %mul3A_177 : f32
      %swap3A_179 = arith.constant 0 : index
      %swap3A_180 = arith.constant 0 : index
      %swap3A_181 = vector.load %arg8[%swap3A_179, %swap3A_180] : memref<1024x5xf32, #tpu.memory_space<vmem>>, vector<1024x5xf32>
      tpu.vector_store %arg8[%swap3A_179, %swap3A_180], %reduce_sum3A_114 {strides = array<i32>} : memref<1024x5xf32, #tpu.memory_space<vmem>>, vector<1024x5xf32>,
      %broadcast_in_dim3A_182 = vector.broadcast %neg3A_162 : f32 to vector<1x1xf32>
      %swap3A_183 = arith.constant 0 : index
      %swap3A_184 = arith.constant 0 : index
      %swap3A_185 = vector.load %arg9[%swap3A_183, %swap3A_184] : memref<1x1xf32, #tpu.memory_space<vmem>>, vector<1x1xf32>
      tpu.vector_store %arg9[%swap3A_183, %swap3A_184], %broadcast_in_dim3A_182 {strides = array<i32>} : memref<1x1xf32, #tpu.memory_space<vmem>>, vector<1x1xf32>,
      %broadcast_in_dim3A_186 = vector.broadcast %mul3A_178 : f32 to vector<1x1xf32>
      %swap3A_187 = arith.constant 0 : index
      %swap3A_188 = arith.constant 0 : index
      %swap3A_189 = vector.load %arg10[%swap3A_187, %swap3A_188] : memref<1x1xf32, #tpu.memory_space<vmem>>, vector<1x1xf32>
      tpu.vector_store %arg10[%swap3A_187, %swap3A_188], %broadcast_in_dim3A_186 {strides = array<i32>} : memref<1x1xf32, #tpu.memory_space<vmem>>, vector<1x1xf32>,
      %add3A_190 = arith.addf %neg3A_162, %mul3A_178 : f32
      %mul3A_191 = arith.constant 5.000000e-01 : f32
      %mul3A_192 = arith.mulf %mul3A_191, %div3A_111 : f32
      %add3A_193 = arith.addf %add3A_190, %mul3A_192 : f32
      %broadcast_in_dim3A_194 = vector.broadcast %add3A_193 : f32 to vector<1x1xf32>
      %swap3A_195 = arith.constant 0 : index
      %swap3A_196 = arith.constant 0 : index
      %swap3A_197 = vector.load %arg11[%swap3A_195, %swap3A_196] : memref<1x1xf32, #tpu.memory_space<vmem>>, vector<1x1xf32>
      tpu.vector_store %arg11[%swap3A_195, %swap3A_196], %broadcast_in_dim3A_194 {strides = array<i32>} : memref<1x1xf32, #tpu.memory_space<vmem>>, vector<1x1xf32>,
    } else {
    }
    %gt3A = arith.constant 0 : i32
    %gt3A_2 = arith.cmpi sgt, %arg0, %gt3A : i32
    %convert_element_type3A_3 = arith.extui %gt3A_2 : i1 to i32
    %cond3A_4 = arith.constant 0 : i32
    %cond3A_5 = arith.cmpi ne, %convert_element_type3A_3, %cond3A_4 : i32
    scf.if %cond3A_5 {
      %sub3A = arith.constant 1 : i32
      %sub3A_6 = arith.subi %arg0, %sub3A : i32
      %mul3A = arith.constant 512 : i32
      %mul3A_7 = arith.muli %sub3A_6, %mul3A : i32
      %get3A = arith.index_cast %mul3A_7 : i32 to index
      %get3A_8 = arith.constant 0 : index
      %get3A_9 = vector.load %arg12[%get3A, %get3A_8] : memref<5120x64xf32, #tpu.memory_space<vmem>>, vector<512x64xf32>
      %sub3A_10 = arith.constant 1 : i32
      %sub3A_11 = arith.subi %arg0, %sub3A_10 : i32
      %mul3A_12 = arith.constant 512 : i32
      %mul3A_13 = arith.muli %sub3A_11, %mul3A_12 : i32
      %get3A_14 = arith.index_cast %mul3A_13 : i32 to index
      %get3A_15 = arith.constant 0 : index
      %get3A_16 = vector.load %arg13[%get3A_14, %get3A_15] : memref<5120x64xf32, #tpu.memory_space<vmem>>, vector<512x64xf32>
      %mul3A_17 = arith.mulf %get3A_9, %get3A_16 : vector<512x64xf32>
      %reduce_sum3A = arith.constant dense<0.000000e+00> : vector<512xf32>
      %reduce_sum3A_18 = vector.multi_reduction <add>, %mul3A_17, %reduce_sum3A [1] : vector<512x64xf32> to vector<512xf32>
      %exp3A = math.exp %reduce_sum3A_18 : vector<512xf32>
      %get3A_19 = arith.constant 0 : index
      %get3A_20 = arith.constant 0 : index
      %get3A_21 = vector.load %arg13[%get3A_19, %get3A_20] : memref<5120x64xf32, #tpu.memory_space<vmem>>, vector<5120x64xf32>
      %dot_general3A = arith.constant dense<0.000000e+00> : vector<512x5120xf32>
      %dot_general3A_22 = tpu.matmul %get3A_9, %get3A_21, %dot_general3A {dimension_numbers = #tpu.dot_dimension_numbers<[1], [1], [0], [0], [0, 0, 1, 0], [], []>, transpose_lhs_hint = false} : vector<512x64xf32>, vector<5120x64xf32>, vector<512x5120xf32> -> vector<512x5120xf32>
      %exp3A_23 = math.exp %dot_general3A_22 : vector<512x5120xf32>
      %reduce_sum3A_24 = arith.constant dense<0.000000e+00> : vector<512xf32>
      %reduce_sum3A_25 = vector.multi_reduction <add>, %exp3A_23, %reduce_sum3A_24 [1] : vector<512x5120xf32> to vector<512xf32>
      %add3A = arith.constant 9.99999993E-9 : f32
      %add3A_26 = vector.broadcast %add3A : f32 to vector<512xf32>
      %add3A_27 = arith.addf %reduce_sum3A_25, %add3A_26 : vector<512xf32>
      %div3A = arith.divf %exp3A, %add3A_27 : vector<512xf32>
      %add3A_28 = arith.constant 9.99999993E-9 : f32
      %add3A_29 = vector.broadcast %add3A_28 : f32 to vector<512xf32>
      %add3A_30 = arith.addf %div3A, %add3A_29 : vector<512xf32>
      %log3A = math.log %add3A_30 : vector<512xf32>
      %neg3A = arith.constant 0.000000e+00 : f32
      %neg3A_31 = vector.broadcast %neg3A : f32 to vector<512xf32>
      %neg3A_32 = arith.subf %neg3A_31, %log3A : vector<512xf32>
      %reduce_sum3A_33 = vector.shape_cast %neg3A_32 : vector<512xf32> to vector<1x512xf32>
      %reduce_sum3A_34 = arith.constant dense<0.000000e+00> : vector<1xf32>
      %reduce_sum3A_35 = vector.multi_reduction <add>, %reduce_sum3A_33, %reduce_sum3A_34 [1] : vector<1x512xf32> to vector<1xf32>
      %reduce_sum3A_36 = vector.shape_cast %reduce_sum3A_35 : vector<1xf32> to vector<1x1xf32>
      %reduce_sum3A_37 = vector.extract %reduce_sum3A_36[0, 0] : f32 from vector<1x1xf32>
      %get3A_38 = arith.constant 0 : index
      %get3A_39 = arith.constant 0 : index
      %get3A_40 = vector.load %arg11[%get3A_38, %get3A_39] : memref<1x1xf32, #tpu.memory_space<vmem>>, vector<1x1xf32>
      %mul3A_41 = arith.constant 5.000000e-01 : f32
      %mul3A_42 = arith.mulf %mul3A_41, %reduce_sum3A_37 : f32
      %div3A_43 = arith.constant 5.120000e+03 : f32
      %div3A_44 = arith.divf %mul3A_42, %div3A_43 : f32
      %broadcast_in_dim3A = vector.broadcast %div3A_44 : f32 to vector<1x1xf32>
      %add3A_45 = arith.addf %get3A_40, %broadcast_in_dim3A : vector<1x1xf32>
      %swap3A = arith.constant 0 : index
      %swap3A_46 = arith.constant 0 : index
      %swap3A_47 = vector.load %arg11[%swap3A, %swap3A_46] : memref<1x1xf32, #tpu.memory_space<vmem>>, vector<1x1xf32>
      tpu.vector_store %arg11[%swap3A, %swap3A_46], %add3A_45 {strides = array<i32>} : memref<1x1xf32, #tpu.memory_space<vmem>>, vector<1x1xf32>,
    } else {
    }
    return
  }
  func.func @transform_0(%arg0: i32) -> (i32, i32, i32) {
    %c0_i32 = arith.constant 0 : i32
    %c0_i32_0 = arith.constant 0 : i32
    %c0_i32_1 = arith.constant 0 : i32
    %c0_i32_2 = arith.constant 0 : i32
    return %c0_i32, %c0_i32_0, %c0_i32_1 : i32, i32, i32
  }
  func.func @transform_1(%arg0: i32) -> (i32, i32, i32) {
    %c0_i32 = arith.constant 0 : i32
    %c0_i32_0 = arith.constant 0 : i32
    %c0_i32_1 = arith.constant 0 : i32
    %c0_i32_2 = arith.constant 0 : i32
    return %c0_i32, %c0_i32_0, %c0_i32_1 : i32, i32, i32
  }
  func.func @transform_2(%arg0: i32) -> (i32, i32) {
    %c0_i32 = arith.constant 0 : i32
    %c0_i32_0 = arith.constant 0 : i32
    %c0_i32_1 = arith.constant 0 : i32
    return %c0_i32, %c0_i32_0 : i32, i32
  }
  func.func @transform_3(%arg0: i32) -> (i32, i32) {
    %c0_i32 = arith.constant 0 : i32
    %c0_i32_0 = arith.constant 0 : i32
    %c0_i32_1 = arith.constant 0 : i32
    return %c0_i32, %c0_i32_0 : i32, i32
  }
  func.func @transform_4(%arg0: i32) -> (i32, i32) {
    %c0_i32 = arith.constant 0 : i32
    %c0_i32_0 = arith.constant 0 : i32
    %c0_i32_1 = arith.constant 0 : i32
    return %c0_i32, %c0_i32_0 : i32, i32
  }
  func.func @transform_5(%arg0: i32) -> (i32, i32) {
    %c0_i32 = arith.constant 0 : i32
    %c0_i32_0 = arith.constant 0 : i32
    %c0_i32_1 = arith.constant 0 : i32
    return %c0_i32, %c0_i32_0 : i32, i32
  }
  func.func @transform_6(%arg0: i32) -> (i32, i32) {
    %c0_i32 = arith.constant 0 : i32
    %c0_i32_0 = arith.constant 0 : i32
    %c0_i32_1 = arith.constant 0 : i32
    return %c0_i32, %c0_i32_0 : i32, i32
  }
  func.func @transform_7(%arg0: i32) -> (i32, i32) {
    %c0_i32 = arith.constant 0 : i32
    %c0_i32_0 = arith.constant 0 : i32
    %c0_i32_1 = arith.constant 0 : i32
    return %c0_i32, %c0_i32_0 : i32, i32
  }
  func.func @transform_8(%arg0: i32) -> (i32, i32) {
    %c0_i32 = arith.constant 0 : i32
    %c0_i32_0 = arith.constant 0 : i32
    %c0_i32_1 = arith.constant 0 : i32
    return %c0_i32, %c0_i32_0 : i32, i32
  }
  func.func @transform_9(%arg0: i32) -> (i32, i32) {
    %c0_i32 = arith.constant 0 : i32
    %c0_i32_0 = arith.constant 0 : i32
    %c0_i32_1 = arith.constant 0 : i32
    return %c0_i32, %c0_i32_0 : i32, i32
  }
  func.func @transform_10(%arg0: i32) -> (i32, i32) {
    %c0_i32 = arith.constant 0 : i32
    %c0_i32_0 = arith.constant 0 : i32
    %c0_i32_1 = arith.constant 0 : i32
    return %c0_i32, %c0_i32_0 : i32, i32
  }
}

</mosaic_0001>

<sc_bundles>
// kernel: kernel.4.cloned.1.call-start
scs
__scs_entry_jumppad:
0x0: {  	(pc) =	sbr.rel $0x88, $3  }
0x1: {  	(tag) =	ssettag $0x0;
	lr =	simm.s32 $0x1  }
0x2: {  	[smem:$0x3F98] =	sst lr;
	_ =	strace $0xD0000000  }
0x3: {  	_ = 	snop  }
0x4: {  	_ = 	snop  }
0x5: {  	_ = 	snop  }
0x6: {  	_ = 	snop  }
0x7: {  	_ = 	snop  }
__scs_overlays_trampoline_lowered:
0x8: {  	[smem:$0x3FA7] =	sst s0  }
0x9: {  	[smem:$0x3FA8] =	sst s1  }
0xa: {  	[smem:$0x3FA9] =	sst s2  }
0xb: {  	[smem:$0x3FAA] =	sst s3  }
0xc: {  	[smem:$0x3FAB] =	sst s4  }
0xd: {  	[smem:$0x3FAC] =	sst s5  }
0xe: {  	[smem:$0x3FAD] =	sst s6  }
0xf: {  	[smem:$0x3FAE] =	sst s7  }
0x10: {  	[smem:$0x3FAF] =	sst s8  }
0x11: {  	[smem:$0x3FB0] =	sst s9;
	s0 =	simm.s32 @!p0 $0x0  }
0x12: {  	s1 =	sld [smem:$0x3F96];
	s0 =	simm.s32 @p0 $0x1  }
0x13: {  	[smem:$0x3FB1] =	sst s0;
	s0 =	simm.s32 @!p1 $0x0  }
0x14: {  	s2 =	sld [smem:$0x3F95];
	s0 =	simm.s32 @p1 $0x1  }
0x15: {  	[smem:$0x3FB2] =	sst s0;
	s0 =	simm.s32 @!p2 $0x0  }
0x16: {  	s3 =	sld [smem:$0x3FDB];
	s0 =	simm.s32 @p2 $0x1  }
0x17: {  	s4 =	simm.s32 $0x1BF5;
	[smem:$0x3FB4] =	sst s0  }
0x18: {  	s0 =	sld [smem:$0x3F97];
	_ =	swait.ge [sflag:s4], $0x0  }
0x19: {  	s7 =	sld [smem:$0x3F98]  }
0x1a: {  	s8 =	sadd.s32 $0xFFFFE003, lr  }
0x1b: {  	s9 =	sadd.s32 $0xFFFFFEF7, lr;
	s5 =	simm.s32 $0xFFFFFFFF;
	p2 =	slt.u32 s8, $0xFFFFF086  }
0x1c: {  	p1 =	slt.u32 s9, $0xF7A;
	s5 =	simm.s32 @!p2 $0x0  }
0x1d: {  	s5 =	simm.s32 @p1 $0x1;
	p0 =	seq.s32 s7, s2  }
0x1e: {  	s7 =	smul.u32 @!p0 $0xF7A, s2;
	p2 =	seq.s32 @!p0 s5, $0x0  }
0x1f: {  	s9 =	smul.u32 $0xF7A, s1;
	s8 =	simm.s32 @!p0 $0x1BF5;
	p2 =	por !p2, p0  }
0x20: {  	[sflag:s8] =	ssyncset.s32 @!p0 $0xFFFFF086;
	s6 =	sadd.s32 @!p0 s3, s7;
	s7 =	simm.s32 @!p0 $0x108  }
0x21: {  	s3 =	sadd.s32 s3, s9;
	s6 =	sadd.s32 @!p0 $0x88, s6;
	s7 =	simm.s32 @p2 $0x1082  }
0x22: {  	[simem:s7], [sflag:s8] =	dma.local @!p0 [hbm:s6], $0xF7A  }
0x23: {  	s9 =	sor.u32 $0xD0000000, s2;
	s6 =	simm.s32 $0x108;
	_ =	swait.ge @!p0 [sflag:s8], $0x0  }
0x24: {  	s3 =	sadd.s32 $0x88, s3;
	s6 =	simm.s32 @!p1 $0x1082;
	[sflag:s4] =	ssyncset.s32 $0xFFFFF086  }
0x25: {  	[simem:s6], [sflag:s4] =	dma.local [hbm:s3], $0xF7A  }
0x26: {  	[smem:$0x3F98] =	sst s1;
	(tag) =	ssettag s2;
	_ =	strace s9  }
0x27: {  	s1 =	sld [smem:$0x3FA8]  }
0x28: {  	s2 =	sld [smem:$0x3FA9]  }
0x29: {  	s4 =	sld [smem:$0x3FAB]  }
0x2a: {  	p0 =	seq.s32 s5, $0x0;
	s5 =	sld [smem:$0x3FAC]  }
0x2b: {  	s6 =	sld [smem:$0x3FAD]  }
0x2c: {  	s7 =	sld [smem:$0x3FAE]  }
0x2d: {  	s3 =	simm.s32 $0x108;
	s8 =	sld [smem:$0x3FAF]  }
0x2e: {  	s3 =	simm.s32 @!p0 $0x1082;
	s9 =	sld [smem:$0x3FB0]  }
0x2f: {  	lr =	sadd.s32 s0, s3;
	s0 =	sld [smem:$0x3FA7]  }
0x30: {  	s3 =	sld [smem:$0x3FAA]  }
0x31: {  	[smem:$0x3FB3] =	sst s10  }
0x32: {  	s10 =	sld [smem:$0x3FB1];
	_ =	sdelay $0x3  }
0x33: {  	p0 =	seq.s32 s10, $0x1;
	s10 =	sld [smem:$0x3FB3];
	_ =	sdelay $0x3  }
0x34: {  	[smem:$0x3FB3] =	sst s10  }
0x35: {  	s10 =	sld [smem:$0x3FB2];
	_ =	sdelay $0x3  }
0x36: {  	p1 =	seq.s32 s10, $0x1;
	s10 =	sld [smem:$0x3FB3];
	_ =	sdelay $0x3  }
0x37: {  	[smem:$0x3FB3] =	sst s10  }
0x38: {  	s10 =	sld [smem:$0x3FB4]  }
0x39: {  	_ = 	snop;
	(pc) =	sbr.ind lr, $3  }
0x3a: {  	_ = 	snop  }
0x3b: {  	_ = 	snop  }
0x3c: {  	p2 =	seq.s32 s10, $0x1;
	s10 =	sld [smem:$0x3FB3]  }
0x3d: {  	_ =	shalt  }
0x3e: {  	_ =	shalt  }
0x3f: {  	_ =	shalt  }
0x40: {  	_ =	shalt  }
0x41: {  	_ =	shalt  }
0x42: {  	_ =	shalt  }
0x43: {  	_ =	shalt  }
0x44: {  	_ =	shalt  }
0x45: {  	_ =	shalt  }
0x46: {  	_ =	shalt  }
0x47: {  	_ =	shalt  }
0x48: {  	_ =	shalt  }
0x49: {  	_ =	shalt  }
0x4a: {  	_ =	shalt  }
0x4b: {  	_ =	shalt  }
0x4c: {  	_ =	shalt  }
0x4d: {  	_ =	shalt  }
0x4e: {  	_ =	shalt  }
0x4f: {  	_ =	shalt  }
0x50: {  	_ =	shalt  }
0x51: {  	_ =	shalt  }
0x52: {  	_ =	shalt  }
0x53: {  	_ =	shalt  }
0x54: {  	_ =	shalt  }
0x55: {  	_ =	shalt  }
0x56: {  	_ =	shalt  }
0x57: {  	_ =	shalt  }
0x58: {  	_ =	shalt  }
0x59: {  	_ =	shalt  }
0x5a: {  	_ =	shalt  }
0x5b: {  	_ =	shalt  }
0x5c: {  	_ =	shalt  }
0x5d: {  	_ =	shalt  }
0x5e: {  	_ =	shalt  }
0x5f: {  	_ =	shalt  }
0x60: {  	_ =	shalt  }
0x61: {  	_ =	shalt  }
0x62: {  	_ =	shalt  }
0x63: {  	_ =	shalt  }
0x64: {  	_ =	shalt  }
0x65: {  	_ =	shalt  }
0x66: {  	_ =	shalt  }
0x67: {  	_ =	shalt  }
0x68: {  	_ =	shalt  }
0x69: {  	_ =	shalt  }
0x6a: {  	_ =	shalt  }
0x6b: {  	_ =	shalt  }
0x6c: {  	_ =	shalt  }
0x6d: {  	_ =	shalt  }
0x6e: {  	_ =	shalt  }
0x6f: {  	_ =	shalt  }
0x70: {  	_ =	shalt  }
0x71: {  	_ =	shalt  }
0x72: {  	_ =	shalt  }
0x73: {  	_ =	shalt  }
0x74: {  	_ =	shalt  }
0x75: {  	_ =	shalt  }
0x76: {  	_ =	shalt  }
0x77: {  	_ =	shalt  }
0x78: {  	_ =	shalt  }
0x79: {  	_ =	shalt  }
0x7a: {  	_ =	shalt  }
0x7b: {  	_ =	shalt  }
0x7c: {  	_ =	shalt  }
0x7d: {  	_ =	shalt  }
0x7e: {  	_ =	shalt  }
0x7f: {  	_ =	shalt  }
0x80: {  	_ =	shalt  }
0x81: {  	_ =	shalt  }
0x82: {  	_ =	shalt  }
0x83: {  	_ =	shalt  }
0x84: {  	_ =	shalt  }
0x85: {  	_ =	shalt  }
0x86: {  	_ =	shalt  }
0x87: {  	_ =	shalt  }
.Lfunc_end0:
.L_simem_size_0:
called_computation_lowered:
.L_overlay_start_0:
0x88: {  	s2 =	sld [smem:$0x3FD9]  }
0x89: {  	s3 =	sld [smem:$0x3FFE];
	_ =	sdelay $0x1  }
0x8a: {  	s1 =	srdreg.scid  }
0x8b: {  	s0 =	sand.u32 $0x1, s1  }
0x8c: {  	s16 =	sshll.u32 s0, $0xA;
	s2 =	sadd.s32 s3, s2  }
0x8d: {  	s2 =	sadd.s32 s2, s16  }
0x8e: {  	[smem:$0x3FBF] =	sst s2  }
0x8f: {  	_ = 	snop  }
0x90: {  	(tm) =	ssettm $0x1  }
0x91: {  	s17 =	sld [smem:$0x3FFB];
	_ =	sdelay $0x3  }
0x92: {  	_ =	strace s17  }
0x93: {  	s2 =	sld [smem:$0x3FFC];
	_ =	sdelay $0x3  }
0x94: {  	_ =	strace s2  }
0x95: {  	s2 =	sld [smem:$0x3FFD];
	_ =	sdelay $0x3  }
0x96: {  	_ =	strace s2  }
0x97: {  	_ =	strace $0x8FFFFFFF  }
0x98: {  	s18 =	sld [smem:$0x3FDB];
	_ =	sdelay $0x1  }
0x99: {  	s19 =	simm.s32 $_scs_section_size  }
0x9a: {  	s4 =	simm.s32 $_size__tile_overlayer_lowered;
	s5 =	simm.s32 $_tile_overlayer_lowered  }
0x9b: {  	s22 =	simm.s32 $0x1BFF;
	s21 =	sshll.u32 s5, $0x1;
	s2 =	sadd.s32 s19, s18  }
0x9c: {  	s6 =	simm.s32 $0x0;
	s20 =	sshll.u32 s4, $0x1;
	s4 =	sadd.s32 s21, s2  }
0x9d: {  	[timem:s6], [sflag:s22] =	dma.local [hbm:s4], s20  }
0x9e: {  	_ =	swait.ge [sflag:s22], s20  }
0x9f: {  	s3 =	ssub.s32 $0x0, s20;
	[sflag:s22] =	ssyncset.done $0x0  }
0xa0: {  	[sflag:s22] =	ssyncadd.s32 s3;
	_ =	sdelay $0x1  }
0xa1: {  	s23 =	simm.s32 $0x1B8B  }
0xa2: {  	_ =	swait.ge [sflag:s23], $0x1  }
0xa3: {  	[sflag:s23] =	ssyncset.done $0x0  }
0xa4: {  	s25 =	simm.s32 $0x1B8E;
	s24 =	sld [smem:$0x3FFE];
	[sflag:s23] =	ssyncadd.s32 $0xFFFFFFFF  }
0xa5: {  	s26 =	simm.s32 $execute0_lowered;
	[smem:$0x3FD2] =	sst s25  }
0xa6: {  	s4 =	sshll.u32 s26, $0x1;
	_ =	strace $0x80000046;
	[dreg:$0x1] =	wrdreg $0xFFFFFFFF  }
0xa7: {  	s28 =	simm.s32 $_size_execute0_lowered;
	s2 =	sadd.s32 s2, s4;
	[dreg:$0x0] =	wrdreg $0x0  }
0xa8: {  	s4 =	sshll.u32 s28, $0x1;
	[dreg:$0x2] =	wrdreg s2  }
0xa9: {  	[dreg:$0x3] =	wrdreg s4  }
0xaa: {  	[dreg:$0x4] =	wrdreg $0xC0  }
0xab: {  	_ =	task [dreg:s6], $0x5FFFF  }
0xac: {  	[dreg:$0x1] =	wrdreg $0xFFFFFFFF  }
0xad: {  	[dreg:$0x0] =	wrdreg $0x60  }
0xae: {  	[dreg:$0x2] =	wrdreg s24  }
0xaf: {  	[dreg:$0x3] =	wrdreg $0x0  }
0xb0: {  	[dreg:$0x4] =	wrdreg $0x9E000  }
0xb1: {  	[dreg:$0x5] =	wrdreg $0x9  }
0xb2: {  	_ =	task.clear_ibuf [dreg:s6], $0x6FFFF;
	_ =	strace $0x90000046  }
0xb3: {  	s29 =	simm.s32 $0x9;
	_ =	strace $0x80000048  }
0xb4: {  	_ =	swait.ge [sflag:s29], $0x1  }
0xb5: {  	[sflag:s29] =	ssyncadd.s32 $0xFFFFFFFF  }
0xb6: {  	_ =	strace $0x90000048  }
0xb7: {  	_ =	sfence  }
0xb8: {  	s30 =	sld [smem:$0x0];
	_ =	sdelay $0x2  }
0xb9: {  	s31 =	sshll.u32 s1, $0xD;
	s1 =	sshrl.u32 s1, $0x2  }
0xba: {  	s3 =	sand.u32 $0x4000, s31;
	s1 =	sadd.s32 s1, s30  }
0xbb: {  	s0 =	sor.u32 s3, s0;
	s1 =	sshll.u32 s1, $0x11  }
0xbc: {  	s0 =	sor.u32 s1, s0  }
0xbd: {  	s0 =	sadd.s32 $0x8F2B, s0  }
0xbe: {  	[sflag:s0] =	ssyncadd.remote.s32 $0x1  }
0xbf: {  	_ =	sfence.sel $0xFFFF  }
0xc0: {  	[dreg:$0x0] =	wrdreg $0xFFFFFFFF;
	(pc) =	sbr.abs _section_cstart, $3  }
0xc1: {  	[dreg:$0x1] =	wrdreg $0xFFFFFFFF  }
0xc2: {  	_ =	task.clear_ibuf [dreg:s6], $0x2FFFF;
	_ =	strace $0x9FFFFFFF  }
0xc3: {  	(tm) =	ssettm $0x7FFFFFFF  }
tec
execute0_lowered:
.L_overlay_start_1:
0x0: {  	(tag) =	ssettag $0x1  }
0x1: {  	s0 =	rddreg [dreg:$0x0]  }
0x2: {  	s2 =	rddreg [dreg:$0x1]  }
0x3: {  	s12 =	stileid.u32;
	s3 =	rddreg [dreg:$0x2]  }
0x4: {  	s4 =	simm.s32 $0x0;
	s8 =	srdreg.scid;
	s31 =	simm.s32 $0x5  }
0x5: {  	s29 =	simm.s32 $0x1A000;
	s30 =	simm.s32 $0x0;
	s1 =	smul.u32 $0x9E00, s12  }
0x6: {  	[smem:$0x7FF] =	sst s4;
	s6 =	sadd.s32 $0x3D800, s0;
	s7 =	sadd.s32 $0x33800, s0  }
0x7: {  	s9 =	sadd.s32 $0x1A00, s0;
	s24 =	sadd.s32 $0x2E800, s0;
	s8 =	sand.u32 $0x1, s8  }
0x8: {  	s11 =	smul.u32 $0xA00, s12;
	_ =	strace $0x80000047;
	[dreg:$0x4] =	wrdreg s9  }
0x9: {  	s25 =	sadd.s32 $0x29800, s0;
	s16 =	smul.u32 $0x30, s12;
	[dreg:$0x5] =	wrdreg s24  }
0xa: {  	s26 =	sadd.s32 $0x47800, s0;
	s18 =	smul.u32 $0x6000, s12;
	[dreg:$0x6] =	wrdreg s25  }
0xb: {  	s28 =	sadd.s32 $0x48C00, s0;
	s19 =	smul.u32 $0x1800, s12;
	[dreg:$0x7] =	wrdreg s26  }
0xc: {  	s10 =	ssub.s32 $0x2, s8;
	[dreg:$0x8] =	wrdreg s28;
	s24 =	smul.u32 $0xC00, s12  }
0xd: {  	p0 =	seq.s32 s8, $0x1;
	s25 =	sshll.u32 s12, $0x6;
	s28 =	smul.u32 $0x300, s12  }
0xe: {  	s5 =	sshrl.u32 s1, $0x3;
	s9 =	sshrl.u32 s10, $0x1;
	s13 =	sadd.s32 s1, s2  }
0xf: {  	s1 =	sadd.s32 s1, s3;
	[dreg:$0xb] =	wrdreg s16;
	s14 =	sadd.s32 s7, s11  }
0x10: {  	s15 =	sadd.s32 s6, s11;
	s8 =	sor.u32 $0x20, s11;
	s11 =	smul.u32 $0x180, s12  }
0x11: {  	s20 =	sadd.s32 $0x4000, s18;
	s22 =	sshrl.u32 s18, $0x3;
	[dreg:$0x17] =	wrdreg s25  }
0x12: {  	s12 =	simm.s32 $0x14000;
	s5 =	sadd.s32 s5, s0;
	[dreg:$0xa] =	wrdreg s1  }
0x13: {  	s0 =	sadd.s32 $0x60C00, s0;
	s7 =	sadd.s32 s7, s8;
	[dreg:$0xf] =	wrdreg s20  }
0x14: {  	s6 =	sadd.s32 s6, s8;
	s1 =	sadd.s32 $0x64000, s18;
	[dreg:$0x16] =	wrdreg s24  }
0x15: {  	s26 =	sshrl.u32 s13, $0x3;
	[dreg:$0x19] =	wrdreg s28;
	s13 =	simm.s32 $0x80  }
0x16: {  	s18 =	simm.s32 $0x16000;
	s20 =	simm.s32 $0x13D00;
	[dreg:$0x9] =	wrdreg s0  }
0x17: {  	s8 =	simm.s32 $0x13E80;
	s0 =	ssub.s32 s10, s9;
	[dreg:$0xd] =	wrdreg s7  }
0x18: {  	s17 =	sadd.s32 $0x15C00, s5;
	[dreg:$0xe] =	wrdreg s6;
	s5 =	sadd.s32 $0x2000, s5  }
0x19: {  	s21 =	sshrl.u32 s11, $0x3;
	s6 =	sshrl.u32 s19, $0x3;
	[dreg:$0x13] =	wrdreg s1  }
0x1a: {  	[dreg:$0x18] =	wrdreg s26;
	s1 =	simm.s32 $0x6;
	s7 =	simm.s32 $0x1  }
0x1b: {  	s19 =	simm.s32 $0x13C80;
	s10 =	simm.s32 $0x4;
	[dreg:$0xc] =	wrdreg s17  }
0x1c: {  	s11 =	simm.s32 $0x13F80;
	s26 =	simm.s32 $0x1C080;
	[dreg:$0x10] =	wrdreg s5  }
0x1d: {  	s5 =	sadd.s32 $0x300, s21;
	s23 =	sadd.s32 $0x3000, s6;
	s0 =	smax.u32 s0, $0x1  }
.Ltmp0:
0x1e: {  	s6 =	simm.s32 $0x13E00;
	[dreg:$0x11] =	wrdreg s5;
	(pc) =	sbr.rel .LBB2_1-.Ltmp0, $4  }
0x1f: {  	s21 =	simm.s32 $0x13F00;
	s5 =	sadd.s32 $0xC000, s22;
	[dreg:$0x14] =	wrdreg s23  }
0x20: {  	[dreg:$0x15] =	wrdreg s0;
	s0 =	sor.u32 $0x1C05, s25;
	s22 =	simm.s32 $0x2  }
0x21: {  	s23 =	simm.s32 $0x18000;
	s25 =	simm.s32 $0x13D80;
	[dreg:$0x12] =	wrdreg s5  }
0x22: {  	[dreg:$0x1a] =	wrdreg s0;
	s0 =	simm.s32 $0x13C00;
	s5 =	simm.s32 $0x3  }
.LBB2_7:
0x23: {  	[tilespmem:s21], [sflag:$0x2] =	stream.linear.gather [hbm4b:s16+s4], $0x100, $0x38;
	[tilespmem:$0x1D980] =	vst v63  }
0x24: {  	s17 =	rddreg [dreg:$0x11]  }
0x25: {  	s16 =	rddreg [dreg:$0x6]  }
0x26: {  	s9 =	rddreg [dreg:$0x12]  }
0x27: {  	s24 =	rddreg [dreg:$0x13]  }
0x28: {  	s28 =	rddreg [dreg:$0x14]  }
0x29: {  	[dreg:$0x1d] =	wrdreg s9  }
0x2a: {  	[dreg:$0x1c] =	wrdreg s24  }
0x2b: {  	[dreg:$0x1b] =	wrdreg s28  }
.LBB2_8:
0x2c: {  	_ =	swait.ge [sflag:s22], $0x100  }
0x2d: {  	[sflag:s22] =	ssyncset.done $0x0  }
0x2e: {  	[sflag:s22] =	ssyncadd.s32 $0xFFFFFF00  }
0x2f: {  	_ =	swait.ge [sflag:s22], $0x100  }
0x30: {  	[sflag:s22] =	ssyncset.done $0x0  }
0x31: {  	[sflag:s22] =	ssyncadd.s32 $0xFFFFFF00  }
0x32: {  	[tilespmem:s23], [sflag:$0x4] =	stream.indirect.gather [spmem:s3], $0x40, s20, s13, $0xb8;
	[tilespmem:$0x1D980] =	vst v63  }
0x33: {  	_ = 	snop  }
0x34: {  	[tilespmem:s29], [sflag:$0x4] =	stream.indirect.gather [spmem:s3], $0x40, s25, s13, $0xb8;
	[tilespmem:$0x1D980] =	vst v63  }
0x35: {  	_ =	swait.ge [sflag:s5], $0x4000  }
0x36: {  	[sflag:s5] =	ssyncset.done $0x0  }
0x37: {  	[sflag:s5] =	ssyncadd.s32 $0xFFFFC000  }
0x38: {  	[spmem:s2] =	stream.indirect.scatter.add.f32 [tilespmem:s12], [sflag:$0x5], $0x40, s6, s13, $0xb8;
	[tilespmem:$0x1D980] =	vst v63  }
0x39: {  	_ = 	snop  }
0x3a: {  	[spmem:s2] =	stream.indirect.scatter.add.f32 [tilespmem:s18], [sflag:$0x5], $0x40, s8, s13, $0xb8;
	[tilespmem:$0x1D980] =	vst v63  }
0x3b: {  	_ =	swait.ge [sflag:s31], $0x4000  }
0x3c: {  	[sflag:s31] =	ssyncset.done $0x0  }
0x3d: {  	[sflag:s31] =	ssyncadd.s32 $0xFFFFC000  }
0x3e: {  	_ =	swait.ge [sflag:s10], $0x4000  }
0x3f: {  	[sflag:s10] =	ssyncset.done $0x0  }
0x40: {  	[sflag:s10] =	ssyncadd.s32 $0xFFFFC000  }
0x41: {  	[spmem:s2] =	stream.indirect.scatter.add.f32 [tilespmem:s23], [sflag:$0x6], $0x40, s21, s13, $0xb8;
	[tilespmem:$0x1D980] =	vst v63  }
0x42: {  	_ = 	snop  }
0x43: {  	[spmem:s2] =	stream.indirect.scatter.add.f32 [tilespmem:s29], [sflag:$0x6], $0x40, s11, s13, $0xb8;
	[tilespmem:$0x1D980] =	vst v63  }
0x44: {  	_ =	swait.ge [sflag:s1], $0x4000  }
0x45: {  	[sflag:s1] =	ssyncset.done $0x0  }
0x46: {  	s28 =	simm.s32 $0x7;
	s9 =	rddreg [dreg:$0x4];
	[sflag:s1] =	ssyncadd.s32 $0xFFFFC000  }
0x47: {  	s17 =	sadd.s32 s9, s17;
	s9 =	simm.s32 $0x1C000;
	[bflag:$0x0] =	sbarrier.arrive $0xFFFF  }
0x48: {  	[tilespmem:s9], [sflag:$0x7] =	stream.linear.gather [hbm4b:s17+s4], $0x180, $0x38;
	[tilespmem:$0x1D980] =	vst v63  }
0x49: {  	_ =	swait.ge [sflag:s28], $0x180  }
0x4a: {  	[sflag:s28] =	ssyncset.done $0x0  }
0x4b: {  	s17 =	simm.s32 $0x1C180;
	[sflag:s28] =	ssyncadd.s32 $0xFFFFFE80  }
0x4c: {  	[tilespmem:s17], [sflag:$0x4] =	stream.indirect.gather [hbm4b:s16+s13], $0x10, s9, s13, $0xb8;
	[tilespmem:$0x1D980] =	vst v63  }
0x4d: {  	s24 =	simm.s32 $0x1C980  }
0x4e: {  	[tilespmem:s24], [sflag:$0x4] =	stream.indirect.gather [hbm4b:s16+s13], $0x10, s26, s13, $0xb8;
	[tilespmem:$0x1D980] =	vst v63  }
0x4f: {  	s28 =	simm.s32 $0x1D180;
	s24 =	simm.s32 $0x1C100  }
0x50: {  	[tilespmem:s28], [sflag:$0x4] =	stream.indirect.gather [hbm4b:s16+s13], $0x10, s24, s13, $0xb8;
	[tilespmem:$0x1D980] =	vst v63  }
0x51: {  	_ = 	snop  }
0x52: {  	[tilespmem:s12], [sflag:$0x1] =	stream.indirect.gather [spmem:s2], $0x40, s9, s13, $0xb8;
	[tilespmem:$0x1D980] =	vst v63  }
0x53: {  	_ = 	snop  }
0x54: {  	[tilespmem:s18], [sflag:$0x1] =	stream.indirect.gather [spmem:s2], $0x40, s26, s13, $0xb8;
	[tilespmem:$0x1D980] =	vst v63  }
0x55: {  	_ = 	snop  }
0x56: {  	[tilespmem:s23], [sflag:$0x2] =	stream.indirect.gather [spmem:s2], $0x40, s24, s13, $0xb8;
	[tilespmem:$0x1D980] =	vst v63  }
0x57: {  	_ =	swait.ge [sflag:s7], $0x2000  }
0x58: {  	[sflag:s7] =	ssyncset.done $0x0  }
0x59: {  	[sflag:s7] =	ssyncadd.s32 $0xFFFFE000  }
0x5a: {  	_ =	swait.ge [sflag:s7], $0x2000  }
0x5b: {  	[sflag:s7] =	ssyncset.done $0x0  }
0x5c: {  	[sflag:s7] =	ssyncadd.s32 $0xFFFFE000  }
0x5d: {  	_ =	swait.ge [sflag:s22], $0x2000  }
0x5e: {  	s9 =	rddreg [dreg:$0x8]  }
0x5f: {  	[sflag:s22] =	ssyncset.done $0x0;
	s24 =	rddreg [dreg:$0x1d]  }
0x60: {  	s28 =	rddreg [dreg:$0x1c];
	s16 =	sadd.s32 s9, s24;
	[sflag:s22] =	ssyncadd.s32 $0xFFFFE000  }
0x61: {  	[hbm4b:s16+s4] =	stream.linear.scatter [tilespmem:s12], [sflag:$0x5], $0x4000, $0x38;
	[tilespmem:$0x1D980] =	vst v63  }
0x62: {  	s16 =	sshrl.u32 s28, $0x3  }
0x63: {  	s16 =	sadd.s32 s9, s16  }
0x64: {  	[hbm4b:s16+s4] =	stream.linear.scatter [tilespmem:s23], [sflag:$0x6], $0x2000, $0x38;
	[tilespmem:$0x1D980] =	vst v63  }
0x65: {  	_ =	swait.ge [sflag:s10], $0x800  }
0x66: {  	[sflag:s10] =	ssyncset.done $0x0  }
0x67: {  	[sflag:s10] =	ssyncadd.s32 $0xFFFFF800  }
0x68: {  	_ =	swait.ge [sflag:s10], $0x800  }
0x69: {  	[sflag:s10] =	ssyncset.done $0x0  }
0x6a: {  	[sflag:s10] =	ssyncadd.s32 $0xFFFFF800  }
0x6b: {  	_ =	swait.ge [sflag:s10], $0x800  }
0x6c: {  	s16 =	rddreg [dreg:$0x9]  }
0x6d: {  	[sflag:s10] =	ssyncset.done $0x0;
	s24 =	rddreg [dreg:$0x1b]  }
0x6e: {  	s16 =	sadd.s32 s16, s24;
	[sflag:s10] =	ssyncadd.s32 $0xFFFFF800  }
0x6f: {  	[hbm4b:s16+s4] =	stream.linear.scatter [tilespmem:s17], [sflag:$0x3], $0x1800, $0x38;
	[tilespmem:$0x1D980] =	vst v63  }
0x70: {  	_ =	swait.ge [sflag:s31], $0x4000  }
0x71: {  	[sflag:s31] =	ssyncset.done $0x0  }
0x72: {  	[sflag:s31] =	ssyncadd.s32 $0xFFFFC000  }
0x73: {  	_ =	swait.ge [sflag:s1], $0x2000  }
0x74: {  	[sflag:s1] =	ssyncset.done $0x0  }
0x75: {  	[sflag:s1] =	ssyncadd.s32 $0xFFFFE000  }
0x76: {  	_ =	swait.ge [sflag:s5], $0x1800  }
0x77: {  	s30 =	sadd.s32 $0x1, s30;
	s28 =	rddreg [dreg:$0x15]  }
0x78: {  	p1 =	sne.s32 s30, s28  }
.Ltmp1:
0x79: {  	_ = 	snop;
	(pc) =	sbr.rel @!p1 .LBB2_9-.Ltmp1, $3  }
0x7a: {  	_ =	sdelay $0x1  }
0x7b: {  	[sflag:s5] =	ssyncset.done $0x0  }
0x7c: {  	[sflag:s5] =	ssyncadd.s32 $0xFFFFE800  }
.LBB2_1:
0x7d: {  	s9 =	rddreg [dreg:$0x7]  }
0x7e: {  	s16 =	rddreg [dreg:$0x18]  }
.Ltmp2:
0x7f: {  	s17 =	rddreg [dreg:$0x1a];
	(pc) =	sbr.rel @!p0 .LBB2_2-.Ltmp2, $4  }
0x80: {  	[spmem:s16], [sflag:s17] =	dma.local [hbm:s9], $0x13C0  }
0x81: {  	s9 =	rddreg [dreg:$0xa]  }
0x82: {  	s28 =	rddreg [dreg:$0x17]  }
0x83: {  	s16 =	sshrl.u32 s9, $0x3;
	s17 =	sor.u32 $0x1C06, s28  }
0x84: {  	s9 =	rddreg [dreg:$0x10]  }
0x85: {  	[spmem:s16], [sflag:s17] =	dma.local [hbm:s9], $0x13C0  }
0x86: {  	_ =	swait.ge [sflag:s31], $0x13C0  }
0x87: {  	[sflag:s31] =	ssyncset.done $0x0  }
0x88: {  	[sflag:s31] =	ssyncadd.s32 $0xFFFFEC40  }
0x89: {  	_ =	swait.ge [sflag:s1], $0x13C0  }
0x8a: {  	[sflag:s1] =	ssyncset.done $0x0  }
0x8b: {  	[sflag:s1] =	ssyncadd.s32 $0xFFFFEC40  }
0x8c: {  	[bflag:$0x0] =	sbarrier.arrive $0xFFFF  }
0x8d: {  	[tilespmem:s0], [sflag:$0x1] =	stream.linear.gather [hbm4b:s15+s4], $0x100, $0x38;
	[tilespmem:$0x1D980] =	vst v63  }
0x8e: {  	_ = 	snop  }
0x8f: {  	[tilespmem:s6], [sflag:$0x1] =	stream.linear.gather [hbm4b:s14+s4], $0x100, $0x38;
	[tilespmem:$0x1D980] =	vst v63  }
0x90: {  	_ =	swait.ge [sflag:s7], $0x100  }
0x91: {  	[sflag:s7] =	ssyncset.done $0x0  }
0x92: {  	[sflag:s7] =	ssyncadd.s32 $0xFFFFFF00  }
0x93: {  	_ =	swait.ge [sflag:s7], $0x100  }
0x94: {  	[sflag:s7] =	ssyncset.done $0x0  }
0x95: {  	[sflag:s7] =	ssyncadd.s32 $0xFFFFFF00  }
0x96: {  	[tilespmem:s12], [sflag:$0x3] =	stream.indirect.gather [spmem:s3], $0x40, s0, s13, $0xb8;
	[tilespmem:$0x1D980] =	vst v63  }
0x97: {  	_ = 	snop  }
0x98: {  	[tilespmem:s18], [sflag:$0x3] =	stream.indirect.gather [spmem:s3], $0x40, s19, s13, $0xb8;
	[tilespmem:$0x1D980] =	vst v63  }
0x99: {  	s24 =	rddreg [dreg:$0xe]  }
0x9a: {  	[tilespmem:s20], [sflag:$0x2] =	stream.linear.gather [hbm4b:s24+s4], $0x100, $0x38;
	[tilespmem:$0x1D980] =	vst v63  }
0x9b: {  	s28 =	rddreg [dreg:$0xd]  }
0x9c: {  	[tilespmem:s21], [sflag:$0x2] =	stream.linear.gather [hbm4b:s28+s4], $0x100, $0x38;
	[tilespmem:$0x1D980] =	vst v63  }
0x9d: {  	_ =	swait.ge [sflag:s22], $0x100  }
0x9e: {  	[sflag:s22] =	ssyncset.done $0x0  }
0x9f: {  	[sflag:s22] =	ssyncadd.s32 $0xFFFFFF00  }
0xa0: {  	_ =	swait.ge [sflag:s22], $0x100  }
0xa1: {  	[sflag:s22] =	ssyncset.done $0x0  }
0xa2: {  	[sflag:s22] =	ssyncadd.s32 $0xFFFFFF00  }
0xa3: {  	[tilespmem:s23], [sflag:$0x4] =	stream.indirect.gather [spmem:s3], $0x40, s20, s13, $0xb8;
	[tilespmem:$0x1D980] =	vst v63  }
0xa4: {  	_ = 	snop  }
0xa5: {  	[tilespmem:s29], [sflag:$0x4] =	stream.indirect.gather [spmem:s3], $0x40, s25, s13, $0xb8;
	[tilespmem:$0x1D980] =	vst v63  }
0xa6: {  	_ =	swait.ge [sflag:s5], $0x4000  }
0xa7: {  	[sflag:s5] =	ssyncset.done $0x0  }
0xa8: {  	[sflag:s5] =	ssyncadd.s32 $0xFFFFC000  }
0xa9: {  	[spmem:s2] =	stream.indirect.scatter.add.f32 [tilespmem:s12], [sflag:$0x5], $0x40, s6, s13, $0xb8;
	[tilespmem:$0x1D980] =	vst v63  }
0xaa: {  	_ = 	snop  }
0xab: {  	[spmem:s2] =	stream.indirect.scatter.add.f32 [tilespmem:s18], [sflag:$0x5], $0x40, s8, s13, $0xb8;
	[tilespmem:$0x1D980] =	vst v63  }
0xac: {  	_ =	swait.ge [sflag:s31], $0x4000  }
0xad: {  	s16 =	sadd.s32 $0xFFFFF640, s15;
	[sflag:s31] =	ssyncset.done $0x0  }
0xae: {  	s9 =	sadd.s32 $0xA00, s16;
	s28 =	sadd.s32 $0xFFFFF640, s14;
	[sflag:s31] =	ssyncadd.s32 $0xFFFFC000  }
0xaf: {  	[tilespmem:s0], [sflag:$0x1] =	stream.linear.gather [hbm4b:s9+s4], $0x100, $0x38;
	[tilespmem:$0x1D980] =	vst v63  }
0xb0: {  	s24 =	sadd.s32 $0xA00, s28  }
0xb1: {  	[tilespmem:s6], [sflag:$0x1] =	stream.linear.gather [hbm4b:s24+s4], $0x100, $0x38;
	[tilespmem:$0x1D980] =	vst v63  }
0xb2: {  	_ =	swait.ge [sflag:s7], $0x100  }
0xb3: {  	[sflag:s7] =	ssyncset.done $0x0  }
0xb4: {  	[sflag:s7] =	ssyncadd.s32 $0xFFFFFF00  }
0xb5: {  	_ =	swait.ge [sflag:s7], $0x100  }
0xb6: {  	[sflag:s7] =	ssyncset.done $0x0  }
0xb7: {  	[sflag:s7] =	ssyncadd.s32 $0xFFFFFF00  }
0xb8: {  	[tilespmem:s12], [sflag:$0x3] =	stream.indirect.gather [spmem:s3], $0x40, s0, s13, $0xb8;
	[tilespmem:$0x1D980] =	vst v63  }
0xb9: {  	_ = 	snop  }
0xba: {  	[tilespmem:s18], [sflag:$0x3] =	stream.indirect.gather [spmem:s3], $0x40, s19, s13, $0xb8;
	[tilespmem:$0x1D980] =	vst v63  }
0xbb: {  	_ =	swait.ge [sflag:s10], $0x4000  }
0xbc: {  	[sflag:s10] =	ssyncset.done $0x0  }
0xbd: {  	[sflag:s10] =	ssyncadd.s32 $0xFFFFC000  }
0xbe: {  	[spmem:s2] =	stream.indirect.scatter.add.f32 [tilespmem:s23], [sflag:$0x6], $0x40, s21, s13, $0xb8;
	[tilespmem:$0x1D980] =	vst v63  }
0xbf: {  	_ = 	snop  }
0xc0: {  	[spmem:s2] =	stream.indirect.scatter.add.f32 [tilespmem:s29], [sflag:$0x6], $0x40, s11, s13, $0xb8;
	[tilespmem:$0x1D980] =	vst v63  }
0xc1: {  	_ =	swait.ge [sflag:s1], $0x4000  }
0xc2: {  	[sflag:s1] =	ssyncset.done $0x0  }
0xc3: {  	s16 =	sadd.s32 $0xA20, s16;
	[sflag:s1] =	ssyncadd.s32 $0xFFFFC000  }
0xc4: {  	[tilespmem:s20], [sflag:$0x2] =	stream.linear.gather [hbm4b:s16+s4], $0x100, $0x38;
	[tilespmem:$0x1D980] =	vst v63  }
0xc5: {  	s24 =	simm.s32 $0xFFFFF680;
	s16 =	sadd.s32 $0xA20, s28  }
.LBB2_6:
0xc6: {  	[tilespmem:s21], [sflag:$0x2] =	stream.linear.gather [hbm4b:s16+s4], $0x100, $0x38;
	[tilespmem:$0x1D980] =	vst v63  }
0xc7: {  	s16 =	smov.u32 s24  }
0xc8: {  	p1 =	sne.s32 s24, $0xFFFFFFC0;
	s24 =	sadd.s32 $0x40, s24;
	_ =	swait.ge [sflag:s22], $0x100  }
0xc9: {  	[sflag:s22] =	ssyncset.done $0x0  }
0xca: {  	[sflag:s22] =	ssyncadd.s32 $0xFFFFFF00  }
0xcb: {  	_ =	swait.ge [sflag:s22], $0x100  }
0xcc: {  	[sflag:s22] =	ssyncset.done $0x0  }
0xcd: {  	[sflag:s22] =	ssyncadd.s32 $0xFFFFFF00  }
0xce: {  	[tilespmem:s23], [sflag:$0x4] =	stream.indirect.gather [spmem:s3], $0x40, s20, s13, $0xb8;
	[tilespmem:$0x1D980] =	vst v63  }
0xcf: {  	_ = 	snop  }
0xd0: {  	[tilespmem:s29], [sflag:$0x4] =	stream.indirect.gather [spmem:s3], $0x40, s25, s13, $0xb8;
	[tilespmem:$0x1D980] =	vst v63  }
0xd1: {  	_ =	swait.ge [sflag:s5], $0x4000  }
0xd2: {  	[sflag:s5] =	ssyncset.done $0x0  }
0xd3: {  	[sflag:s5] =	ssyncadd.s32 $0xFFFFC000  }
0xd4: {  	[spmem:s2] =	stream.indirect.scatter.add.f32 [tilespmem:s12], [sflag:$0x5], $0x40, s6, s13, $0xb8;
	[tilespmem:$0x1D980] =	vst v63  }
0xd5: {  	_ = 	snop  }
0xd6: {  	[spmem:s2] =	stream.indirect.scatter.add.f32 [tilespmem:s18], [sflag:$0x5], $0x40, s8, s13, $0xb8;
	[tilespmem:$0x1D980] =	vst v63  }
0xd7: {  	_ =	swait.ge [sflag:s31], $0x4000  }
0xd8: {  	s17 =	sadd.s32 s16, s15;
	[sflag:s31] =	ssyncset.done $0x0  }
0xd9: {  	s16 =	sadd.s32 s16, s14;
	s28 =	sadd.s32 $0xA00, s17;
	[sflag:s31] =	ssyncadd.s32 $0xFFFFC000  }
0xda: {  	[tilespmem:s0], [sflag:$0x1] =	stream.linear.gather [hbm4b:s28+s4], $0x100, $0x38;
	[tilespmem:$0x1D980] =	vst v63  }
0xdb: {  	s28 =	sadd.s32 $0xA00, s16  }
0xdc: {  	[tilespmem:s6], [sflag:$0x1] =	stream.linear.gather [hbm4b:s28+s4], $0x100, $0x38;
	[tilespmem:$0x1D980] =	vst v63  }
0xdd: {  	_ =	swait.ge [sflag:s7], $0x100  }
0xde: {  	[sflag:s7] =	ssyncset.done $0x0  }
0xdf: {  	[sflag:s7] =	ssyncadd.s32 $0xFFFFFF00  }
0xe0: {  	_ =	swait.ge [sflag:s7], $0x100  }
0xe1: {  	[sflag:s7] =	ssyncset.done $0x0  }
0xe2: {  	[sflag:s7] =	ssyncadd.s32 $0xFFFFFF00  }
0xe3: {  	[tilespmem:s12], [sflag:$0x3] =	stream.indirect.gather [spmem:s3], $0x40, s0, s13, $0xb8;
	[tilespmem:$0x1D980] =	vst v63  }
0xe4: {  	_ = 	snop  }
0xe5: {  	[tilespmem:s18], [sflag:$0x3] =	stream.indirect.gather [spmem:s3], $0x40, s19, s13, $0xb8;
	[tilespmem:$0x1D980] =	vst v63  }
0xe6: {  	_ =	swait.ge [sflag:s10], $0x4000  }
0xe7: {  	[sflag:s10] =	ssyncset.done $0x0  }
0xe8: {  	[sflag:s10] =	ssyncadd.s32 $0xFFFFC000  }
0xe9: {  	[spmem:s2] =	stream.indirect.scatter.add.f32 [tilespmem:s23], [sflag:$0x6], $0x40, s21, s13, $0xb8;
	[tilespmem:$0x1D980] =	vst v63  }
0xea: {  	_ = 	snop  }
0xeb: {  	[spmem:s2] =	stream.indirect.scatter.add.f32 [tilespmem:s29], [sflag:$0x6], $0x40, s11, s13, $0xb8;
	[tilespmem:$0x1D980] =	vst v63  }
.Ltmp3:
0xec: {  	_ =	swait.ge [sflag:s1], $0x4000;
	(pc) =	sbr.rel @p1 .LBB2_6-.Ltmp3, $4  }
0xed: {  	[sflag:s1] =	ssyncset.done $0x0  }
0xee: {  	s17 =	sadd.s32 $0xA20, s17;
	[sflag:s1] =	ssyncadd.s32 $0xFFFFC000  }
0xef: {  	[tilespmem:s20], [sflag:$0x2] =	stream.linear.gather [hbm4b:s17+s4], $0x100, $0x38;
	[tilespmem:$0x1D980] =	vst v63  }
0xf0: {  	s16 =	sadd.s32 $0xA20, s16  }
.Ltmp4:
0xf1: {  	_ = 	snop;
	(pc) =	sbr.rel .LBB2_7-.Ltmp4, $1  }
0xf2: {  	_ =	sdelay $0x3  }
.LBB2_2:
0xf3: {  	s9 =	rddreg [dreg:$0xc]  }
0xf4: {  	[spmem:s16], [sflag:s17] =	dma.local [hbm:s9], $0x13C0  }
0xf5: {  	_ =	swait.ge [sflag:s31], $0x13C0  }
0xf6: {  	[sflag:s31] =	ssyncset.done $0x0  }
0xf7: {  	[sflag:s31] =	ssyncadd.s32 $0xFFFFEC40  }
0xf8: {  	_ =	swait.ge [sflag:s1], $0x13C0  }
0xf9: {  	[sflag:s1] =	ssyncset.done $0x0  }
0xfa: {  	[sflag:s1] =	ssyncadd.s32 $0xFFFFEC40  }
0xfb: {  	[bflag:$0x0] =	sbarrier.arrive $0xFFFF  }
0xfc: {  	[tilespmem:s0], [sflag:$0x1] =	stream.linear.gather [hbm4b:s14+s4], $0x100, $0x38;
	[tilespmem:$0x1D980] =	vst v63  }
0xfd: {  	_ = 	snop  }
0xfe: {  	[tilespmem:s6], [sflag:$0x1] =	stream.linear.gather [hbm4b:s15+s4], $0x100, $0x38;
	[tilespmem:$0x1D980] =	vst v63  }
0xff: {  	_ =	swait.ge [sflag:s7], $0x100  }
0x100: {  	[sflag:s7] =	ssyncset.done $0x0  }
0x101: {  	[sflag:s7] =	ssyncadd.s32 $0xFFFFFF00  }
0x102: {  	_ =	swait.ge [sflag:s7], $0x100  }
0x103: {  	[sflag:s7] =	ssyncset.done $0x0  }
0x104: {  	[sflag:s7] =	ssyncadd.s32 $0xFFFFFF00  }
0x105: {  	[tilespmem:s12], [sflag:$0x3] =	stream.indirect.gather [spmem:s3], $0x40, s0, s13, $0xb8;
	[tilespmem:$0x1D980] =	vst v63  }
0x106: {  	_ = 	snop  }
0x107: {  	[tilespmem:s18], [sflag:$0x3] =	stream.indirect.gather [spmem:s3], $0x40, s19, s13, $0xb8;
	[tilespmem:$0x1D980] =	vst v63  }
0x108: {  	s24 =	rddreg [dreg:$0xd]  }
0x109: {  	[tilespmem:s20], [sflag:$0x2] =	stream.linear.gather [hbm4b:s24+s4], $0x100, $0x38;
	[tilespmem:$0x1D980] =	vst v63  }
0x10a: {  	s28 =	rddreg [dreg:$0xe]  }
0x10b: {  	[tilespmem:s21], [sflag:$0x2] =	stream.linear.gather [hbm4b:s28+s4], $0x100, $0x38;
	[tilespmem:$0x1D980] =	vst v63  }
0x10c: {  	_ =	swait.ge [sflag:s22], $0x100  }
0x10d: {  	[sflag:s22] =	ssyncset.done $0x0  }
0x10e: {  	[sflag:s22] =	ssyncadd.s32 $0xFFFFFF00  }
0x10f: {  	_ =	swait.ge [sflag:s22], $0x100  }
0x110: {  	[sflag:s22] =	ssyncset.done $0x0  }
0x111: {  	[sflag:s22] =	ssyncadd.s32 $0xFFFFFF00  }
0x112: {  	[tilespmem:s23], [sflag:$0x4] =	stream.indirect.gather [spmem:s3], $0x40, s20, s13, $0xb8;
	[tilespmem:$0x1D980] =	vst v63  }
0x113: {  	_ = 	snop  }
0x114: {  	[tilespmem:s29], [sflag:$0x4] =	stream.indirect.gather [spmem:s3], $0x40, s25, s13, $0xb8;
	[tilespmem:$0x1D980] =	vst v63  }
0x115: {  	_ =	swait.ge [sflag:s5], $0x4000  }
0x116: {  	[sflag:s5] =	ssyncset.done $0x0  }
0x117: {  	[sflag:s5] =	ssyncadd.s32 $0xFFFFC000  }
0x118: {  	[spmem:s2] =	stream.indirect.scatter.add.f32 [tilespmem:s12], [sflag:$0x5], $0x40, s6, s13, $0xb8;
	[tilespmem:$0x1D980] =	vst v63  }
0x119: {  	_ = 	snop  }
0x11a: {  	[spmem:s2] =	stream.indirect.scatter.add.f32 [tilespmem:s18], [sflag:$0x5], $0x40, s8, s13, $0xb8;
	[tilespmem:$0x1D980] =	vst v63  }
0x11b: {  	_ =	swait.ge [sflag:s31], $0x4000  }
0x11c: {  	s16 =	sadd.s32 $0xFFFFF640, s14;
	[sflag:s31] =	ssyncset.done $0x0  }
0x11d: {  	s9 =	sadd.s32 $0xA00, s16;
	s28 =	sadd.s32 $0xFFFFF640, s15;
	[sflag:s31] =	ssyncadd.s32 $0xFFFFC000  }
0x11e: {  	[tilespmem:s0], [sflag:$0x1] =	stream.linear.gather [hbm4b:s9+s4], $0x100, $0x38;
	[tilespmem:$0x1D980] =	vst v63  }
0x11f: {  	s24 =	sadd.s32 $0xA00, s28  }
0x120: {  	[tilespmem:s6], [sflag:$0x1] =	stream.linear.gather [hbm4b:s24+s4], $0x100, $0x38;
	[tilespmem:$0x1D980] =	vst v63  }
0x121: {  	_ =	swait.ge [sflag:s7], $0x100  }
0x122: {  	[sflag:s7] =	ssyncset.done $0x0  }
0x123: {  	[sflag:s7] =	ssyncadd.s32 $0xFFFFFF00  }
0x124: {  	_ =	swait.ge [sflag:s7], $0x100  }
0x125: {  	[sflag:s7] =	ssyncset.done $0x0  }
0x126: {  	[sflag:s7] =	ssyncadd.s32 $0xFFFFFF00  }
0x127: {  	[tilespmem:s12], [sflag:$0x3] =	stream.indirect.gather [spmem:s3], $0x40, s0, s13, $0xb8;
	[tilespmem:$0x1D980] =	vst v63  }
0x128: {  	_ = 	snop  }
0x129: {  	[tilespmem:s18], [sflag:$0x3] =	stream.indirect.gather [spmem:s3], $0x40, s19, s13, $0xb8;
	[tilespmem:$0x1D980] =	vst v63  }
0x12a: {  	_ =	swait.ge [sflag:s10], $0x4000  }
0x12b: {  	[sflag:s10] =	ssyncset.done $0x0  }
0x12c: {  	[sflag:s10] =	ssyncadd.s32 $0xFFFFC000  }
0x12d: {  	[spmem:s2] =	stream.indirect.scatter.add.f32 [tilespmem:s23], [sflag:$0x6], $0x40, s21, s13, $0xb8;
	[tilespmem:$0x1D980] =	vst v63  }
0x12e: {  	_ = 	snop  }
0x12f: {  	[spmem:s2] =	stream.indirect.scatter.add.f32 [tilespmem:s29], [sflag:$0x6], $0x40, s11, s13, $0xb8;
	[tilespmem:$0x1D980] =	vst v63  }
0x130: {  	_ =	swait.ge [sflag:s1], $0x4000  }
0x131: {  	[sflag:s1] =	ssyncset.done $0x0  }
0x132: {  	s16 =	sadd.s32 $0xA20, s16;
	[sflag:s1] =	ssyncadd.s32 $0xFFFFC000  }
0x133: {  	[tilespmem:s20], [sflag:$0x2] =	stream.linear.gather [hbm4b:s16+s4], $0x100, $0x38;
	[tilespmem:$0x1D980] =	vst v63  }
0x134: {  	s24 =	simm.s32 $0xFFFFF680;
	s16 =	sadd.s32 $0xA20, s28  }
.LBB2_3:
0x135: {  	[tilespmem:s21], [sflag:$0x2] =	stream.linear.gather [hbm4b:s16+s4], $0x100, $0x38;
	[tilespmem:$0x1D980] =	vst v63  }
0x136: {  	s16 =	smov.u32 s24  }
0x137: {  	p1 =	seq.s32 s24, $0xFFFFFFC0;
	s24 =	sadd.s32 $0x40, s24;
	_ =	swait.ge [sflag:s22], $0x100  }
0x138: {  	[sflag:s22] =	ssyncset.done $0x0  }
0x139: {  	[sflag:s22] =	ssyncadd.s32 $0xFFFFFF00  }
0x13a: {  	_ =	swait.ge [sflag:s22], $0x100  }
0x13b: {  	[sflag:s22] =	ssyncset.done $0x0  }
0x13c: {  	[sflag:s22] =	ssyncadd.s32 $0xFFFFFF00  }
0x13d: {  	[tilespmem:s23], [sflag:$0x4] =	stream.indirect.gather [spmem:s3], $0x40, s20, s13, $0xb8;
	[tilespmem:$0x1D980] =	vst v63  }
0x13e: {  	_ = 	snop  }
0x13f: {  	[tilespmem:s29], [sflag:$0x4] =	stream.indirect.gather [spmem:s3], $0x40, s25, s13, $0xb8;
	[tilespmem:$0x1D980] =	vst v63  }
0x140: {  	_ =	swait.ge [sflag:s5], $0x4000  }
0x141: {  	[sflag:s5] =	ssyncset.done $0x0  }
0x142: {  	[sflag:s5] =	ssyncadd.s32 $0xFFFFC000  }
0x143: {  	[spmem:s2] =	stream.indirect.scatter.add.f32 [tilespmem:s12], [sflag:$0x5], $0x40, s6, s13, $0xb8;
	[tilespmem:$0x1D980] =	vst v63  }
0x144: {  	_ = 	snop  }
0x145: {  	[spmem:s2] =	stream.indirect.scatter.add.f32 [tilespmem:s18], [sflag:$0x5], $0x40, s8, s13, $0xb8;
	[tilespmem:$0x1D980] =	vst v63  }
0x146: {  	_ =	swait.ge [sflag:s31], $0x4000  }
0x147: {  	s17 =	sadd.s32 s16, s14;
	[sflag:s31] =	ssyncset.done $0x0  }
0x148: {  	s16 =	sadd.s32 s16, s15;
	s28 =	sadd.s32 $0xA00, s17;
	[sflag:s31] =	ssyncadd.s32 $0xFFFFC000  }
0x149: {  	[tilespmem:s0], [sflag:$0x1] =	stream.linear.gather [hbm4b:s28+s4], $0x100, $0x38;
	[tilespmem:$0x1D980] =	vst v63  }
0x14a: {  	s28 =	sadd.s32 $0xA00, s16  }
0x14b: {  	[tilespmem:s6], [sflag:$0x1] =	stream.linear.gather [hbm4b:s28+s4], $0x100, $0x38;
	[tilespmem:$0x1D980] =	vst v63  }
0x14c: {  	_ =	swait.ge [sflag:s7], $0x100  }
0x14d: {  	[sflag:s7] =	ssyncset.done $0x0  }
0x14e: {  	[sflag:s7] =	ssyncadd.s32 $0xFFFFFF00  }
0x14f: {  	_ =	swait.ge [sflag:s7], $0x100  }
0x150: {  	[sflag:s7] =	ssyncset.done $0x0  }
0x151: {  	[sflag:s7] =	ssyncadd.s32 $0xFFFFFF00  }
0x152: {  	[tilespmem:s12], [sflag:$0x3] =	stream.indirect.gather [spmem:s3], $0x40, s0, s13, $0xb8;
	[tilespmem:$0x1D980] =	vst v63  }
0x153: {  	_ = 	snop  }
0x154: {  	[tilespmem:s18], [sflag:$0x3] =	stream.indirect.gather [spmem:s3], $0x40, s19, s13, $0xb8;
	[tilespmem:$0x1D980] =	vst v63  }
0x155: {  	_ =	swait.ge [sflag:s10], $0x4000  }
0x156: {  	[sflag:s10] =	ssyncset.done $0x0  }
0x157: {  	[sflag:s10] =	ssyncadd.s32 $0xFFFFC000  }
0x158: {  	[spmem:s2] =	stream.indirect.scatter.add.f32 [tilespmem:s23], [sflag:$0x6], $0x40, s21, s13, $0xb8;
	[tilespmem:$0x1D980] =	vst v63  }
0x159: {  	_ = 	snop  }
0x15a: {  	[spmem:s2] =	stream.indirect.scatter.add.f32 [tilespmem:s29], [sflag:$0x6], $0x40, s11, s13, $0xb8;
	[tilespmem:$0x1D980] =	vst v63  }
.Ltmp5:
0x15b: {  	_ =	swait.ge [sflag:s1], $0x4000;
	(pc) =	sbr.rel @!p1 .LBB2_3-.Ltmp5, $4  }
0x15c: {  	[sflag:s1] =	ssyncset.done $0x0  }
0x15d: {  	s17 =	sadd.s32 $0xA20, s17;
	[sflag:s1] =	ssyncadd.s32 $0xFFFFC000  }
0x15e: {  	[tilespmem:s20], [sflag:$0x2] =	stream.linear.gather [hbm4b:s17+s4], $0x100, $0x38;
	[tilespmem:$0x1D980] =	vst v63  }
0x15f: {  	s16 =	sadd.s32 $0xA20, s16  }
0x160: {  	[tilespmem:s21], [sflag:$0x2] =	stream.linear.gather [hbm4b:s16+s4], $0x100, $0x38;
	[tilespmem:$0x1D980] =	vst v63  }
0x161: {  	s17 =	rddreg [dreg:$0xb]  }
0x162: {  	s16 =	rddreg [dreg:$0x5]  }
0x163: {  	s9 =	rddreg [dreg:$0x16]  }
.Ltmp6:
0x164: {  	s24 =	rddreg [dreg:$0xf];
	(pc) =	sbr.rel .LBB2_8-.Ltmp6, $4  }
0x165: {  	s28 =	rddreg [dreg:$0x19]  }
0x166: {  	[dreg:$0x1d] =	wrdreg s9  }
0x167: {  	[dreg:$0x1c] =	wrdreg s24  }
0x168: {  	[dreg:$0x1b] =	wrdreg s28  }
.LBB2_9:
0x169: {  	_ =	sfence.sel $0x180000  }
0x16a: {  	[bflag:$0x0] =	sbarrier.arrive $0xFFFF  }
0x16b: {  	_ =	strace $0x90000047  }
0x16c: {  	s0 =	stileid.u32;
	[bflag:$0x2] =	sbarrier.arrive $0xFFFF  }
0x16d: {  	p0 =	sne.s32 s0, $0x0;
	s0 =	rddreg [dreg:$0x3]  }
0x16e: {  	s0 =	sadd.s32 @!p0 $0x100000, s0  }
0x16f: {  	[sflag:s0] =	ssyncadd.tile.s32 @!p0 $0x1;
	_ =	shalt  }
.Lfunc_end2:
_tile_overlayer_lowered:
.L_overlay_start_2:
0x170: {  	(tag) =	ssettag $0x2  }
0x171: {  	s0 =	rddreg [dreg:$0x0];
	s2 =	stileid.u32  }
0x172: {  	s1 =	rddreg [dreg:$0x1];
	p0 =	sne.s32 s2, $0x0  }
0x173: {  	s3 =	rddreg [dreg:$0x2];
	[bflag:$0x3] =	sbarrier.arrive $0xFFFF;
	s2 =	simm.s32 @!p0 $0x1C07  }
0x174: {  	[timem:s3], [sflag:s2] =	dma.local @!p0 [hbm:s0], s1  }
0x175: {  	s0 =	simm.s32 @!p0 $0x7  }
0x176: {  	_ =	swait.ge @!p0 [sflag:s0], s1  }
0x177: {  	s1 =	ssub.s32 @!p0 $0x0, s1;
	[sflag:s0] =	ssyncset.done @!p0 $0x0  }
0x178: {  	[sflag:s0] =	ssyncadd.s32 @!p0 s1  }
0x179: {  	[bflag:$0x3] =	sbarrier.arrive $0xFFFF  }
0x17a: {  	_ =	shalt  }

</sc_bundles>
